<compile_context>
chip_gen: v7x
topology: tpu7x:2x2x1
jax: 0.10.2.dev20260603
libtpu: 0.0.44.dev20260713+nightly
codegen_flags: <defaults>
</compile_context>

<pallas_src>
import functools

import jax
import jax.numpy as jnp
from jax import lax
from jax.experimental import pallas as pl
from jax.experimental.pallas import tpu as pltpu
from jax.experimental.pallas import tpu_sc as plsc

N_NODES = 10000
N_EDGES = 320000
D_IN = 128
D_EDGE = 16
HIDDEN = 64

NC = 2
NS = 16
L = 16
NW = NC * NS
E_PER_W = N_EDGES // NW
CHUNK = 80
N_CHUNKS = E_PER_W // CHUNK
N_CH_TOT = N_EDGES // CHUNK
N_ACC_CH = N_NODES // CHUNK
CNT_PAD = 10240
CNT_W = 8
N_CNT_CH = CNT_PAD // CHUNK
MLP_BLOCK = 8000


def _mlp_body(ef_ref, w1_ref, b1_ref, w2_ref, b2_ref, out_ref):
    h = jnp.dot(ef_ref[...], w1_ref[...], preferred_element_type=jnp.float32)
    h = jnp.maximum(h + b1_ref[...], 0.0)
    out_ref[...] = (
        jnp.dot(h.astype(jnp.bfloat16), w2_ref[...],
                preferred_element_type=jnp.float32)
        + b2_ref[...]
    )


def _edge_weights(edgefeats, W1, b1, W2, b2):
    grid = N_EDGES // MLP_BLOCK
    return pl.pallas_call(
        _mlp_body,
        grid=(grid,),
        in_specs=[
            pl.BlockSpec((MLP_BLOCK, D_EDGE), lambda i: (i, 0)),
            pl.BlockSpec((D_EDGE, HIDDEN), lambda i: (0, 0)),
            pl.BlockSpec((1, HIDDEN), lambda i: (0, 0)),
            pl.BlockSpec((HIDDEN, D_IN), lambda i: (0, 0)),
            pl.BlockSpec((1, D_IN), lambda i: (0, 0)),
        ],
        out_specs=pl.BlockSpec((MLP_BLOCK, D_IN), lambda i: (i, 0)),
        out_shape=jax.ShapeDtypeStruct((N_EDGES, D_IN), jnp.float32),
    )(
        edgefeats.astype(jnp.bfloat16),
        W1.astype(jnp.bfloat16),
        b1.reshape(1, HIDDEN),
        W2.astype(jnp.bfloat16),
        b2.reshape(1, D_IN),
    )


def _sc_body(x_hbm, w_hbm, pk_hbm, psum_hbm, cnt_hbm,
             pk_a, pk_b, gidx_a, gidx_b, sdst_a, sdst_b,
             w_a, w_b, sel_a, sel_b, ones_v, czero_v,
             acc_sh, cnt_sh,
             s_pk_a, s_pk_b, s_w_a, s_w_b, s_g_a, s_g_b,
             s_sc_a, s_sc_b, s_ct_a, s_ct_b):
    cid = lax.axis_index("c")
    sid = lax.axis_index("s")
    wid = sid * NC + cid
    base = wid * N_CHUNKS

    def unpack_idx(pk, gidx, sdst):
        for k in range(CHUNK // L):
            s = pl.ds(k * L, L)
            gidx[s] = pk[0, s]
            sdst[s] = pk[1, s]

    def multiply(sel, w):
        @pl.loop(0, CHUNK)
        def _(r):
            for c in range(D_IN // L):
                s = pl.ds(c * L, L)
                sel[r, s] = sel[r, s] * w[r, s]

    def start_gather(gidx, sel, s_g):
        pltpu.async_copy(x_hbm.at[gidx], sel, s_g)

    def wait_gather(gidx, sel, s_g):
        pltpu.make_async_copy(x_hbm.at[gidx], sel, s_g).wait()

    def start_scatter(sel, sdst, s_sc, s_ct):
        pltpu.async_copy(sel, acc_sh.at[sdst], s_sc, add=True)
        pltpu.async_copy(ones_v, cnt_sh.at[sdst], s_ct, add=True)

    def wait_scatter(sel, sdst, s_sc, s_ct):
        pltpu.make_async_copy(sel, acc_sh.at[sdst], s_sc).wait()
        pltpu.make_async_copy(ones_v, cnt_sh.at[sdst], s_ct).wait()

    def start_w(c, w, s_w):
        pltpu.async_copy(w_hbm.at[pl.ds(c * CHUNK, CHUNK)], w, s_w)

    def wait_w(w, s_w):
        pltpu.make_async_copy(w_hbm.at[pl.ds(0, CHUNK)], w, s_w).wait()

    def start_pk(c, pk, s_pk):
        pltpu.async_copy(pk_hbm.at[c], pk, s_pk)

    def wait_pk(pk, s_pk):
        pltpu.make_async_copy(pk_hbm.at[0], pk, s_pk).wait()

    start_pk(base, pk_a, s_pk_a)
    start_pk(base + 1, pk_b, s_pk_b)
    start_w(base, w_a, s_w_a)
    start_w(base + 1, w_b, s_w_b)

    @pl.loop(0, CHUNK)
    def _(r):
        for c in range(D_IN // L):
            sel_a[r, pl.ds(c * L, L)] = jnp.zeros((L,), jnp.float32)

    @pl.loop(0, CHUNK)
    def _(r):
        ones_v[r] = jnp.ones((CNT_W,), jnp.float32)
        czero_v[r] = jnp.zeros((CNT_W,), jnp.float32)

    @pl.loop(sid, N_ACC_CH, step=NS)
    def _(j):
        pltpu.sync_copy(sel_a, acc_sh.at[pl.ds(j * CHUNK, CHUNK)])

    @pl.loop(sid, N_CNT_CH, step=NS)
    def _(j):
        pltpu.sync_copy(czero_v, cnt_sh.at[pl.ds(j * CHUNK, CHUNK)])

    plsc.subcore_barrier()

    wait_pk(pk_a, s_pk_a)
    unpack_idx(pk_a, gidx_a, sdst_a)
    start_pk(base + 2, pk_a, s_pk_a)
    start_gather(gidx_a, sel_a, s_g_a)

    wait_pk(pk_b, s_pk_b)
    unpack_idx(pk_b, gidx_b, sdst_b)
    start_gather(gidx_b, sel_b, s_g_b)

    wait_w(w_a, s_w_a)
    wait_gather(gidx_a, sel_a, s_g_a)
    multiply(sel_a, w_a)
    start_scatter(sel_a, sdst_a, s_sc_a, s_ct_a)
    start_w(base + 2, w_a, s_w_a)

    wait_w(w_b, s_w_b)
    wait_gather(gidx_b, sel_b, s_g_b)
    multiply(sel_b, w_b)
    start_scatter(sel_b, sdst_b, s_sc_b, s_ct_b)

    def steady(c, pk, gidx, sdst, w, sel, s_pk, s_w, s_g, s_sc, s_ct,
               pk_o, w_o, s_pk_o, s_w_o):
        wait_scatter(sel, sdst, s_sc, s_ct)
        wait_pk(pk, s_pk)
        unpack_idx(pk, gidx, sdst)
        start_pk(c + 1, pk_o, s_pk_o)
        start_gather(gidx, sel, s_g)
        start_w(c + 1, w_o, s_w_o)
        wait_w(w, s_w)
        wait_gather(gidx, sel, s_g)
        multiply(sel, w)
        start_scatter(sel, sdst, s_sc, s_ct)

    @pl.loop(base + 2, base + N_CHUNKS - 1, step=2)
    def _(c):
        steady(c, pk_a, gidx_a, sdst_a, w_a, sel_a,
               s_pk_a, s_w_a, s_g_a, s_sc_a, s_ct_a,
               pk_b, w_b, s_pk_b, s_w_b)
        steady(c + 1, pk_b, gidx_b, sdst_b, w_b, sel_b,
               s_pk_b, s_w_b, s_g_b, s_sc_b, s_ct_b,
               pk_a, w_a, s_pk_a, s_w_a)

    wait_scatter(sel_a, sdst_a, s_sc_a, s_ct_a)
    wait_pk(pk_a, s_pk_a)
    unpack_idx(pk_a, gidx_a, sdst_a)
    start_gather(gidx_a, sel_a, s_g_a)
    wait_w(w_a, s_w_a)
    wait_gather(gidx_a, sel_a, s_g_a)
    multiply(sel_a, w_a)
    start_scatter(sel_a, sdst_a, s_sc_a, s_ct_a)

    wait_scatter(sel_b, sdst_b, s_sc_b, s_ct_b)
    wait_scatter(sel_a, sdst_a, s_sc_a, s_ct_a)

    plsc.subcore_barrier()

    @pl.loop(sid, N_ACC_CH, step=NS)
    def _(j):
        r0 = j * CHUNK
        pltpu.sync_copy(acc_sh.at[pl.ds(r0, CHUNK)], sel_a)
        pltpu.sync_copy(sel_a, psum_hbm.at[cid, pl.ds(r0, CHUNK)])

    @pl.loop(sid, N_CNT_CH, step=NS)
    def _(j):
        r0 = j * CHUNK
        pltpu.sync_copy(cnt_sh.at[pl.ds(r0, CHUNK)], czero_v)
        pltpu.sync_copy(czero_v, cnt_hbm.at[cid, pl.ds(r0, CHUNK)])


_sc_aggregate = functools.partial(
    pl.kernel,
    out_type=(
        jax.ShapeDtypeStruct((NC, N_NODES, D_IN), jnp.float32),
        jax.ShapeDtypeStruct((NC, CNT_PAD, CNT_W), jnp.float32),
    ),
    mesh=plsc.VectorSubcoreMesh(core_axis_name="c", subcore_axis_name="s"),
    compiler_params=pltpu.CompilerParams(use_tc_tiling_on_sc=False),
    scratch_types=[
        pltpu.VMEM((2, CHUNK), jnp.int32),
        pltpu.VMEM((2, CHUNK), jnp.int32),
        pltpu.VMEM((CHUNK,), jnp.int32),
        pltpu.VMEM((CHUNK,), jnp.int32),
        pltpu.VMEM((CHUNK,), jnp.int32),
        pltpu.VMEM((CHUNK,), jnp.int32),
        pltpu.VMEM((CHUNK, D_IN), jnp.float32),
        pltpu.VMEM((CHUNK, D_IN), jnp.float32),
        pltpu.VMEM((CHUNK, D_IN), jnp.float32),
        pltpu.VMEM((CHUNK, D_IN), jnp.float32),
        pltpu.VMEM((CHUNK, CNT_W), jnp.float32),
        pltpu.VMEM((CHUNK, CNT_W), jnp.float32),
        pltpu.VMEM_SHARED((N_NODES, D_IN), jnp.float32),
        pltpu.VMEM_SHARED((CNT_PAD, CNT_W), jnp.float32),
    ] + [pltpu.SemaphoreType.DMA] * 10,
)(_sc_body)


def _combine_body(p_ref, c_ref, o_ref):
    s = p_ref[0] + p_ref[1]
    c = c_ref[0] + c_ref[1]
    o_ref[...] = jnp.where(c > 0, s / jnp.maximum(c, 1.0), 0.0)


def _combine(psum, cnt):
    grid = 10
    rows = N_NODES // grid
    return pl.pallas_call(
        _combine_body,
        grid=(grid,),
        in_specs=[
            pl.BlockSpec((NC, rows, D_IN), lambda i: (0, i, 0)),
            pl.BlockSpec((NC, rows, 1), lambda i: (0, i, 0)),
        ],
        out_specs=pl.BlockSpec((rows, D_IN), lambda i: (i, 0)),
        out_shape=jax.ShapeDtypeStruct((N_NODES, D_IN), jnp.float32),
    )(psum, cnt)


def kernel(x, edgefeats, W1, b1, W2, b2, idxn, dst):
    weights = _edge_weights(edgefeats, W1, b1, W2, b2)
    packed = jnp.stack(
        [
            idxn.astype(jnp.int32).reshape(N_CH_TOT, CHUNK),
            dst.astype(jnp.int32).reshape(N_CH_TOT, CHUNK),
        ],
        axis=1,
    )
    psum, cnt = _sc_aggregate(x, weights, packed)
    return _combine(psum, cnt[:, :N_NODES, 0:1])

# --- scband reference (transcript-rebuilt; emitter-appended) ---
"""Pipeline reference for scband-graph-conv-module-86260123174004 (READ-ONLY COPY).

The authoritative reference and input builder live on the scoring server;
editing this copy changes nothing except your own understanding.
"""

import jax, jax.numpy as jnp
import numpy as np

N_NODES = 10000
N_EDGES = 320000
D_IN = 128
D_EDGE = 16
HIDDEN = 64

def setup_inputs(seed: int = 0) -> dict:
    key = jax.random.key(seed)
    ks = jax.random.split(key, 8)
    x = jax.random.normal(ks[0], (N_NODES, D_IN), dtype=jnp.float32)
    idxn = jax.random.randint(ks[1], (N_EDGES,), 0, N_NODES, dtype=jnp.int64 if jax.config.jax_enable_x64 else jnp.int32)
    dst = jnp.sort(jax.random.randint(ks[2], (N_EDGES,), 0, N_NODES, dtype=jnp.int64 if jax.config.jax_enable_x64 else jnp.int32))
    edgefeats = jax.random.normal(ks[3], (N_EDGES, D_EDGE), dtype=jnp.float32)
    # filter_net params: Linear(16,64) -> ReLU -> Linear(64,128)
    W1 = jax.random.normal(ks[4], (D_EDGE, HIDDEN), dtype=jnp.float32) * (1.0 / np.sqrt(D_EDGE))
    b1 = jnp.zeros((HIDDEN,), dtype=jnp.float32)
    W2 = jax.random.normal(ks[5], (HIDDEN, D_IN), dtype=jnp.float32) * (1.0 / np.sqrt(HIDDEN))
    b2 = jnp.zeros((D_IN,), dtype=jnp.float32)
    return {"x": x, "edgefeats": edgefeats, "W1": W1, "b1": b1, "W2": W2, "b2": b2, "idxn": idxn, "dst": dst}


def reference(x, edgefeats, W1, b1, W2, b2, idxn, dst):
    # filter_net: per-edge weights of size in_channels (diagonal / elementwise variant,
    # valid since in_channels == out_channels and weights.dim() == 2)
    h = jnp.maximum(edgefeats @ W1 + b1, 0.0)
    weights = h @ W2 + b2                      # [E, D_IN]
    # gather source node signals per edge (idxn)
    sel = jnp.take(x, idxn, axis=0)            # [E, D_IN]
    # edge operation: elementwise multiply (2D weight tensor path)
    products = sel * weights                   # [E, D_IN]
    # mean-aggregate over destination nodes (edges sorted by dst, degs encoded as segment ids)
    ssum = jax.ops.segment_sum(products, dst, num_segments=N_NODES)
    cnt = jax.ops.segment_sum(jnp.ones((N_EDGES,), dtype=jnp.float32), dst, num_segments=N_NODES)
    out = jnp.where(cnt[:, None] > 0, ssum / jnp.maximum(cnt, 1.0)[:, None], 0.0)
    return out

if __name__ == "__main__":
    import jax
    _d = setup_inputs()
    print(jax.jit(kernel)(*tuple(_d.values())))

</pallas_src>

<mosaic_0001>
#map = affine_map<(d0, d1) -> (0, 0)>
#map1 = affine_map<(d0, d1) -> (0, 0, 0)>
module attributes {stable_mosaic.version = 14 : i64} {
  func.func @_sc_body(%arg0: i32, %arg1: i32, %arg2: memref<10000x128xf32, #tpu.memory_space<hbm>>, %arg3: memref<320000x128xf32, #tpu.memory_space<hbm>>, %arg4: memref<4000x2x80xi32, #tpu.memory_space<hbm>>, %arg5: memref<2x10000x128xf32, #tpu.memory_space<hbm>>, %arg6: memref<2x10240x8xf32, #tpu.memory_space<hbm>>, %arg7: memref<2x80xi32, #tpu.memory_space<vmem>>, %arg8: memref<2x80xi32, #tpu.memory_space<vmem>>, %arg9: memref<80xi32, #tpu.memory_space<vmem>>, %arg10: memref<80xi32, #tpu.memory_space<vmem>>, %arg11: memref<80xi32, #tpu.memory_space<vmem>>, %arg12: memref<80xi32, #tpu.memory_space<vmem>>, %arg13: memref<80x128xf32, #tpu.memory_space<vmem>>, %arg14: memref<80x128xf32, #tpu.memory_space<vmem>>, %arg15: memref<80x128xf32, #tpu.memory_space<vmem>>, %arg16: memref<80x128xf32, #tpu.memory_space<vmem>>, %arg17: memref<80x8xf32, #tpu.memory_space<vmem>>, %arg18: memref<80x8xf32, #tpu.memory_space<vmem>>, %arg19: memref<10000x128xf32, #tpu.memory_space<vmem_shared>>, %arg20: memref<10240x8xf32, #tpu.memory_space<vmem_shared>>, %arg21: memref<!tpu.dma_semaphore, #tpu.memory_space<semaphore_mem>>, %arg22: memref<!tpu.dma_semaphore, #tpu.memory_space<semaphore_mem>>, %arg23: memref<!tpu.dma_semaphore, #tpu.memory_space<semaphore_mem>>, %arg24: memref<!tpu.dma_semaphore, #tpu.memory_space<semaphore_mem>>, %arg25: memref<!tpu.dma_semaphore, #tpu.memory_space<semaphore_mem>>, %arg26: memref<!tpu.dma_semaphore, #tpu.memory_space<semaphore_mem>>, %arg27: memref<!tpu.dma_semaphore, #tpu.memory_space<semaphore_mem>>, %arg28: memref<!tpu.dma_semaphore, #tpu.memory_space<semaphore_mem>>, %arg29: memref<!tpu.dma_semaphore, #tpu.memory_space<semaphore_mem>>, %arg30: memref<!tpu.dma_semaphore, #tpu.memory_space<semaphore_mem>>) attributes {dimension_semantics = [#tpu.dimension_semantics<core_parallel>, #tpu.dimension_semantics<subcore_parallel>], iteration_bounds = array<i64: 2, 16>, scalar_prefetch = 0 : i64, scratch_operands = 24 : i64, tpu.core_type = #tpu.core_type<sc_vector_subcore>, window_params = [{transform_indices = #map}, {transform_indices = #map}, {transform_indices = #map1}, {transform_indices = #map1}, {transform_indices = #map1}]} {
    %mul3A = arith.constant 2 : i32
    %mul3A_0 = arith.muli %arg1, %mul3A : i32
    %add3A = arith.addi %mul3A_0, %arg0 : i32
    %mul3A_1 = arith.constant 125 : i32
    %mul3A_2 = arith.muli %add3A, %mul3A_1 : i32
    %dma_start3A = arith.constant 0 : i32
    %dma_start3A_3 = arith.constant 0 : i32
    %dma_start3A_4 = tpu.memref_slice %arg4[%mul3A_2, %dma_start3A, %dma_start3A_3] : memref<4000x2x80xi32, #tpu.memory_space<hbm>> -> memref<1x2x80xi32, #tpu.memory_space<hbm>>
    %dma_start3A_5 = tpu.memref_squeeze %dma_start3A_4 : memref<1x2x80xi32, #tpu.memory_space<hbm>> -> memref<2x80xi32, #tpu.memory_space<hbm>>
    %dma_start3A_6 = arith.constant 0 : i32
    %dma_start3A_7 = arith.constant 0 : i32
    %dma_start3A_8 = tpu.memref_slice %arg4[%mul3A_2, %dma_start3A_6, %dma_start3A_7] : memref<4000x2x80xi32, #tpu.memory_space<hbm>> -> memref<1x2x80xi32, #tpu.memory_space<hbm>>
    %dma_start3A_9 = tpu.memref_squeeze %dma_start3A_8 : memref<1x2x80xi32, #tpu.memory_space<hbm>> -> memref<2x80xi32, #tpu.memory_space<hbm>>
    tpu.enqueue_dma source(%dma_start3A_9 : memref<2x80xi32, #tpu.memory_space<hbm>>) target(%arg7 : memref<2x80xi32, #tpu.memory_space<vmem>>) target_semaphore(%arg21 : memref<!tpu.dma_semaphore, #tpu.memory_space<semaphore_mem>>)
    %add3A_10 = arith.constant 1 : i32
    %add3A_11 = arith.addi %mul3A_2, %add3A_10 : i32
    %dma_start3A_12 = arith.constant 0 : i32
    %dma_start3A_13 = arith.constant 0 : i32
    %dma_start3A_14 = tpu.memref_slice %arg4[%add3A_11, %dma_start3A_12, %dma_start3A_13] : memref<4000x2x80xi32, #tpu.memory_space<hbm>> -> memref<1x2x80xi32, #tpu.memory_space<hbm>>
    %dma_start3A_15 = tpu.memref_squeeze %dma_start3A_14 : memref<1x2x80xi32, #tpu.memory_space<hbm>> -> memref<2x80xi32, #tpu.memory_space<hbm>>
    %dma_start3A_16 = arith.constant 0 : i32
    %dma_start3A_17 = arith.constant 0 : i32
    %dma_start3A_18 = tpu.memref_slice %arg4[%add3A_11, %dma_start3A_16, %dma_start3A_17] : memref<4000x2x80xi32, #tpu.memory_space<hbm>> -> memref<1x2x80xi32, #tpu.memory_space<hbm>>
    %dma_start3A_19 = tpu.memref_squeeze %dma_start3A_18 : memref<1x2x80xi32, #tpu.memory_space<hbm>> -> memref<2x80xi32, #tpu.memory_space<hbm>>
    tpu.enqueue_dma source(%dma_start3A_19 : memref<2x80xi32, #tpu.memory_space<hbm>>) target(%arg8 : memref<2x80xi32, #tpu.memory_space<vmem>>) target_semaphore(%arg22 : memref<!tpu.dma_semaphore, #tpu.memory_space<semaphore_mem>>)
    %mul3A_20 = arith.constant 80 : i32
    %mul3A_21 = arith.muli %mul3A_2, %mul3A_20 : i32
    %dma_start3A_22 = arith.constant 0 : i32
    %dma_start3A_23 = tpu.memref_slice %arg3[%mul3A_21, %dma_start3A_22] : memref<320000x128xf32, #tpu.memory_space<hbm>> -> memref<80x128xf32, #tpu.memory_space<hbm>>
    %dma_start3A_24 = arith.constant 0 : i32
    %dma_start3A_25 = tpu.memref_slice %arg3[%mul3A_21, %dma_start3A_24] : memref<320000x128xf32, #tpu.memory_space<hbm>> -> memref<80x128xf32, #tpu.memory_space<hbm>>
    tpu.enqueue_dma source(%dma_start3A_25 : memref<80x128xf32, #tpu.memory_space<hbm>>) target(%arg13 : memref<80x128xf32, #tpu.memory_space<vmem>>) target_semaphore(%arg23 : memref<!tpu.dma_semaphore, #tpu.memory_space<semaphore_mem>>)
    %add3A_26 = arith.constant 1 : i32
    %add3A_27 = arith.addi %mul3A_2, %add3A_26 : i32
    %mul3A_28 = arith.constant 80 : i32
    %mul3A_29 = arith.muli %add3A_27, %mul3A_28 : i32
    %dma_start3A_30 = arith.constant 0 : i32
    %dma_start3A_31 = tpu.memref_slice %arg3[%mul3A_29, %dma_start3A_30] : memref<320000x128xf32, #tpu.memory_space<hbm>> -> memref<80x128xf32, #tpu.memory_space<hbm>>
    %dma_start3A_32 = arith.constant 0 : i32
    %dma_start3A_33 = tpu.memref_slice %arg3[%mul3A_29, %dma_start3A_32] : memref<320000x128xf32, #tpu.memory_space<hbm>> -> memref<80x128xf32, #tpu.memory_space<hbm>>
    tpu.enqueue_dma source(%dma_start3A_33 : memref<80x128xf32, #tpu.memory_space<hbm>>) target(%arg14 : memref<80x128xf32, #tpu.memory_space<vmem>>) target_semaphore(%arg24 : memref<!tpu.dma_semaphore, #tpu.memory_space<semaphore_mem>>)
    %scan3A = arith.constant 0 : i32
    %scan3A_34 = arith.constant 80 : i32
    %scan3A_35 = arith.addi %scan3A, %scan3A_34 : i32
    %scan3A_36 = arith.constant 1 : i32
    scf.for %scan3A_535 = %scan3A to %scan3A_35 step %scan3A_36  : i32 {
      %mul3A_536 = arith.constant 1 : i32
      %mul3A_537 = arith.muli %scan3A_535, %mul3A_536 : i32
      %add3A_538 = arith.constant 0 : i32
      %add3A_539 = arith.addi %add3A_538, %mul3A_537 : i32
      %broadcast_in_dim3A = arith.constant 0.000000e+00 : f32
      %broadcast_in_dim3A_540 = vector.broadcast %broadcast_in_dim3A : f32 to vector<16xf32>
      %swap3A_541 = arith.index_cast %add3A_539 : i32 to index
      %swap3A_542 = arith.constant 0 : index
      %swap3A_543 = tpu.vector_load %arg15[%swap3A_541, %swap3A_542] {strides = array<i32>} : memref<80x128xf32, #tpu.memory_space<vmem>>, vector<1x16xf32>,
      %swap3A_544 = vector.shape_cast %swap3A_543 : vector<1x16xf32> to vector<16xf32>
      %swap3A_545 = vector.shape_cast %broadcast_in_dim3A_540 : vector<16xf32> to vector<1x16xf32>
      tpu.vector_store %arg15[%swap3A_541, %swap3A_542], %swap3A_545 {strides = array<i32>} : memref<80x128xf32, #tpu.memory_space<vmem>>, vector<1x16xf32>,
      %broadcast_in_dim3A_546 = arith.constant 0.000000e+00 : f32
      %broadcast_in_dim3A_547 = vector.broadcast %broadcast_in_dim3A_546 : f32 to vector<16xf32>
      %swap3A_548 = arith.index_cast %add3A_539 : i32 to index
      %swap3A_549 = arith.constant 16 : index
      %swap3A_550 = tpu.vector_load %arg15[%swap3A_548, %swap3A_549] {strides = array<i32>} : memref<80x128xf32, #tpu.memory_space<vmem>>, vector<1x16xf32>,
      %swap3A_551 = vector.shape_cast %swap3A_550 : vector<1x16xf32> to vector<16xf32>
      %swap3A_552 = vector.shape_cast %broadcast_in_dim3A_547 : vector<16xf32> to vector<1x16xf32>
      tpu.vector_store %arg15[%swap3A_548, %swap3A_549], %swap3A_552 {strides = array<i32>} : memref<80x128xf32, #tpu.memory_space<vmem>>, vector<1x16xf32>,
      %broadcast_in_dim3A_553 = arith.constant 0.000000e+00 : f32
      %broadcast_in_dim3A_554 = vector.broadcast %broadcast_in_dim3A_553 : f32 to vector<16xf32>
      %swap3A_555 = arith.index_cast %add3A_539 : i32 to index
      %swap3A_556 = arith.constant 32 : index
      %swap3A_557 = tpu.vector_load %arg15[%swap3A_555, %swap3A_556] {strides = array<i32>} : memref<80x128xf32, #tpu.memory_space<vmem>>, vector<1x16xf32>,
      %swap3A_558 = vector.shape_cast %swap3A_557 : vector<1x16xf32> to vector<16xf32>
      %swap3A_559 = vector.shape_cast %broadcast_in_dim3A_554 : vector<16xf32> to vector<1x16xf32>
      tpu.vector_store %arg15[%swap3A_555, %swap3A_556], %swap3A_559 {strides = array<i32>} : memref<80x128xf32, #tpu.memory_space<vmem>>, vector<1x16xf32>,
      %broadcast_in_dim3A_560 = arith.constant 0.000000e+00 : f32
      %broadcast_in_dim3A_561 = vector.broadcast %broadcast_in_dim3A_560 : f32 to vector<16xf32>
      %swap3A_562 = arith.index_cast %add3A_539 : i32 to index
      %swap3A_563 = arith.constant 48 : index
      %swap3A_564 = tpu.vector_load %arg15[%swap3A_562, %swap3A_563] {strides = array<i32>} : memref<80x128xf32, #tpu.memory_space<vmem>>, vector<1x16xf32>,
      %swap3A_565 = vector.shape_cast %swap3A_564 : vector<1x16xf32> to vector<16xf32>
      %swap3A_566 = vector.shape_cast %broadcast_in_dim3A_561 : vector<16xf32> to vector<1x16xf32>
      tpu.vector_store %arg15[%swap3A_562, %swap3A_563], %swap3A_566 {strides = array<i32>} : memref<80x128xf32, #tpu.memory_space<vmem>>, vector<1x16xf32>,
      %broadcast_in_dim3A_567 = arith.constant 0.000000e+00 : f32
      %broadcast_in_dim3A_568 = vector.broadcast %broadcast_in_dim3A_567 : f32 to vector<16xf32>
      %swap3A_569 = arith.index_cast %add3A_539 : i32 to index
      %swap3A_570 = arith.constant 64 : index
      %swap3A_571 = tpu.vector_load %arg15[%swap3A_569, %swap3A_570] {strides = array<i32>} : memref<80x128xf32, #tpu.memory_space<vmem>>, vector<1x16xf32>,
      %swap3A_572 = vector.shape_cast %swap3A_571 : vector<1x16xf32> to vector<16xf32>
      %swap3A_573 = vector.shape_cast %broadcast_in_dim3A_568 : vector<16xf32> to vector<1x16xf32>
      tpu.vector_store %arg15[%swap3A_569, %swap3A_570], %swap3A_573 {strides = array<i32>} : memref<80x128xf32, #tpu.memory_space<vmem>>, vector<1x16xf32>,
      %broadcast_in_dim3A_574 = arith.constant 0.000000e+00 : f32
      %broadcast_in_dim3A_575 = vector.broadcast %broadcast_in_dim3A_574 : f32 to vector<16xf32>
      %swap3A_576 = arith.index_cast %add3A_539 : i32 to index
      %swap3A_577 = arith.constant 80 : index
      %swap3A_578 = tpu.vector_load %arg15[%swap3A_576, %swap3A_577] {strides = array<i32>} : memref<80x128xf32, #tpu.memory_space<vmem>>, vector<1x16xf32>,
      %swap3A_579 = vector.shape_cast %swap3A_578 : vector<1x16xf32> to vector<16xf32>
      %swap3A_580 = vector.shape_cast %broadcast_in_dim3A_575 : vector<16xf32> to vector<1x16xf32>
      tpu.vector_store %arg15[%swap3A_576, %swap3A_577], %swap3A_580 {strides = array<i32>} : memref<80x128xf32, #tpu.memory_space<vmem>>, vector<1x16xf32>,
      %broadcast_in_dim3A_581 = arith.constant 0.000000e+00 : f32
      %broadcast_in_dim3A_582 = vector.broadcast %broadcast_in_dim3A_581 : f32 to vector<16xf32>
      %swap3A_583 = arith.index_cast %add3A_539 : i32 to index
      %swap3A_584 = arith.constant 96 : index
      %swap3A_585 = tpu.vector_load %arg15[%swap3A_583, %swap3A_584] {strides = array<i32>} : memref<80x128xf32, #tpu.memory_space<vmem>>, vector<1x16xf32>,
      %swap3A_586 = vector.shape_cast %swap3A_585 : vector<1x16xf32> to vector<16xf32>
      %swap3A_587 = vector.shape_cast %broadcast_in_dim3A_582 : vector<16xf32> to vector<1x16xf32>
      tpu.vector_store %arg15[%swap3A_583, %swap3A_584], %swap3A_587 {strides = array<i32>} : memref<80x128xf32, #tpu.memory_space<vmem>>, vector<1x16xf32>,
      %broadcast_in_dim3A_588 = arith.constant 0.000000e+00 : f32
      %broadcast_in_dim3A_589 = vector.broadcast %broadcast_in_dim3A_588 : f32 to vector<16xf32>
      %swap3A_590 = arith.index_cast %add3A_539 : i32 to index
      %swap3A_591 = arith.constant 112 : index
      %swap3A_592 = tpu.vector_load %arg15[%swap3A_590, %swap3A_591] {strides = array<i32>} : memref<80x128xf32, #tpu.memory_space<vmem>>, vector<1x16xf32>,
      %swap3A_593 = vector.shape_cast %swap3A_592 : vector<1x16xf32> to vector<16xf32>
      %swap3A_594 = vector.shape_cast %broadcast_in_dim3A_589 : vector<16xf32> to vector<1x16xf32>
      tpu.vector_store %arg15[%swap3A_590, %swap3A_591], %swap3A_594 {strides = array<i32>} : memref<80x128xf32, #tpu.memory_space<vmem>>, vector<1x16xf32>,
    }
    %scan3A_37 = arith.constant 80 : i32
    %scan3A_38 = arith.constant 0 : i32
    %scan3A_39 = arith.constant 80 : i32
    %scan3A_40 = arith.addi %scan3A_38, %scan3A_39 : i32
    %scan3A_41 = arith.constant 1 : i32
    scf.for %scan3A_535 = %scan3A_38 to %scan3A_40 step %scan3A_41  : i32 {
      %mul3A_536 = arith.constant 1 : i32
      %mul3A_537 = arith.muli %scan3A_535, %mul3A_536 : i32
      %add3A_538 = arith.constant 0 : i32
      %add3A_539 = arith.addi %add3A_538, %mul3A_537 : i32
      %broadcast_in_dim3A = arith.constant 1.000000e+00 : f32
      %broadcast_in_dim3A_540 = vector.broadcast %broadcast_in_dim3A : f32 to vector<8xf32>
      %swap3A_541 = arith.index_cast %add3A_539 : i32 to index
      %swap3A_542 = arith.constant 0 : index
      %swap3A_543 = tpu.vector_load %arg17[%swap3A_541, %swap3A_542] {strides = array<i32>} : memref<80x8xf32, #tpu.memory_space<vmem>>, vector<1x8xf32>,
      %swap3A_544 = vector.shape_cast %swap3A_543 : vector<1x8xf32> to vector<8xf32>
      %swap3A_545 = vector.shape_cast %broadcast_in_dim3A_540 : vector<8xf32> to vector<1x8xf32>
      tpu.vector_store %arg17[%swap3A_541, %swap3A_542], %swap3A_545 {strides = array<i32>} : memref<80x8xf32, #tpu.memory_space<vmem>>, vector<1x8xf32>,
      %broadcast_in_dim3A_546 = arith.constant 0.000000e+00 : f32
      %broadcast_in_dim3A_547 = vector.broadcast %broadcast_in_dim3A_546 : f32 to vector<8xf32>
      %swap3A_548 = arith.index_cast %add3A_539 : i32 to index
      %swap3A_549 = arith.constant 0 : index
      %swap3A_550 = tpu.vector_load %arg18[%swap3A_548, %swap3A_549] {strides = array<i32>} : memref<80x8xf32, #tpu.memory_space<vmem>>, vector<1x8xf32>,
      %swap3A_551 = vector.shape_cast %swap3A_550 : vector<1x8xf32> to vector<8xf32>
      %swap3A_552 = vector.shape_cast %broadcast_in_dim3A_547 : vector<8xf32> to vector<1x8xf32>
      tpu.vector_store %arg18[%swap3A_548, %swap3A_549], %swap3A_552 {strides = array<i32>} : memref<80x8xf32, #tpu.memory_space<vmem>>, vector<1x8xf32>,
    }
    %scan3A_42 = arith.constant 80 : i32
    %sub3A = arith.constant 125 : i32
    %sub3A_43 = arith.subi %sub3A, %arg1 : i32
    %sub3A_44 = arith.constant 16 : i32
    %sub3A_45 = arith.constant 1 : i32
    %sub3A_46 = arith.subi %sub3A_44, %sub3A_45 : i32
    %add3A_47 = arith.addi %sub3A_43, %sub3A_46 : i32
    %div3A = arith.constant 16 : i32
    %div3A_48 = arith.divsi %add3A_47, %div3A : i32
    %while3A = arith.constant 16 : i32
    %while3A_49 = arith.constant 0 : i32
    %while3A_50 = arith.subi %div3A_48, %while3A_49 : i32
    %while3A_51 = arith.addi %while3A_49, %while3A_50 : i32
    %while3A_52 = arith.constant 1 : i32
    %while3A_53 = arith.divsi %while3A_50, %while3A_52 : i32
    %while3A_54 = arith.muli %while3A_53, %while3A_52 : i32
    %while3A_55 = arith.addi %while3A_49, %while3A_54 : i32
    %while3A_56 = arith.constant 1 : i32
    scf.for %while3A_535 = %while3A_49 to %while3A_55 step %while3A_56  : i32 {
      %mul3A_536 = arith.muli %while3A_535, %while3A : i32
      %add3A_537 = arith.addi %arg1, %mul3A_536 : i32
      %mul3A_538 = arith.constant 80 : i32
      %mul3A_539 = arith.muli %add3A_537, %mul3A_538 : i32
      "tpu.region"() ({
        %run_scoped3A = tpu.sem_alloc : memref<!tpu.dma_semaphore, #tpu.memory_space<semaphore_mem>>
        %dma_start3A_540 = arith.constant 0 : i32
        %dma_start3A_541 = tpu.memref_slice %arg19[%mul3A_539, %dma_start3A_540] : memref<10000x128xf32, #tpu.memory_space<vmem_shared>> -> memref<80x128xf32, #tpu.memory_space<vmem_shared>>
        %dma_start3A_542 = arith.constant 0 : i32
        %dma_start3A_543 = tpu.memref_slice %arg19[%mul3A_539, %dma_start3A_542] : memref<10000x128xf32, #tpu.memory_space<vmem_shared>> -> memref<80x128xf32, #tpu.memory_space<vmem_shared>>
        tpu.enqueue_dma source(%arg15 : memref<80x128xf32, #tpu.memory_space<vmem>>) target(%dma_start3A_543 : memref<80x128xf32, #tpu.memory_space<vmem_shared>>) target_semaphore(%run_scoped3A : memref<!tpu.dma_semaphore, #tpu.memory_space<semaphore_mem>>)
        %dma_wait3A_544 = arith.constant 0 : i32
        %dma_wait3A_545 = tpu.memref_slice %arg19[%mul3A_539, %dma_wait3A_544] : memref<10000x128xf32, #tpu.memory_space<vmem_shared>> -> memref<80x128xf32, #tpu.memory_space<vmem_shared>>
        %dma_wait3A_546 = arith.constant 0 : i32
        %dma_wait3A_547 = tpu.memref_slice %arg19[%mul3A_539, %dma_wait3A_546] : memref<10000x128xf32, #tpu.memory_space<vmem_shared>> -> memref<80x128xf32, #tpu.memory_space<vmem_shared>>
        tpu.wait_dma2 semaphore(%run_scoped3A : memref<!tpu.dma_semaphore, #tpu.memory_space<semaphore_mem>>) src(%arg15 : memref<80x128xf32, #tpu.memory_space<vmem>>) dst(%dma_wait3A_547 : memref<80x128xf32, #tpu.memory_space<vmem_shared>>)
        tpu.yield
      }) : () -> ()
    }
    %while3A_57 = arith.constant 1 : i32
    scf.for %while3A_535 = %while3A_55 to %while3A_51 step %while3A_57  : i32 {
      %mul3A_536 = arith.muli %while3A_535, %while3A : i32
      %add3A_537 = arith.addi %arg1, %mul3A_536 : i32
      %mul3A_538 = arith.constant 80 : i32
      %mul3A_539 = arith.muli %add3A_537, %mul3A_538 : i32
      "tpu.region"() ({
        %run_scoped3A = tpu.sem_alloc : memref<!tpu.dma_semaphore, #tpu.memory_space<semaphore_mem>>
        %dma_start3A_540 = arith.constant 0 : i32
        %dma_start3A_541 = tpu.memref_slice %arg19[%mul3A_539, %dma_start3A_540] : memref<10000x128xf32, #tpu.memory_space<vmem_shared>> -> memref<80x128xf32, #tpu.memory_space<vmem_shared>>
        %dma_start3A_542 = arith.constant 0 : i32
        %dma_start3A_543 = tpu.memref_slice %arg19[%mul3A_539, %dma_start3A_542] : memref<10000x128xf32, #tpu.memory_space<vmem_shared>> -> memref<80x128xf32, #tpu.memory_space<vmem_shared>>
        tpu.enqueue_dma source(%arg15 : memref<80x128xf32, #tpu.memory_space<vmem>>) target(%dma_start3A_543 : memref<80x128xf32, #tpu.memory_space<vmem_shared>>) target_semaphore(%run_scoped3A : memref<!tpu.dma_semaphore, #tpu.memory_space<semaphore_mem>>)
        %dma_wait3A_544 = arith.constant 0 : i32
        %dma_wait3A_545 = tpu.memref_slice %arg19[%mul3A_539, %dma_wait3A_544] : memref<10000x128xf32, #tpu.memory_space<vmem_shared>> -> memref<80x128xf32, #tpu.memory_space<vmem_shared>>
        %dma_wait3A_546 = arith.constant 0 : i32
        %dma_wait3A_547 = tpu.memref_slice %arg19[%mul3A_539, %dma_wait3A_546] : memref<10000x128xf32, #tpu.memory_space<vmem_shared>> -> memref<80x128xf32, #tpu.memory_space<vmem_shared>>
        tpu.wait_dma2 semaphore(%run_scoped3A : memref<!tpu.dma_semaphore, #tpu.memory_space<semaphore_mem>>) src(%arg15 : memref<80x128xf32, #tpu.memory_space<vmem>>) dst(%dma_wait3A_547 : memref<80x128xf32, #tpu.memory_space<vmem_shared>>)
        tpu.yield
      }) : () -> ()
    }
    %sub3A_58 = arith.constant 128 : i32
    %sub3A_59 = arith.subi %sub3A_58, %arg1 : i32
    %sub3A_60 = arith.constant 16 : i32
    %sub3A_61 = arith.constant 1 : i32
    %sub3A_62 = arith.subi %sub3A_60, %sub3A_61 : i32
    %add3A_63 = arith.addi %sub3A_59, %sub3A_62 : i32
    %div3A_64 = arith.constant 16 : i32
    %div3A_65 = arith.divsi %add3A_63, %div3A_64 : i32
    %while3A_66 = arith.constant 16 : i32
    %while3A_67 = arith.constant 0 : i32
    %while3A_68 = arith.subi %div3A_65, %while3A_67 : i32
    %while3A_69 = arith.addi %while3A_67, %while3A_68 : i32
    %while3A_70 = arith.constant 1 : i32
    %while3A_71 = arith.divsi %while3A_68, %while3A_70 : i32
    %while3A_72 = arith.muli %while3A_71, %while3A_70 : i32
    %while3A_73 = arith.addi %while3A_67, %while3A_72 : i32
    %while3A_74 = arith.constant 1 : i32
    scf.for %while3A_535 = %while3A_67 to %while3A_73 step %while3A_74  : i32 {
      %mul3A_536 = arith.muli %while3A_535, %while3A_66 : i32
      %add3A_537 = arith.addi %arg1, %mul3A_536 : i32
      %mul3A_538 = arith.constant 80 : i32
      %mul3A_539 = arith.muli %add3A_537, %mul3A_538 : i32
      "tpu.region"() ({
        %run_scoped3A = tpu.sem_alloc : memref<!tpu.dma_semaphore, #tpu.memory_space<semaphore_mem>>
        %dma_start3A_540 = arith.constant 0 : i32
        %dma_start3A_541 = tpu.memref_slice %arg20[%mul3A_539, %dma_start3A_540] : memref<10240x8xf32, #tpu.memory_space<vmem_shared>> -> memref<80x8xf32, #tpu.memory_space<vmem_shared>>
        %dma_start3A_542 = arith.constant 0 : i32
        %dma_start3A_543 = tpu.memref_slice %arg20[%mul3A_539, %dma_start3A_542] : memref<10240x8xf32, #tpu.memory_space<vmem_shared>> -> memref<80x8xf32, #tpu.memory_space<vmem_shared>>
        tpu.enqueue_dma source(%arg18 : memref<80x8xf32, #tpu.memory_space<vmem>>) target(%dma_start3A_543 : memref<80x8xf32, #tpu.memory_space<vmem_shared>>) target_semaphore(%run_scoped3A : memref<!tpu.dma_semaphore, #tpu.memory_space<semaphore_mem>>)
        %dma_wait3A_544 = arith.constant 0 : i32
        %dma_wait3A_545 = tpu.memref_slice %arg20[%mul3A_539, %dma_wait3A_544] : memref<10240x8xf32, #tpu.memory_space<vmem_shared>> -> memref<80x8xf32, #tpu.memory_space<vmem_shared>>
        %dma_wait3A_546 = arith.constant 0 : i32
        %dma_wait3A_547 = tpu.memref_slice %arg20[%mul3A_539, %dma_wait3A_546] : memref<10240x8xf32, #tpu.memory_space<vmem_shared>> -> memref<80x8xf32, #tpu.memory_space<vmem_shared>>
        tpu.wait_dma2 semaphore(%run_scoped3A : memref<!tpu.dma_semaphore, #tpu.memory_space<semaphore_mem>>) src(%arg18 : memref<80x8xf32, #tpu.memory_space<vmem>>) dst(%dma_wait3A_547 : memref<80x8xf32, #tpu.memory_space<vmem_shared>>)
        tpu.yield
      }) : () -> ()
    }
    %while3A_75 = arith.constant 1 : i32
    scf.for %while3A_535 = %while3A_73 to %while3A_69 step %while3A_75  : i32 {
      %mul3A_536 = arith.muli %while3A_535, %while3A_66 : i32
      %add3A_537 = arith.addi %arg1, %mul3A_536 : i32
      %mul3A_538 = arith.constant 80 : i32
      %mul3A_539 = arith.muli %add3A_537, %mul3A_538 : i32
      "tpu.region"() ({
        %run_scoped3A = tpu.sem_alloc : memref<!tpu.dma_semaphore, #tpu.memory_space<semaphore_mem>>
        %dma_start3A_540 = arith.constant 0 : i32
        %dma_start3A_541 = tpu.memref_slice %arg20[%mul3A_539, %dma_start3A_540] : memref<10240x8xf32, #tpu.memory_space<vmem_shared>> -> memref<80x8xf32, #tpu.memory_space<vmem_shared>>
        %dma_start3A_542 = arith.constant 0 : i32
        %dma_start3A_543 = tpu.memref_slice %arg20[%mul3A_539, %dma_start3A_542] : memref<10240x8xf32, #tpu.memory_space<vmem_shared>> -> memref<80x8xf32, #tpu.memory_space<vmem_shared>>
        tpu.enqueue_dma source(%arg18 : memref<80x8xf32, #tpu.memory_space<vmem>>) target(%dma_start3A_543 : memref<80x8xf32, #tpu.memory_space<vmem_shared>>) target_semaphore(%run_scoped3A : memref<!tpu.dma_semaphore, #tpu.memory_space<semaphore_mem>>)
        %dma_wait3A_544 = arith.constant 0 : i32
        %dma_wait3A_545 = tpu.memref_slice %arg20[%mul3A_539, %dma_wait3A_544] : memref<10240x8xf32, #tpu.memory_space<vmem_shared>> -> memref<80x8xf32, #tpu.memory_space<vmem_shared>>
        %dma_wait3A_546 = arith.constant 0 : i32
        %dma_wait3A_547 = tpu.memref_slice %arg20[%mul3A_539, %dma_wait3A_546] : memref<10240x8xf32, #tpu.memory_space<vmem_shared>> -> memref<80x8xf32, #tpu.memory_space<vmem_shared>>
        tpu.wait_dma2 semaphore(%run_scoped3A : memref<!tpu.dma_semaphore, #tpu.memory_space<semaphore_mem>>) src(%arg18 : memref<80x8xf32, #tpu.memory_space<vmem>>) dst(%dma_wait3A_547 : memref<80x8xf32, #tpu.memory_space<vmem_shared>>)
        tpu.yield
      }) : () -> ()
    }
    %barrier3A = arith.constant 0 : index
    tpu.barrier barrier_id(%barrier3A)
    %dma_wait3A = arith.constant 0 : i32
    %dma_wait3A_76 = arith.constant 0 : i32
    %dma_wait3A_77 = arith.constant 0 : i32
    %dma_wait3A_78 = tpu.memref_slice %arg4[%dma_wait3A, %dma_wait3A_76, %dma_wait3A_77] : memref<4000x2x80xi32, #tpu.memory_space<hbm>> -> memref<1x2x80xi32, #tpu.memory_space<hbm>>
    %dma_wait3A_79 = tpu.memref_squeeze %dma_wait3A_78 : memref<1x2x80xi32, #tpu.memory_space<hbm>> -> memref<2x80xi32, #tpu.memory_space<hbm>>
    %dma_wait3A_80 = arith.constant 0 : i32
    %dma_wait3A_81 = arith.constant 0 : i32
    %dma_wait3A_82 = tpu.memref_slice %arg4[%dma_wait3A, %dma_wait3A_80, %dma_wait3A_81] : memref<4000x2x80xi32, #tpu.memory_space<hbm>> -> memref<1x2x80xi32, #tpu.memory_space<hbm>>
    %dma_wait3A_83 = tpu.memref_squeeze %dma_wait3A_82 : memref<1x2x80xi32, #tpu.memory_space<hbm>> -> memref<2x80xi32, #tpu.memory_space<hbm>>
    tpu.wait_dma2 semaphore(%arg21 : memref<!tpu.dma_semaphore, #tpu.memory_space<semaphore_mem>>) src(%dma_wait3A_83 : memref<2x80xi32, #tpu.memory_space<hbm>>) dst(%arg7 : memref<2x80xi32, #tpu.memory_space<vmem>>)
    %get3A = arith.constant 0 : i32
    %get3A_84 = arith.index_cast %get3A : i32 to index
    %get3A_85 = arith.constant 0 : index
    %get3A_86 = tpu.vector_load %arg7[%get3A_84, %get3A_85] {strides = array<i32>} : memref<2x80xi32, #tpu.memory_space<vmem>>, vector<1x16xi32>,
    %get3A_87 = vector.shape_cast %get3A_86 : vector<1x16xi32> to vector<16xi32>
    %swap3A = arith.constant 0 : index
    %swap3A_88 = tpu.vector_load %arg9[%swap3A] {strides = array<i32>} : memref<80xi32, #tpu.memory_space<vmem>>, vector<16xi32>,
    %swap3A_89 = vector.shape_cast %swap3A_88 : vector<16xi32> to vector<16xi32>
    %swap3A_90 = vector.shape_cast %get3A_87 : vector<16xi32> to vector<16xi32>
    tpu.vector_store %arg9[%swap3A], %swap3A_90 {strides = array<i32>} : memref<80xi32, #tpu.memory_space<vmem>>, vector<16xi32>,
    %get3A_91 = arith.constant 1 : i32
    %get3A_92 = arith.index_cast %get3A_91 : i32 to index
    %get3A_93 = arith.constant 0 : index
    %get3A_94 = tpu.vector_load %arg7[%get3A_92, %get3A_93] {strides = array<i32>} : memref<2x80xi32, #tpu.memory_space<vmem>>, vector<1x16xi32>,
    %get3A_95 = vector.shape_cast %get3A_94 : vector<1x16xi32> to vector<16xi32>
    %swap3A_96 = arith.constant 0 : index
    %swap3A_97 = tpu.vector_load %arg11[%swap3A_96] {strides = array<i32>} : memref<80xi32, #tpu.memory_space<vmem>>, vector<16xi32>,
    %swap3A_98 = vector.shape_cast %swap3A_97 : vector<16xi32> to vector<16xi32>
    %swap3A_99 = vector.shape_cast %get3A_95 : vector<16xi32> to vector<16xi32>
    tpu.vector_store %arg11[%swap3A_96], %swap3A_99 {strides = array<i32>} : memref<80xi32, #tpu.memory_space<vmem>>, vector<16xi32>,
    %get3A_100 = arith.constant 0 : i32
    %get3A_101 = arith.index_cast %get3A_100 : i32 to index
    %get3A_102 = arith.constant 16 : index
    %get3A_103 = tpu.vector_load %arg7[%get3A_101, %get3A_102] {strides = array<i32>} : memref<2x80xi32, #tpu.memory_space<vmem>>, vector<1x16xi32>,
    %get3A_104 = vector.shape_cast %get3A_103 : vector<1x16xi32> to vector<16xi32>
    %swap3A_105 = arith.constant 16 : index
    %swap3A_106 = tpu.vector_load %arg9[%swap3A_105] {strides = array<i32>} : memref<80xi32, #tpu.memory_space<vmem>>, vector<16xi32>,
    %swap3A_107 = vector.shape_cast %swap3A_106 : vector<16xi32> to vector<16xi32>
    %swap3A_108 = vector.shape_cast %get3A_104 : vector<16xi32> to vector<16xi32>
    tpu.vector_store %arg9[%swap3A_105], %swap3A_108 {strides = array<i32>} : memref<80xi32, #tpu.memory_space<vmem>>, vector<16xi32>,
    %get3A_109 = arith.constant 1 : i32
    %get3A_110 = arith.index_cast %get3A_109 : i32 to index
    %get3A_111 = arith.constant 16 : index
    %get3A_112 = tpu.vector_load %arg7[%get3A_110, %get3A_111] {strides = array<i32>} : memref<2x80xi32, #tpu.memory_space<vmem>>, vector<1x16xi32>,
    %get3A_113 = vector.shape_cast %get3A_112 : vector<1x16xi32> to vector<16xi32>
    %swap3A_114 = arith.constant 16 : index
    %swap3A_115 = tpu.vector_load %arg11[%swap3A_114] {strides = array<i32>} : memref<80xi32, #tpu.memory_space<vmem>>, vector<16xi32>,
    %swap3A_116 = vector.shape_cast %swap3A_115 : vector<16xi32> to vector<16xi32>
    %swap3A_117 = vector.shape_cast %get3A_113 : vector<16xi32> to vector<16xi32>
    tpu.vector_store %arg11[%swap3A_114], %swap3A_117 {strides = array<i32>} : memref<80xi32, #tpu.memory_space<vmem>>, vector<16xi32>,
    %get3A_118 = arith.constant 0 : i32
    %get3A_119 = arith.index_cast %get3A_118 : i32 to index
    %get3A_120 = arith.constant 32 : index
    %get3A_121 = tpu.vector_load %arg7[%get3A_119, %get3A_120] {strides = array<i32>} : memref<2x80xi32, #tpu.memory_space<vmem>>, vector<1x16xi32>,
    %get3A_122 = vector.shape_cast %get3A_121 : vector<1x16xi32> to vector<16xi32>
    %swap3A_123 = arith.constant 32 : index
    %swap3A_124 = tpu.vector_load %arg9[%swap3A_123] {strides = array<i32>} : memref<80xi32, #tpu.memory_space<vmem>>, vector<16xi32>,
    %swap3A_125 = vector.shape_cast %swap3A_124 : vector<16xi32> to vector<16xi32>
    %swap3A_126 = vector.shape_cast %get3A_122 : vector<16xi32> to vector<16xi32>
    tpu.vector_store %arg9[%swap3A_123], %swap3A_126 {strides = array<i32>} : memref<80xi32, #tpu.memory_space<vmem>>, vector<16xi32>,
    %get3A_127 = arith.constant 1 : i32
    %get3A_128 = arith.index_cast %get3A_127 : i32 to index
    %get3A_129 = arith.constant 32 : index
    %get3A_130 = tpu.vector_load %arg7[%get3A_128, %get3A_129] {strides = array<i32>} : memref<2x80xi32, #tpu.memory_space<vmem>>, vector<1x16xi32>,
    %get3A_131 = vector.shape_cast %get3A_130 : vector<1x16xi32> to vector<16xi32>
    %swap3A_132 = arith.constant 32 : index
    %swap3A_133 = tpu.vector_load %arg11[%swap3A_132] {strides = array<i32>} : memref<80xi32, #tpu.memory_space<vmem>>, vector<16xi32>,
    %swap3A_134 = vector.shape_cast %swap3A_133 : vector<16xi32> to vector<16xi32>
    %swap3A_135 = vector.shape_cast %get3A_131 : vector<16xi32> to vector<16xi32>
    tpu.vector_store %arg11[%swap3A_132], %swap3A_135 {strides = array<i32>} : memref<80xi32, #tpu.memory_space<vmem>>, vector<16xi32>,
    %get3A_136 = arith.constant 0 : i32
    %get3A_137 = arith.index_cast %get3A_136 : i32 to index
    %get3A_138 = arith.constant 48 : index
    %get3A_139 = tpu.vector_load %arg7[%get3A_137, %get3A_138] {strides = array<i32>} : memref<2x80xi32, #tpu.memory_space<vmem>>, vector<1x16xi32>,
    %get3A_140 = vector.shape_cast %get3A_139 : vector<1x16xi32> to vector<16xi32>
    %swap3A_141 = arith.constant 48 : index
    %swap3A_142 = tpu.vector_load %arg9[%swap3A_141] {strides = array<i32>} : memref<80xi32, #tpu.memory_space<vmem>>, vector<16xi32>,
    %swap3A_143 = vector.shape_cast %swap3A_142 : vector<16xi32> to vector<16xi32>
    %swap3A_144 = vector.shape_cast %get3A_140 : vector<16xi32> to vector<16xi32>
    tpu.vector_store %arg9[%swap3A_141], %swap3A_144 {strides = array<i32>} : memref<80xi32, #tpu.memory_space<vmem>>, vector<16xi32>,
    %get3A_145 = arith.constant 1 : i32
    %get3A_146 = arith.index_cast %get3A_145 : i32 to index
    %get3A_147 = arith.constant 48 : index
    %get3A_148 = tpu.vector_load %arg7[%get3A_146, %get3A_147] {strides = array<i32>} : memref<2x80xi32, #tpu.memory_space<vmem>>, vector<1x16xi32>,
    %get3A_149 = vector.shape_cast %get3A_148 : vector<1x16xi32> to vector<16xi32>
    %swap3A_150 = arith.constant 48 : index
    %swap3A_151 = tpu.vector_load %arg11[%swap3A_150] {strides = array<i32>} : memref<80xi32, #tpu.memory_space<vmem>>, vector<16xi32>,
    %swap3A_152 = vector.shape_cast %swap3A_151 : vector<16xi32> to vector<16xi32>
    %swap3A_153 = vector.shape_cast %get3A_149 : vector<16xi32> to vector<16xi32>
    tpu.vector_store %arg11[%swap3A_150], %swap3A_153 {strides = array<i32>} : memref<80xi32, #tpu.memory_space<vmem>>, vector<16xi32>,
    %get3A_154 = arith.constant 0 : i32
    %get3A_155 = arith.index_cast %get3A_154 : i32 to index
    %get3A_156 = arith.constant 64 : index
    %get3A_157 = tpu.vector_load %arg7[%get3A_155, %get3A_156] {strides = array<i32>} : memref<2x80xi32, #tpu.memory_space<vmem>>, vector<1x16xi32>,
    %get3A_158 = vector.shape_cast %get3A_157 : vector<1x16xi32> to vector<16xi32>
    %swap3A_159 = arith.constant 64 : index
    %swap3A_160 = tpu.vector_load %arg9[%swap3A_159] {strides = array<i32>} : memref<80xi32, #tpu.memory_space<vmem>>, vector<16xi32>,
    %swap3A_161 = vector.shape_cast %swap3A_160 : vector<16xi32> to vector<16xi32>
    %swap3A_162 = vector.shape_cast %get3A_158 : vector<16xi32> to vector<16xi32>
    tpu.vector_store %arg9[%swap3A_159], %swap3A_162 {strides = array<i32>} : memref<80xi32, #tpu.memory_space<vmem>>, vector<16xi32>,
    %get3A_163 = arith.constant 1 : i32
    %get3A_164 = arith.index_cast %get3A_163 : i32 to index
    %get3A_165 = arith.constant 64 : index
    %get3A_166 = tpu.vector_load %arg7[%get3A_164, %get3A_165] {strides = array<i32>} : memref<2x80xi32, #tpu.memory_space<vmem>>, vector<1x16xi32>,
    %get3A_167 = vector.shape_cast %get3A_166 : vector<1x16xi32> to vector<16xi32>
    %swap3A_168 = arith.constant 64 : index
    %swap3A_169 = tpu.vector_load %arg11[%swap3A_168] {strides = array<i32>} : memref<80xi32, #tpu.memory_space<vmem>>, vector<16xi32>,
    %swap3A_170 = vector.shape_cast %swap3A_169 : vector<16xi32> to vector<16xi32>
    %swap3A_171 = vector.shape_cast %get3A_167 : vector<16xi32> to vector<16xi32>
    tpu.vector_store %arg11[%swap3A_168], %swap3A_171 {strides = array<i32>} : memref<80xi32, #tpu.memory_space<vmem>>, vector<16xi32>,
    %add3A_172 = arith.constant 2 : i32
    %add3A_173 = arith.addi %mul3A_2, %add3A_172 : i32
    %dma_start3A_174 = arith.constant 0 : i32
    %dma_start3A_175 = arith.constant 0 : i32
    %dma_start3A_176 = tpu.memref_slice %arg4[%add3A_173, %dma_start3A_174, %dma_start3A_175] : memref<4000x2x80xi32, #tpu.memory_space<hbm>> -> memref<1x2x80xi32, #tpu.memory_space<hbm>>
    %dma_start3A_177 = tpu.memref_squeeze %dma_start3A_176 : memref<1x2x80xi32, #tpu.memory_space<hbm>> -> memref<2x80xi32, #tpu.memory_space<hbm>>
    %dma_start3A_178 = arith.constant 0 : i32
    %dma_start3A_179 = arith.constant 0 : i32
    %dma_start3A_180 = tpu.memref_slice %arg4[%add3A_173, %dma_start3A_178, %dma_start3A_179] : memref<4000x2x80xi32, #tpu.memory_space<hbm>> -> memref<1x2x80xi32, #tpu.memory_space<hbm>>
    %dma_start3A_181 = tpu.memref_squeeze %dma_start3A_180 : memref<1x2x80xi32, #tpu.memory_space<hbm>> -> memref<2x80xi32, #tpu.memory_space<hbm>>
    tpu.enqueue_dma source(%dma_start3A_181 : memref<2x80xi32, #tpu.memory_space<hbm>>) target(%arg7 : memref<2x80xi32, #tpu.memory_space<vmem>>) target_semaphore(%arg21 : memref<!tpu.dma_semaphore, #tpu.memory_space<semaphore_mem>>)
    %dma_start3A_182 = arith.constant 0 : i32
    %dma_start3A_183 = arith.constant 0 : i32
    %dma_start3A_184 = tpu.memref_slice %arg2[%dma_start3A_182, %dma_start3A_183] : memref<10000x128xf32, #tpu.memory_space<hbm>> -> memref<10000x128xf32, #tpu.memory_space<hbm>>
    tpu.enqueue_indirect_dma source(%dma_start3A_184 : memref<10000x128xf32, #tpu.memory_space<hbm>>) target(%arg15 : memref<80x128xf32, #tpu.memory_space<vmem>>) offsets(%arg9 : memref<80xi32, #tpu.memory_space<vmem>>) semaphore(%arg25 : memref<!tpu.dma_semaphore, #tpu.memory_space<semaphore_mem>>)
    %dma_wait3A_185 = arith.constant 0 : i32
    %dma_wait3A_186 = arith.constant 0 : i32
    %dma_wait3A_187 = arith.constant 0 : i32
    %dma_wait3A_188 = tpu.memref_slice %arg4[%dma_wait3A_185, %dma_wait3A_186, %dma_wait3A_187] : memref<4000x2x80xi32, #tpu.memory_space<hbm>> -> memref<1x2x80xi32, #tpu.memory_space<hbm>>
    %dma_wait3A_189 = tpu.memref_squeeze %dma_wait3A_188 : memref<1x2x80xi32, #tpu.memory_space<hbm>> -> memref<2x80xi32, #tpu.memory_space<hbm>>
    %dma_wait3A_190 = arith.constant 0 : i32
    %dma_wait3A_191 = arith.constant 0 : i32
    %dma_wait3A_192 = tpu.memref_slice %arg4[%dma_wait3A_185, %dma_wait3A_190, %dma_wait3A_191] : memref<4000x2x80xi32, #tpu.memory_space<hbm>> -> memref<1x2x80xi32, #tpu.memory_space<hbm>>
    %dma_wait3A_193 = tpu.memref_squeeze %dma_wait3A_192 : memref<1x2x80xi32, #tpu.memory_space<hbm>> -> memref<2x80xi32, #tpu.memory_space<hbm>>
    tpu.wait_dma2 semaphore(%arg22 : memref<!tpu.dma_semaphore, #tpu.memory_space<semaphore_mem>>) src(%dma_wait3A_193 : memref<2x80xi32, #tpu.memory_space<hbm>>) dst(%arg8 : memref<2x80xi32, #tpu.memory_space<vmem>>)
    %get3A_194 = arith.constant 0 : i32
    %get3A_195 = arith.index_cast %get3A_194 : i32 to index
    %get3A_196 = arith.constant 0 : index
    %get3A_197 = tpu.vector_load %arg8[%get3A_195, %get3A_196] {strides = array<i32>} : memref<2x80xi32, #tpu.memory_space<vmem>>, vector<1x16xi32>,
    %get3A_198 = vector.shape_cast %get3A_197 : vector<1x16xi32> to vector<16xi32>
    %swap3A_199 = arith.constant 0 : index
    %swap3A_200 = tpu.vector_load %arg10[%swap3A_199] {strides = array<i32>} : memref<80xi32, #tpu.memory_space<vmem>>, vector<16xi32>,
    %swap3A_201 = vector.shape_cast %swap3A_200 : vector<16xi32> to vector<16xi32>
    %swap3A_202 = vector.shape_cast %get3A_198 : vector<16xi32> to vector<16xi32>
    tpu.vector_store %arg10[%swap3A_199], %swap3A_202 {strides = array<i32>} : memref<80xi32, #tpu.memory_space<vmem>>, vector<16xi32>,
    %get3A_203 = arith.constant 1 : i32
    %get3A_204 = arith.index_cast %get3A_203 : i32 to index
    %get3A_205 = arith.constant 0 : index
    %get3A_206 = tpu.vector_load %arg8[%get3A_204, %get3A_205] {strides = array<i32>} : memref<2x80xi32, #tpu.memory_space<vmem>>, vector<1x16xi32>,
    %get3A_207 = vector.shape_cast %get3A_206 : vector<1x16xi32> to vector<16xi32>
    %swap3A_208 = arith.constant 0 : index
    %swap3A_209 = tpu.vector_load %arg12[%swap3A_208] {strides = array<i32>} : memref<80xi32, #tpu.memory_space<vmem>>, vector<16xi32>,
    %swap3A_210 = vector.shape_cast %swap3A_209 : vector<16xi32> to vector<16xi32>
    %swap3A_211 = vector.shape_cast %get3A_207 : vector<16xi32> to vector<16xi32>
    tpu.vector_store %arg12[%swap3A_208], %swap3A_211 {strides = array<i32>} : memref<80xi32, #tpu.memory_space<vmem>>, vector<16xi32>,
    %get3A_212 = arith.constant 0 : i32
    %get3A_213 = arith.index_cast %get3A_212 : i32 to index
    %get3A_214 = arith.constant 16 : index
    %get3A_215 = tpu.vector_load %arg8[%get3A_213, %get3A_214] {strides = array<i32>} : memref<2x80xi32, #tpu.memory_space<vmem>>, vector<1x16xi32>,
    %get3A_216 = vector.shape_cast %get3A_215 : vector<1x16xi32> to vector<16xi32>
    %swap3A_217 = arith.constant 16 : index
    %swap3A_218 = tpu.vector_load %arg10[%swap3A_217] {strides = array<i32>} : memref<80xi32, #tpu.memory_space<vmem>>, vector<16xi32>,
    %swap3A_219 = vector.shape_cast %swap3A_218 : vector<16xi32> to vector<16xi32>
    %swap3A_220 = vector.shape_cast %get3A_216 : vector<16xi32> to vector<16xi32>
    tpu.vector_store %arg10[%swap3A_217], %swap3A_220 {strides = array<i32>} : memref<80xi32, #tpu.memory_space<vmem>>, vector<16xi32>,
    %get3A_221 = arith.constant 1 : i32
    %get3A_222 = arith.index_cast %get3A_221 : i32 to index
    %get3A_223 = arith.constant 16 : index
    %get3A_224 = tpu.vector_load %arg8[%get3A_222, %get3A_223] {strides = array<i32>} : memref<2x80xi32, #tpu.memory_space<vmem>>, vector<1x16xi32>,
    %get3A_225 = vector.shape_cast %get3A_224 : vector<1x16xi32> to vector<16xi32>
    %swap3A_226 = arith.constant 16 : index
    %swap3A_227 = tpu.vector_load %arg12[%swap3A_226] {strides = array<i32>} : memref<80xi32, #tpu.memory_space<vmem>>, vector<16xi32>,
    %swap3A_228 = vector.shape_cast %swap3A_227 : vector<16xi32> to vector<16xi32>
    %swap3A_229 = vector.shape_cast %get3A_225 : vector<16xi32> to vector<16xi32>
    tpu.vector_store %arg12[%swap3A_226], %swap3A_229 {strides = array<i32>} : memref<80xi32, #tpu.memory_space<vmem>>, vector<16xi32>,
    %get3A_230 = arith.constant 0 : i32
    %get3A_231 = arith.index_cast %get3A_230 : i32 to index
    %get3A_232 = arith.constant 32 : index
    %get3A_233 = tpu.vector_load %arg8[%get3A_231, %get3A_232] {strides = array<i32>} : memref<2x80xi32, #tpu.memory_space<vmem>>, vector<1x16xi32>,
    %get3A_234 = vector.shape_cast %get3A_233 : vector<1x16xi32> to vector<16xi32>
    %swap3A_235 = arith.constant 32 : index
    %swap3A_236 = tpu.vector_load %arg10[%swap3A_235] {strides = array<i32>} : memref<80xi32, #tpu.memory_space<vmem>>, vector<16xi32>,
    %swap3A_237 = vector.shape_cast %swap3A_236 : vector<16xi32> to vector<16xi32>
    %swap3A_238 = vector.shape_cast %get3A_234 : vector<16xi32> to vector<16xi32>
    tpu.vector_store %arg10[%swap3A_235], %swap3A_238 {strides = array<i32>} : memref<80xi32, #tpu.memory_space<vmem>>, vector<16xi32>,
    %get3A_239 = arith.constant 1 : i32
    %get3A_240 = arith.index_cast %get3A_239 : i32 to index
    %get3A_241 = arith.constant 32 : index
    %get3A_242 = tpu.vector_load %arg8[%get3A_240, %get3A_241] {strides = array<i32>} : memref<2x80xi32, #tpu.memory_space<vmem>>, vector<1x16xi32>,
    %get3A_243 = vector.shape_cast %get3A_242 : vector<1x16xi32> to vector<16xi32>
    %swap3A_244 = arith.constant 32 : index
    %swap3A_245 = tpu.vector_load %arg12[%swap3A_244] {strides = array<i32>} : memref<80xi32, #tpu.memory_space<vmem>>, vector<16xi32>,
    %swap3A_246 = vector.shape_cast %swap3A_245 : vector<16xi32> to vector<16xi32>
    %swap3A_247 = vector.shape_cast %get3A_243 : vector<16xi32> to vector<16xi32>
    tpu.vector_store %arg12[%swap3A_244], %swap3A_247 {strides = array<i32>} : memref<80xi32, #tpu.memory_space<vmem>>, vector<16xi32>,
    %get3A_248 = arith.constant 0 : i32
    %get3A_249 = arith.index_cast %get3A_248 : i32 to index
    %get3A_250 = arith.constant 48 : index
    %get3A_251 = tpu.vector_load %arg8[%get3A_249, %get3A_250] {strides = array<i32>} : memref<2x80xi32, #tpu.memory_space<vmem>>, vector<1x16xi32>,
    %get3A_252 = vector.shape_cast %get3A_251 : vector<1x16xi32> to vector<16xi32>
    %swap3A_253 = arith.constant 48 : index
    %swap3A_254 = tpu.vector_load %arg10[%swap3A_253] {strides = array<i32>} : memref<80xi32, #tpu.memory_space<vmem>>, vector<16xi32>,
    %swap3A_255 = vector.shape_cast %swap3A_254 : vector<16xi32> to vector<16xi32>
    %swap3A_256 = vector.shape_cast %get3A_252 : vector<16xi32> to vector<16xi32>
    tpu.vector_store %arg10[%swap3A_253], %swap3A_256 {strides = array<i32>} : memref<80xi32, #tpu.memory_space<vmem>>, vector<16xi32>,
    %get3A_257 = arith.constant 1 : i32
    %get3A_258 = arith.index_cast %get3A_257 : i32 to index
    %get3A_259 = arith.constant 48 : index
    %get3A_260 = tpu.vector_load %arg8[%get3A_258, %get3A_259] {strides = array<i32>} : memref<2x80xi32, #tpu.memory_space<vmem>>, vector<1x16xi32>,
    %get3A_261 = vector.shape_cast %get3A_260 : vector<1x16xi32> to vector<16xi32>
    %swap3A_262 = arith.constant 48 : index
    %swap3A_263 = tpu.vector_load %arg12[%swap3A_262] {strides = array<i32>} : memref<80xi32, #tpu.memory_space<vmem>>, vector<16xi32>,
    %swap3A_264 = vector.shape_cast %swap3A_263 : vector<16xi32> to vector<16xi32>
    %swap3A_265 = vector.shape_cast %get3A_261 : vector<16xi32> to vector<16xi32>
    tpu.vector_store %arg12[%swap3A_262], %swap3A_265 {strides = array<i32>} : memref<80xi32, #tpu.memory_space<vmem>>, vector<16xi32>,
    %get3A_266 = arith.constant 0 : i32
    %get3A_267 = arith.index_cast %get3A_266 : i32 to index
    %get3A_268 = arith.constant 64 : index
    %get3A_269 = tpu.vector_load %arg8[%get3A_267, %get3A_268] {strides = array<i32>} : memref<2x80xi32, #tpu.memory_space<vmem>>, vector<1x16xi32>,
    %get3A_270 = vector.shape_cast %get3A_269 : vector<1x16xi32> to vector<16xi32>
    %swap3A_271 = arith.constant 64 : index
    %swap3A_272 = tpu.vector_load %arg10[%swap3A_271] {strides = array<i32>} : memref<80xi32, #tpu.memory_space<vmem>>, vector<16xi32>,
    %swap3A_273 = vector.shape_cast %swap3A_272 : vector<16xi32> to vector<16xi32>
    %swap3A_274 = vector.shape_cast %get3A_270 : vector<16xi32> to vector<16xi32>
    tpu.vector_store %arg10[%swap3A_271], %swap3A_274 {strides = array<i32>} : memref<80xi32, #tpu.memory_space<vmem>>, vector<16xi32>,
    %get3A_275 = arith.constant 1 : i32
    %get3A_276 = arith.index_cast %get3A_275 : i32 to index
    %get3A_277 = arith.constant 64 : index
    %get3A_278 = tpu.vector_load %arg8[%get3A_276, %get3A_277] {strides = array<i32>} : memref<2x80xi32, #tpu.memory_space<vmem>>, vector<1x16xi32>,
    %get3A_279 = vector.shape_cast %get3A_278 : vector<1x16xi32> to vector<16xi32>
    %swap3A_280 = arith.constant 64 : index
    %swap3A_281 = tpu.vector_load %arg12[%swap3A_280] {strides = array<i32>} : memref<80xi32, #tpu.memory_space<vmem>>, vector<16xi32>,
    %swap3A_282 = vector.shape_cast %swap3A_281 : vector<16xi32> to vector<16xi32>
    %swap3A_283 = vector.shape_cast %get3A_279 : vector<16xi32> to vector<16xi32>
    tpu.vector_store %arg12[%swap3A_280], %swap3A_283 {strides = array<i32>} : memref<80xi32, #tpu.memory_space<vmem>>, vector<16xi32>,
    %dma_start3A_284 = arith.constant 0 : i32
    %dma_start3A_285 = arith.constant 0 : i32
    %dma_start3A_286 = tpu.memref_slice %arg2[%dma_start3A_284, %dma_start3A_285] : memref<10000x128xf32, #tpu.memory_space<hbm>> -> memref<10000x128xf32, #tpu.memory_space<hbm>>
    tpu.enqueue_indirect_dma source(%dma_start3A_286 : memref<10000x128xf32, #tpu.memory_space<hbm>>) target(%arg16 : memref<80x128xf32, #tpu.memory_space<vmem>>) offsets(%arg10 : memref<80xi32, #tpu.memory_space<vmem>>) semaphore(%arg26 : memref<!tpu.dma_semaphore, #tpu.memory_space<semaphore_mem>>)
    %dma_wait3A_287 = arith.constant 0 : i32
    %dma_wait3A_288 = arith.constant 0 : i32
    %dma_wait3A_289 = tpu.memref_slice %arg3[%dma_wait3A_287, %dma_wait3A_288] : memref<320000x128xf32, #tpu.memory_space<hbm>> -> memref<80x128xf32, #tpu.memory_space<hbm>>
    %dma_wait3A_290 = arith.constant 0 : i32
    %dma_wait3A_291 = arith.constant 0 : i32
    %dma_wait3A_292 = tpu.memref_slice %arg3[%dma_wait3A_290, %dma_wait3A_291] : memref<320000x128xf32, #tpu.memory_space<hbm>> -> memref<80x128xf32, #tpu.memory_space<hbm>>
    tpu.wait_dma2 semaphore(%arg23 : memref<!tpu.dma_semaphore, #tpu.memory_space<semaphore_mem>>) src(%dma_wait3A_292 : memref<80x128xf32, #tpu.memory_space<hbm>>) dst(%arg13 : memref<80x128xf32, #tpu.memory_space<vmem>>)
    %dma_wait3A_293 = arith.constant 0 : i32
    %dma_wait3A_294 = arith.constant 0 : i32
    %dma_wait3A_295 = tpu.memref_slice %arg2[%dma_wait3A_293, %dma_wait3A_294] : memref<10000x128xf32, #tpu.memory_space<hbm>> -> memref<10000x128xf32, #tpu.memory_space<hbm>>
    tpu.wait_indirect_dma semaphore(%arg25 : memref<!tpu.dma_semaphore, #tpu.memory_space<semaphore_mem>>) src(%dma_wait3A_295 : memref<10000x128xf32, #tpu.memory_space<hbm>>) dst(%arg15 : memref<80x128xf32, #tpu.memory_space<vmem>>)
    %scan3A_296 = arith.constant 0 : i32
    %scan3A_297 = arith.constant 80 : i32
    %scan3A_298 = arith.addi %scan3A_296, %scan3A_297 : i32
    %scan3A_299 = arith.constant 1 : i32
    scf.for %scan3A_535 = %scan3A_296 to %scan3A_298 step %scan3A_299  : i32 {
      %mul3A_536 = arith.constant 1 : i32
      %mul3A_537 = arith.muli %scan3A_535, %mul3A_536 : i32
      %add3A_538 = arith.constant 0 : i32
      %add3A_539 = arith.addi %add3A_538, %mul3A_537 : i32
      %get3A_540 = arith.index_cast %add3A_539 : i32 to index
      %get3A_541 = arith.constant 0 : index
      %get3A_542 = tpu.vector_load %arg15[%get3A_540, %get3A_541] {strides = array<i32>} : memref<80x128xf32, #tpu.memory_space<vmem>>, vector<1x16xf32>,
      %get3A_543 = vector.shape_cast %get3A_542 : vector<1x16xf32> to vector<16xf32>
      %get3A_544 = arith.index_cast %add3A_539 : i32 to index
      %get3A_545 = arith.constant 0 : index
      %get3A_546 = tpu.vector_load %arg13[%get3A_544, %get3A_545] {strides = array<i32>} : memref<80x128xf32, #tpu.memory_space<vmem>>, vector<1x16xf32>,
      %get3A_547 = vector.shape_cast %get3A_546 : vector<1x16xf32> to vector<16xf32>
      %mul3A_548 = arith.mulf %get3A_543, %get3A_547 : vector<16xf32>
      %swap3A_549 = arith.index_cast %add3A_539 : i32 to index
      %swap3A_550 = arith.constant 0 : index
      %swap3A_551 = tpu.vector_load %arg15[%swap3A_549, %swap3A_550] {strides = array<i32>} : memref<80x128xf32, #tpu.memory_space<vmem>>, vector<1x16xf32>,
      %swap3A_552 = vector.shape_cast %swap3A_551 : vector<1x16xf32> to vector<16xf32>
      %swap3A_553 = vector.shape_cast %mul3A_548 : vector<16xf32> to vector<1x16xf32>
      tpu.vector_store %arg15[%swap3A_549, %swap3A_550], %swap3A_553 {strides = array<i32>} : memref<80x128xf32, #tpu.memory_space<vmem>>, vector<1x16xf32>,
      %get3A_554 = arith.index_cast %add3A_539 : i32 to index
      %get3A_555 = arith.constant 16 : index
      %get3A_556 = tpu.vector_load %arg15[%get3A_554, %get3A_555] {strides = array<i32>} : memref<80x128xf32, #tpu.memory_space<vmem>>, vector<1x16xf32>,
      %get3A_557 = vector.shape_cast %get3A_556 : vector<1x16xf32> to vector<16xf32>
      %get3A_558 = arith.index_cast %add3A_539 : i32 to index
      %get3A_559 = arith.constant 16 : index
      %get3A_560 = tpu.vector_load %arg13[%get3A_558, %get3A_559] {strides = array<i32>} : memref<80x128xf32, #tpu.memory_space<vmem>>, vector<1x16xf32>,
      %get3A_561 = vector.shape_cast %get3A_560 : vector<1x16xf32> to vector<16xf32>
      %mul3A_562 = arith.mulf %get3A_557, %get3A_561 : vector<16xf32>
      %swap3A_563 = arith.index_cast %add3A_539 : i32 to index
      %swap3A_564 = arith.constant 16 : index
      %swap3A_565 = tpu.vector_load %arg15[%swap3A_563, %swap3A_564] {strides = array<i32>} : memref<80x128xf32, #tpu.memory_space<vmem>>, vector<1x16xf32>,
      %swap3A_566 = vector.shape_cast %swap3A_565 : vector<1x16xf32> to vector<16xf32>
      %swap3A_567 = vector.shape_cast %mul3A_562 : vector<16xf32> to vector<1x16xf32>
      tpu.vector_store %arg15[%swap3A_563, %swap3A_564], %swap3A_567 {strides = array<i32>} : memref<80x128xf32, #tpu.memory_space<vmem>>, vector<1x16xf32>,
      %get3A_568 = arith.index_cast %add3A_539 : i32 to index
      %get3A_569 = arith.constant 32 : index
      %get3A_570 = tpu.vector_load %arg15[%get3A_568, %get3A_569] {strides = array<i32>} : memref<80x128xf32, #tpu.memory_space<vmem>>, vector<1x16xf32>,
      %get3A_571 = vector.shape_cast %get3A_570 : vector<1x16xf32> to vector<16xf32>
      %get3A_572 = arith.index_cast %add3A_539 : i32 to index
      %get3A_573 = arith.constant 32 : index
      %get3A_574 = tpu.vector_load %arg13[%get3A_572, %get3A_573] {strides = array<i32>} : memref<80x128xf32, #tpu.memory_space<vmem>>, vector<1x16xf32>,
      %get3A_575 = vector.shape_cast %get3A_574 : vector<1x16xf32> to vector<16xf32>
      %mul3A_576 = arith.mulf %get3A_571, %get3A_575 : vector<16xf32>
      %swap3A_577 = arith.index_cast %add3A_539 : i32 to index
      %swap3A_578 = arith.constant 32 : index
      %swap3A_579 = tpu.vector_load %arg15[%swap3A_577, %swap3A_578] {strides = array<i32>} : memref<80x128xf32, #tpu.memory_space<vmem>>, vector<1x16xf32>,
      %swap3A_580 = vector.shape_cast %swap3A_579 : vector<1x16xf32> to vector<16xf32>
      %swap3A_581 = vector.shape_cast %mul3A_576 : vector<16xf32> to vector<1x16xf32>
      tpu.vector_store %arg15[%swap3A_577, %swap3A_578], %swap3A_581 {strides = array<i32>} : memref<80x128xf32, #tpu.memory_space<vmem>>, vector<1x16xf32>,
      %get3A_582 = arith.index_cast %add3A_539 : i32 to index
      %get3A_583 = arith.constant 48 : index
      %get3A_584 = tpu.vector_load %arg15[%get3A_582, %get3A_583] {strides = array<i32>} : memref<80x128xf32, #tpu.memory_space<vmem>>, vector<1x16xf32>,
      %get3A_585 = vector.shape_cast %get3A_584 : vector<1x16xf32> to vector<16xf32>
      %get3A_586 = arith.index_cast %add3A_539 : i32 to index
      %get3A_587 = arith.constant 48 : index
      %get3A_588 = tpu.vector_load %arg13[%get3A_586, %get3A_587] {strides = array<i32>} : memref<80x128xf32, #tpu.memory_space<vmem>>, vector<1x16xf32>,
      %get3A_589 = vector.shape_cast %get3A_588 : vector<1x16xf32> to vector<16xf32>
      %mul3A_590 = arith.mulf %get3A_585, %get3A_589 : vector<16xf32>
      %swap3A_591 = arith.index_cast %add3A_539 : i32 to index
      %swap3A_592 = arith.constant 48 : index
      %swap3A_593 = tpu.vector_load %arg15[%swap3A_591, %swap3A_592] {strides = array<i32>} : memref<80x128xf32, #tpu.memory_space<vmem>>, vector<1x16xf32>,
      %swap3A_594 = vector.shape_cast %swap3A_593 : vector<1x16xf32> to vector<16xf32>
      %swap3A_595 = vector.shape_cast %mul3A_590 : vector<16xf32> to vector<1x16xf32>
      tpu.vector_store %arg15[%swap3A_591, %swap3A_592], %swap3A_595 {strides = array<i32>} : memref<80x128xf32, #tpu.memory_space<vmem>>, vector<1x16xf32>,
      %get3A_596 = arith.index_cast %add3A_539 : i32 to index
      %get3A_597 = arith.constant 64 : index
      %get3A_598 = tpu.vector_load %arg15[%get3A_596, %get3A_597] {strides = array<i32>} : memref<80x128xf32, #tpu.memory_space<vmem>>, vector<1x16xf32>,
      %get3A_599 = vector.shape_cast %get3A_598 : vector<1x16xf32> to vector<16xf32>
      %get3A_600 = arith.index_cast %add3A_539 : i32 to index
      %get3A_601 = arith.constant 64 : index
      %get3A_602 = tpu.vector_load %arg13[%get3A_600, %get3A_601] {strides = array<i32>} : memref<80x128xf32, #tpu.memory_space<vmem>>, vector<1x16xf32>,
      %get3A_603 = vector.shape_cast %get3A_602 : vector<1x16xf32> to vector<16xf32>
      %mul3A_604 = arith.mulf %get3A_599, %get3A_603 : vector<16xf32>
      %swap3A_605 = arith.index_cast %add3A_539 : i32 to index
      %swap3A_606 = arith.constant 64 : index
      %swap3A_607 = tpu.vector_load %arg15[%swap3A_605, %swap3A_606] {strides = array<i32>} : memref<80x128xf32, #tpu.memory_space<vmem>>, vector<1x16xf32>,
      %swap3A_608 = vector.shape_cast %swap3A_607 : vector<1x16xf32> to vector<16xf32>
      %swap3A_609 = vector.shape_cast %mul3A_604 : vector<16xf32> to vector<1x16xf32>
      tpu.vector_store %arg15[%swap3A_605, %swap3A_606], %swap3A_609 {strides = array<i32>} : memref<80x128xf32, #tpu.memory_space<vmem>>, vector<1x16xf32>,
      %get3A_610 = arith.index_cast %add3A_539 : i32 to index
      %get3A_611 = arith.constant 80 : index
      %get3A_612 = tpu.vector_load %arg15[%get3A_610, %get3A_611] {strides = array<i32>} : memref<80x128xf32, #tpu.memory_space<vmem>>, vector<1x16xf32>,
      %get3A_613 = vector.shape_cast %get3A_612 : vector<1x16xf32> to vector<16xf32>
      %get3A_614 = arith.index_cast %add3A_539 : i32 to index
      %get3A_615 = arith.constant 80 : index
      %get3A_616 = tpu.vector_load %arg13[%get3A_614, %get3A_615] {strides = array<i32>} : memref<80x128xf32, #tpu.memory_space<vmem>>, vector<1x16xf32>,
      %get3A_617 = vector.shape_cast %get3A_616 : vector<1x16xf32> to vector<16xf32>
      %mul3A_618 = arith.mulf %get3A_613, %get3A_617 : vector<16xf32>
      %swap3A_619 = arith.index_cast %add3A_539 : i32 to index
      %swap3A_620 = arith.constant 80 : index
      %swap3A_621 = tpu.vector_load %arg15[%swap3A_619, %swap3A_620] {strides = array<i32>} : memref<80x128xf32, #tpu.memory_space<vmem>>, vector<1x16xf32>,
      %swap3A_622 = vector.shape_cast %swap3A_621 : vector<1x16xf32> to vector<16xf32>
      %swap3A_623 = vector.shape_cast %mul3A_618 : vector<16xf32> to vector<1x16xf32>
      tpu.vector_store %arg15[%swap3A_619, %swap3A_620], %swap3A_623 {strides = array<i32>} : memref<80x128xf32, #tpu.memory_space<vmem>>, vector<1x16xf32>,
      %get3A_624 = arith.index_cast %add3A_539 : i32 to index
      %get3A_625 = arith.constant 96 : index
      %get3A_626 = tpu.vector_load %arg15[%get3A_624, %get3A_625] {strides = array<i32>} : memref<80x128xf32, #tpu.memory_space<vmem>>, vector<1x16xf32>,
      %get3A_627 = vector.shape_cast %get3A_626 : vector<1x16xf32> to vector<16xf32>
      %get3A_628 = arith.index_cast %add3A_539 : i32 to index
      %get3A_629 = arith.constant 96 : index
      %get3A_630 = tpu.vector_load %arg13[%get3A_628, %get3A_629] {strides = array<i32>} : memref<80x128xf32, #tpu.memory_space<vmem>>, vector<1x16xf32>,
      %get3A_631 = vector.shape_cast %get3A_630 : vector<1x16xf32> to vector<16xf32>
      %mul3A_632 = arith.mulf %get3A_627, %get3A_631 : vector<16xf32>
      %swap3A_633 = arith.index_cast %add3A_539 : i32 to index
      %swap3A_634 = arith.constant 96 : index
      %swap3A_635 = tpu.vector_load %arg15[%swap3A_633, %swap3A_634] {strides = array<i32>} : memref<80x128xf32, #tpu.memory_space<vmem>>, vector<1x16xf32>,
      %swap3A_636 = vector.shape_cast %swap3A_635 : vector<1x16xf32> to vector<16xf32>
      %swap3A_637 = vector.shape_cast %mul3A_632 : vector<16xf32> to vector<1x16xf32>
      tpu.vector_store %arg15[%swap3A_633, %swap3A_634], %swap3A_637 {strides = array<i32>} : memref<80x128xf32, #tpu.memory_space<vmem>>, vector<1x16xf32>,
      %get3A_638 = arith.index_cast %add3A_539 : i32 to index
      %get3A_639 = arith.constant 112 : index
      %get3A_640 = tpu.vector_load %arg15[%get3A_638, %get3A_639] {strides = array<i32>} : memref<80x128xf32, #tpu.memory_space<vmem>>, vector<1x16xf32>,
      %get3A_641 = vector.shape_cast %get3A_640 : vector<1x16xf32> to vector<16xf32>
      %get3A_642 = arith.index_cast %add3A_539 : i32 to index
      %get3A_643 = arith.constant 112 : index
      %get3A_644 = tpu.vector_load %arg13[%get3A_642, %get3A_643] {strides = array<i32>} : memref<80x128xf32, #tpu.memory_space<vmem>>, vector<1x16xf32>,
      %get3A_645 = vector.shape_cast %get3A_644 : vector<1x16xf32> to vector<16xf32>
      %mul3A_646 = arith.mulf %get3A_641, %get3A_645 : vector<16xf32>
      %swap3A_647 = arith.index_cast %add3A_539 : i32 to index
      %swap3A_648 = arith.constant 112 : index
      %swap3A_649 = tpu.vector_load %arg15[%swap3A_647, %swap3A_648] {strides = array<i32>} : memref<80x128xf32, #tpu.memory_space<vmem>>, vector<1x16xf32>,
      %swap3A_650 = vector.shape_cast %swap3A_649 : vector<1x16xf32> to vector<16xf32>
      %swap3A_651 = vector.shape_cast %mul3A_646 : vector<16xf32> to vector<1x16xf32>
      tpu.vector_store %arg15[%swap3A_647, %swap3A_648], %swap3A_651 {strides = array<i32>} : memref<80x128xf32, #tpu.memory_space<vmem>>, vector<1x16xf32>,
    }
    %scan3A_300 = arith.constant 80 : i32
    %dma_start3A_301 = arith.constant 0 : i32
    %dma_start3A_302 = arith.constant 0 : i32
    %dma_start3A_303 = tpu.memref_slice %arg19[%dma_start3A_301, %dma_start3A_302] : memref<10000x128xf32, #tpu.memory_space<vmem_shared>> -> memref<10000x128xf32, #tpu.memory_space<vmem_shared>>
    tpu.enqueue_indirect_dma source(%arg15 : memref<80x128xf32, #tpu.memory_space<vmem>>) target(%dma_start3A_303 : memref<10000x128xf32, #tpu.memory_space<vmem_shared>>) offsets(%arg11 : memref<80xi32, #tpu.memory_space<vmem>>) semaphore(%arg27 : memref<!tpu.dma_semaphore, #tpu.memory_space<semaphore_mem>>) {add = true}
    %dma_start3A_304 = arith.constant 0 : i32
    %dma_start3A_305 = arith.constant 0 : i32
    %dma_start3A_306 = tpu.memref_slice %arg20[%dma_start3A_304, %dma_start3A_305] : memref<10240x8xf32, #tpu.memory_space<vmem_shared>> -> memref<10240x8xf32, #tpu.memory_space<vmem_shared>>
    tpu.enqueue_indirect_dma source(%arg17 : memref<80x8xf32, #tpu.memory_space<vmem>>) target(%dma_start3A_306 : memref<10240x8xf32, #tpu.memory_space<vmem_shared>>) offsets(%arg11 : memref<80xi32, #tpu.memory_space<vmem>>) semaphore(%arg29 : memref<!tpu.dma_semaphore, #tpu.memory_space<semaphore_mem>>) {add = true}
    %add3A_307 = arith.constant 2 : i32
    %add3A_308 = arith.addi %mul3A_2, %add3A_307 : i32
    %mul3A_309 = arith.constant 80 : i32
    %mul3A_310 = arith.muli %add3A_308, %mul3A_309 : i32
    %dma_start3A_311 = arith.constant 0 : i32
    %dma_start3A_312 = tpu.memref_slice %arg3[%mul3A_310, %dma_start3A_311] : memref<320000x128xf32, #tpu.memory_space<hbm>> -> memref<80x128xf32, #tpu.memory_space<hbm>>
    %dma_start3A_313 = arith.constant 0 : i32
    %dma_start3A_314 = tpu.memref_slice %arg3[%mul3A_310, %dma_start3A_313] : memref<320000x128xf32, #tpu.memory_space<hbm>> -> memref<80x128xf32, #tpu.memory_space<hbm>>
    tpu.enqueue_dma source(%dma_start3A_314 : memref<80x128xf32, #tpu.memory_space<hbm>>) target(%arg13 : memref<80x128xf32, #tpu.memory_space<vmem>>) target_semaphore(%arg23 : memref<!tpu.dma_semaphore, #tpu.memory_space<semaphore_mem>>)
    %dma_wait3A_315 = arith.constant 0 : i32
    %dma_wait3A_316 = arith.constant 0 : i32
    %dma_wait3A_317 = tpu.memref_slice %arg3[%dma_wait3A_315, %dma_wait3A_316] : memref<320000x128xf32, #tpu.memory_space<hbm>> -> memref<80x128xf32, #tpu.memory_space<hbm>>
    %dma_wait3A_318 = arith.constant 0 : i32
    %dma_wait3A_319 = arith.constant 0 : i32
    %dma_wait3A_320 = tpu.memref_slice %arg3[%dma_wait3A_318, %dma_wait3A_319] : memref<320000x128xf32, #tpu.memory_space<hbm>> -> memref<80x128xf32, #tpu.memory_space<hbm>>
    tpu.wait_dma2 semaphore(%arg24 : memref<!tpu.dma_semaphore, #tpu.memory_space<semaphore_mem>>) src(%dma_wait3A_320 : memref<80x128xf32, #tpu.memory_space<hbm>>) dst(%arg14 : memref<80x128xf32, #tpu.memory_space<vmem>>)
    %dma_wait3A_321 = arith.constant 0 : i32
    %dma_wait3A_322 = arith.constant 0 : i32
    %dma_wait3A_323 = tpu.memref_slice %arg2[%dma_wait3A_321, %dma_wait3A_322] : memref<10000x128xf32, #tpu.memory_space<hbm>> -> memref<10000x128xf32, #tpu.memory_space<hbm>>
    tpu.wait_indirect_dma semaphore(%arg26 : memref<!tpu.dma_semaphore, #tpu.memory_space<semaphore_mem>>) src(%dma_wait3A_323 : memref<10000x128xf32, #tpu.memory_space<hbm>>) dst(%arg16 : memref<80x128xf32, #tpu.memory_space<vmem>>)
    %scan3A_324 = arith.constant 0 : i32
    %scan3A_325 = arith.constant 80 : i32
    %scan3A_326 = arith.addi %scan3A_324, %scan3A_325 : i32
    %scan3A_327 = arith.constant 1 : i32
    scf.for %scan3A_535 = %scan3A_324 to %scan3A_326 step %scan3A_327  : i32 {
      %mul3A_536 = arith.constant 1 : i32
      %mul3A_537 = arith.muli %scan3A_535, %mul3A_536 : i32
      %add3A_538 = arith.constant 0 : i32
      %add3A_539 = arith.addi %add3A_538, %mul3A_537 : i32
      %get3A_540 = arith.index_cast %add3A_539 : i32 to index
      %get3A_541 = arith.constant 0 : index
      %get3A_542 = tpu.vector_load %arg16[%get3A_540, %get3A_541] {strides = array<i32>} : memref<80x128xf32, #tpu.memory_space<vmem>>, vector<1x16xf32>,
      %get3A_543 = vector.shape_cast %get3A_542 : vector<1x16xf32> to vector<16xf32>
      %get3A_544 = arith.index_cast %add3A_539 : i32 to index
      %get3A_545 = arith.constant 0 : index
      %get3A_546 = tpu.vector_load %arg14[%get3A_544, %get3A_545] {strides = array<i32>} : memref<80x128xf32, #tpu.memory_space<vmem>>, vector<1x16xf32>,
      %get3A_547 = vector.shape_cast %get3A_546 : vector<1x16xf32> to vector<16xf32>
      %mul3A_548 = arith.mulf %get3A_543, %get3A_547 : vector<16xf32>
      %swap3A_549 = arith.index_cast %add3A_539 : i32 to index
      %swap3A_550 = arith.constant 0 : index
      %swap3A_551 = tpu.vector_load %arg16[%swap3A_549, %swap3A_550] {strides = array<i32>} : memref<80x128xf32, #tpu.memory_space<vmem>>, vector<1x16xf32>,
      %swap3A_552 = vector.shape_cast %swap3A_551 : vector<1x16xf32> to vector<16xf32>
      %swap3A_553 = vector.shape_cast %mul3A_548 : vector<16xf32> to vector<1x16xf32>
      tpu.vector_store %arg16[%swap3A_549, %swap3A_550], %swap3A_553 {strides = array<i32>} : memref<80x128xf32, #tpu.memory_space<vmem>>, vector<1x16xf32>,
      %get3A_554 = arith.index_cast %add3A_539 : i32 to index
      %get3A_555 = arith.constant 16 : index
      %get3A_556 = tpu.vector_load %arg16[%get3A_554, %get3A_555] {strides = array<i32>} : memref<80x128xf32, #tpu.memory_space<vmem>>, vector<1x16xf32>,
      %get3A_557 = vector.shape_cast %get3A_556 : vector<1x16xf32> to vector<16xf32>
      %get3A_558 = arith.index_cast %add3A_539 : i32 to index
      %get3A_559 = arith.constant 16 : index
      %get3A_560 = tpu.vector_load %arg14[%get3A_558, %get3A_559] {strides = array<i32>} : memref<80x128xf32, #tpu.memory_space<vmem>>, vector<1x16xf32>,
      %get3A_561 = vector.shape_cast %get3A_560 : vector<1x16xf32> to vector<16xf32>
      %mul3A_562 = arith.mulf %get3A_557, %get3A_561 : vector<16xf32>
      %swap3A_563 = arith.index_cast %add3A_539 : i32 to index
      %swap3A_564 = arith.constant 16 : index
      %swap3A_565 = tpu.vector_load %arg16[%swap3A_563, %swap3A_564] {strides = array<i32>} : memref<80x128xf32, #tpu.memory_space<vmem>>, vector<1x16xf32>,
      %swap3A_566 = vector.shape_cast %swap3A_565 : vector<1x16xf32> to vector<16xf32>
      %swap3A_567 = vector.shape_cast %mul3A_562 : vector<16xf32> to vector<1x16xf32>
      tpu.vector_store %arg16[%swap3A_563, %swap3A_564], %swap3A_567 {strides = array<i32>} : memref<80x128xf32, #tpu.memory_space<vmem>>, vector<1x16xf32>,
      %get3A_568 = arith.index_cast %add3A_539 : i32 to index
      %get3A_569 = arith.constant 32 : index
      %get3A_570 = tpu.vector_load %arg16[%get3A_568, %get3A_569] {strides = array<i32>} : memref<80x128xf32, #tpu.memory_space<vmem>>, vector<1x16xf32>,
      %get3A_571 = vector.shape_cast %get3A_570 : vector<1x16xf32> to vector<16xf32>
      %get3A_572 = arith.index_cast %add3A_539 : i32 to index
      %get3A_573 = arith.constant 32 : index
      %get3A_574 = tpu.vector_load %arg14[%get3A_572, %get3A_573] {strides = array<i32>} : memref<80x128xf32, #tpu.memory_space<vmem>>, vector<1x16xf32>,
      %get3A_575 = vector.shape_cast %get3A_574 : vector<1x16xf32> to vector<16xf32>
      %mul3A_576 = arith.mulf %get3A_571, %get3A_575 : vector<16xf32>
      %swap3A_577 = arith.index_cast %add3A_539 : i32 to index
      %swap3A_578 = arith.constant 32 : index
      %swap3A_579 = tpu.vector_load %arg16[%swap3A_577, %swap3A_578] {strides = array<i32>} : memref<80x128xf32, #tpu.memory_space<vmem>>, vector<1x16xf32>,
      %swap3A_580 = vector.shape_cast %swap3A_579 : vector<1x16xf32> to vector<16xf32>
      %swap3A_581 = vector.shape_cast %mul3A_576 : vector<16xf32> to vector<1x16xf32>
      tpu.vector_store %arg16[%swap3A_577, %swap3A_578], %swap3A_581 {strides = array<i32>} : memref<80x128xf32, #tpu.memory_space<vmem>>, vector<1x16xf32>,
      %get3A_582 = arith.index_cast %add3A_539 : i32 to index
      %get3A_583 = arith.constant 48 : index
      %get3A_584 = tpu.vector_load %arg16[%get3A_582, %get3A_583] {strides = array<i32>} : memref<80x128xf32, #tpu.memory_space<vmem>>, vector<1x16xf32>,
      %get3A_585 = vector.shape_cast %get3A_584 : vector<1x16xf32> to vector<16xf32>
      %get3A_586 = arith.index_cast %add3A_539 : i32 to index
      %get3A_587 = arith.constant 48 : index
      %get3A_588 = tpu.vector_load %arg14[%get3A_586, %get3A_587] {strides = array<i32>} : memref<80x128xf32, #tpu.memory_space<vmem>>, vector<1x16xf32>,
      %get3A_589 = vector.shape_cast %get3A_588 : vector<1x16xf32> to vector<16xf32>
      %mul3A_590 = arith.mulf %get3A_585, %get3A_589 : vector<16xf32>
      %swap3A_591 = arith.index_cast %add3A_539 : i32 to index
      %swap3A_592 = arith.constant 48 : index
      %swap3A_593 = tpu.vector_load %arg16[%swap3A_591, %swap3A_592] {strides = array<i32>} : memref<80x128xf32, #tpu.memory_space<vmem>>, vector<1x16xf32>,
      %swap3A_594 = vector.shape_cast %swap3A_593 : vector<1x16xf32> to vector<16xf32>
      %swap3A_595 = vector.shape_cast %mul3A_590 : vector<16xf32> to vector<1x16xf32>
      tpu.vector_store %arg16[%swap3A_591, %swap3A_592], %swap3A_595 {strides = array<i32>} : memref<80x128xf32, #tpu.memory_space<vmem>>, vector<1x16xf32>,
      %get3A_596 = arith.index_cast %add3A_539 : i32 to index
      %get3A_597 = arith.constant 64 : index
      %get3A_598 = tpu.vector_load %arg16[%get3A_596, %get3A_597] {strides = array<i32>} : memref<80x128xf32, #tpu.memory_space<vmem>>, vector<1x16xf32>,
      %get3A_599 = vector.shape_cast %get3A_598 : vector<1x16xf32> to vector<16xf32>
      %get3A_600 = arith.index_cast %add3A_539 : i32 to index
      %get3A_601 = arith.constant 64 : index
      %get3A_602 = tpu.vector_load %arg14[%get3A_600, %get3A_601] {strides = array<i32>} : memref<80x128xf32, #tpu.memory_space<vmem>>, vector<1x16xf32>,
      %get3A_603 = vector.shape_cast %get3A_602 : vector<1x16xf32> to vector<16xf32>
      %mul3A_604 = arith.mulf %get3A_599, %get3A_603 : vector<16xf32>
      %swap3A_605 = arith.index_cast %add3A_539 : i32 to index
      %swap3A_606 = arith.constant 64 : index
      %swap3A_607 = tpu.vector_load %arg16[%swap3A_605, %swap3A_606] {strides = array<i32>} : memref<80x128xf32, #tpu.memory_space<vmem>>, vector<1x16xf32>,
      %swap3A_608 = vector.shape_cast %swap3A_607 : vector<1x16xf32> to vector<16xf32>
      %swap3A_609 = vector.shape_cast %mul3A_604 : vector<16xf32> to vector<1x16xf32>
      tpu.vector_store %arg16[%swap3A_605, %swap3A_606], %swap3A_609 {strides = array<i32>} : memref<80x128xf32, #tpu.memory_space<vmem>>, vector<1x16xf32>,
      %get3A_610 = arith.index_cast %add3A_539 : i32 to index
      %get3A_611 = arith.constant 80 : index
      %get3A_612 = tpu.vector_load %arg16[%get3A_610, %get3A_611] {strides = array<i32>} : memref<80x128xf32, #tpu.memory_space<vmem>>, vector<1x16xf32>,
      %get3A_613 = vector.shape_cast %get3A_612 : vector<1x16xf32> to vector<16xf32>
      %get3A_614 = arith.index_cast %add3A_539 : i32 to index
      %get3A_615 = arith.constant 80 : index
      %get3A_616 = tpu.vector_load %arg14[%get3A_614, %get3A_615] {strides = array<i32>} : memref<80x128xf32, #tpu.memory_space<vmem>>, vector<1x16xf32>,
      %get3A_617 = vector.shape_cast %get3A_616 : vector<1x16xf32> to vector<16xf32>
      %mul3A_618 = arith.mulf %get3A_613, %get3A_617 : vector<16xf32>
      %swap3A_619 = arith.index_cast %add3A_539 : i32 to index
      %swap3A_620 = arith.constant 80 : index
      %swap3A_621 = tpu.vector_load %arg16[%swap3A_619, %swap3A_620] {strides = array<i32>} : memref<80x128xf32, #tpu.memory_space<vmem>>, vector<1x16xf32>,
      %swap3A_622 = vector.shape_cast %swap3A_621 : vector<1x16xf32> to vector<16xf32>
      %swap3A_623 = vector.shape_cast %mul3A_618 : vector<16xf32> to vector<1x16xf32>
      tpu.vector_store %arg16[%swap3A_619, %swap3A_620], %swap3A_623 {strides = array<i32>} : memref<80x128xf32, #tpu.memory_space<vmem>>, vector<1x16xf32>,
      %get3A_624 = arith.index_cast %add3A_539 : i32 to index
      %get3A_625 = arith.constant 96 : index
      %get3A_626 = tpu.vector_load %arg16[%get3A_624, %get3A_625] {strides = array<i32>} : memref<80x128xf32, #tpu.memory_space<vmem>>, vector<1x16xf32>,
      %get3A_627 = vector.shape_cast %get3A_626 : vector<1x16xf32> to vector<16xf32>
      %get3A_628 = arith.index_cast %add3A_539 : i32 to index
      %get3A_629 = arith.constant 96 : index
      %get3A_630 = tpu.vector_load %arg14[%get3A_628, %get3A_629] {strides = array<i32>} : memref<80x128xf32, #tpu.memory_space<vmem>>, vector<1x16xf32>,
      %get3A_631 = vector.shape_cast %get3A_630 : vector<1x16xf32> to vector<16xf32>
      %mul3A_632 = arith.mulf %get3A_627, %get3A_631 : vector<16xf32>
      %swap3A_633 = arith.index_cast %add3A_539 : i32 to index
      %swap3A_634 = arith.constant 96 : index
      %swap3A_635 = tpu.vector_load %arg16[%swap3A_633, %swap3A_634] {strides = array<i32>} : memref<80x128xf32, #tpu.memory_space<vmem>>, vector<1x16xf32>,
      %swap3A_636 = vector.shape_cast %swap3A_635 : vector<1x16xf32> to vector<16xf32>
      %swap3A_637 = vector.shape_cast %mul3A_632 : vector<16xf32> to vector<1x16xf32>
      tpu.vector_store %arg16[%swap3A_633, %swap3A_634], %swap3A_637 {strides = array<i32>} : memref<80x128xf32, #tpu.memory_space<vmem>>, vector<1x16xf32>,
      %get3A_638 = arith.index_cast %add3A_539 : i32 to index
      %get3A_639 = arith.constant 112 : index
      %get3A_640 = tpu.vector_load %arg16[%get3A_638, %get3A_639] {strides = array<i32>} : memref<80x128xf32, #tpu.memory_space<vmem>>, vector<1x16xf32>,
      %get3A_641 = vector.shape_cast %get3A_640 : vector<1x16xf32> to vector<16xf32>
      %get3A_642 = arith.index_cast %add3A_539 : i32 to index
      %get3A_643 = arith.constant 112 : index
      %get3A_644 = tpu.vector_load %arg14[%get3A_642, %get3A_643] {strides = array<i32>} : memref<80x128xf32, #tpu.memory_space<vmem>>, vector<1x16xf32>,
      %get3A_645 = vector.shape_cast %get3A_644 : vector<1x16xf32> to vector<16xf32>
      %mul3A_646 = arith.mulf %get3A_641, %get3A_645 : vector<16xf32>
      %swap3A_647 = arith.index_cast %add3A_539 : i32 to index
      %swap3A_648 = arith.constant 112 : index
      %swap3A_649 = tpu.vector_load %arg16[%swap3A_647, %swap3A_648] {strides = array<i32>} : memref<80x128xf32, #tpu.memory_space<vmem>>, vector<1x16xf32>,
      %swap3A_650 = vector.shape_cast %swap3A_649 : vector<1x16xf32> to vector<16xf32>
      %swap3A_651 = vector.shape_cast %mul3A_646 : vector<16xf32> to vector<1x16xf32>
      tpu.vector_store %arg16[%swap3A_647, %swap3A_648], %swap3A_651 {strides = array<i32>} : memref<80x128xf32, #tpu.memory_space<vmem>>, vector<1x16xf32>,
    }
    %scan3A_328 = arith.constant 80 : i32
    %dma_start3A_329 = arith.constant 0 : i32
    %dma_start3A_330 = arith.constant 0 : i32
    %dma_start3A_331 = tpu.memref_slice %arg19[%dma_start3A_329, %dma_start3A_330] : memref<10000x128xf32, #tpu.memory_space<vmem_shared>> -> memref<10000x128xf32, #tpu.memory_space<vmem_shared>>
    tpu.enqueue_indirect_dma source(%arg16 : memref<80x128xf32, #tpu.memory_space<vmem>>) target(%dma_start3A_331 : memref<10000x128xf32, #tpu.memory_space<vmem_shared>>) offsets(%arg12 : memref<80xi32, #tpu.memory_space<vmem>>) semaphore(%arg28 : memref<!tpu.dma_semaphore, #tpu.memory_space<semaphore_mem>>) {add = true}
    %dma_start3A_332 = arith.constant 0 : i32
    %dma_start3A_333 = arith.constant 0 : i32
    %dma_start3A_334 = tpu.memref_slice %arg20[%dma_start3A_332, %dma_start3A_333] : memref<10240x8xf32, #tpu.memory_space<vmem_shared>> -> memref<10240x8xf32, #tpu.memory_space<vmem_shared>>
    tpu.enqueue_indirect_dma source(%arg17 : memref<80x8xf32, #tpu.memory_space<vmem>>) target(%dma_start3A_334 : memref<10240x8xf32, #tpu.memory_space<vmem_shared>>) offsets(%arg12 : memref<80xi32, #tpu.memory_space<vmem>>) semaphore(%arg30 : memref<!tpu.dma_semaphore, #tpu.memory_space<semaphore_mem>>) {add = true}
    %add3A_335 = arith.constant 2 : i32
    %add3A_336 = arith.addi %mul3A_2, %add3A_335 : i32
    %add3A_337 = arith.constant 125 : i32
    %add3A_338 = arith.addi %mul3A_2, %add3A_337 : i32
    %sub3A_339 = arith.constant 1 : i32
    %sub3A_340 = arith.subi %add3A_338, %sub3A_339 : i32
    %sub3A_341 = arith.subi %sub3A_340, %add3A_336 : i32
    %sub3A_342 = arith.constant 2 : i32
    %sub3A_343 = arith.constant 1 : i32
    %sub3A_344 = arith.subi %sub3A_342, %sub3A_343 : i32
    %add3A_345 = arith.addi %sub3A_341, %sub3A_344 : i32
    %div3A_346 = arith.constant 2 : i32
    %div3A_347 = arith.divsi %add3A_345, %div3A_346 : i32
    %while3A_348 = arith.constant 2 : i32
    %while3A_349 = arith.constant 0 : i32
    %while3A_350 = arith.subi %div3A_347, %while3A_349 : i32
    %while3A_351 = arith.addi %while3A_349, %while3A_350 : i32
    %while3A_352 = arith.constant 1 : i32
    %while3A_353 = arith.divsi %while3A_350, %while3A_352 : i32
    %while3A_354 = arith.muli %while3A_353, %while3A_352 : i32
    %while3A_355 = arith.addi %while3A_349, %while3A_354 : i32
    %while3A_356 = arith.constant 1 : i32
    scf.for %while3A_535 = %while3A_349 to %while3A_355 step %while3A_356  : i32 {
      %mul3A_536 = arith.muli %while3A_535, %while3A_348 : i32
      %add3A_537 = arith.addi %add3A_336, %mul3A_536 : i32
      %dma_wait3A_538 = arith.constant 0 : i32
      %dma_wait3A_539 = arith.constant 0 : i32
      %dma_wait3A_540 = tpu.memref_slice %arg19[%dma_wait3A_538, %dma_wait3A_539] : memref<10000x128xf32, #tpu.memory_space<vmem_shared>> -> memref<10000x128xf32, #tpu.memory_space<vmem_shared>>
      tpu.wait_indirect_dma semaphore(%arg27 : memref<!tpu.dma_semaphore, #tpu.memory_space<semaphore_mem>>) src(%arg15 : memref<80x128xf32, #tpu.memory_space<vmem>>) dst(%dma_wait3A_540 : memref<10000x128xf32, #tpu.memory_space<vmem_shared>>)
      %dma_wait3A_541 = arith.constant 0 : i32
      %dma_wait3A_542 = arith.constant 0 : i32
      %dma_wait3A_543 = tpu.memref_slice %arg20[%dma_wait3A_541, %dma_wait3A_542] : memref<10240x8xf32, #tpu.memory_space<vmem_shared>> -> memref<10240x8xf32, #tpu.memory_space<vmem_shared>>
      tpu.wait_indirect_dma semaphore(%arg29 : memref<!tpu.dma_semaphore, #tpu.memory_space<semaphore_mem>>) src(%arg17 : memref<80x8xf32, #tpu.memory_space<vmem>>) dst(%dma_wait3A_543 : memref<10240x8xf32, #tpu.memory_space<vmem_shared>>)
      %dma_wait3A_544 = arith.constant 0 : i32
      %dma_wait3A_545 = arith.constant 0 : i32
      %dma_wait3A_546 = arith.constant 0 : i32
      %dma_wait3A_547 = tpu.memref_slice %arg4[%dma_wait3A_544, %dma_wait3A_545, %dma_wait3A_546] : memref<4000x2x80xi32, #tpu.memory_space<hbm>> -> memref<1x2x80xi32, #tpu.memory_space<hbm>>
      %dma_wait3A_548 = tpu.memref_squeeze %dma_wait3A_547 : memref<1x2x80xi32, #tpu.memory_space<hbm>> -> memref<2x80xi32, #tpu.memory_space<hbm>>
      %dma_wait3A_549 = arith.constant 0 : i32
      %dma_wait3A_550 = arith.constant 0 : i32
      %dma_wait3A_551 = tpu.memref_slice %arg4[%dma_wait3A_544, %dma_wait3A_549, %dma_wait3A_550] : memref<4000x2x80xi32, #tpu.memory_space<hbm>> -> memref<1x2x80xi32, #tpu.memory_space<hbm>>
      %dma_wait3A_552 = tpu.memref_squeeze %dma_wait3A_551 : memref<1x2x80xi32, #tpu.memory_space<hbm>> -> memref<2x80xi32, #tpu.memory_space<hbm>>
      tpu.wait_dma2 semaphore(%arg21 : memref<!tpu.dma_semaphore, #tpu.memory_space<semaphore_mem>>) src(%dma_wait3A_552 : memref<2x80xi32, #tpu.memory_space<hbm>>) dst(%arg7 : memref<2x80xi32, #tpu.memory_space<vmem>>)
      %get3A_553 = arith.constant 0 : i32
      %get3A_554 = arith.index_cast %get3A_553 : i32 to index
      %get3A_555 = arith.constant 0 : index
      %get3A_556 = tpu.vector_load %arg7[%get3A_554, %get3A_555] {strides = array<i32>} : memref<2x80xi32, #tpu.memory_space<vmem>>, vector<1x16xi32>,
      %get3A_557 = vector.shape_cast %get3A_556 : vector<1x16xi32> to vector<16xi32>
      %swap3A_558 = arith.constant 0 : index
      %swap3A_559 = tpu.vector_load %arg9[%swap3A_558] {strides = array<i32>} : memref<80xi32, #tpu.memory_space<vmem>>, vector<16xi32>,
      %swap3A_560 = vector.shape_cast %swap3A_559 : vector<16xi32> to vector<16xi32>
      %swap3A_561 = vector.shape_cast %get3A_557 : vector<16xi32> to vector<16xi32>
      tpu.vector_store %arg9[%swap3A_558], %swap3A_561 {strides = array<i32>} : memref<80xi32, #tpu.memory_space<vmem>>, vector<16xi32>,
      %get3A_562 = arith.constant 1 : i32
      %get3A_563 = arith.index_cast %get3A_562 : i32 to index
      %get3A_564 = arith.constant 0 : index
      %get3A_565 = tpu.vector_load %arg7[%get3A_563, %get3A_564] {strides = array<i32>} : memref<2x80xi32, #tpu.memory_space<vmem>>, vector<1x16xi32>,
      %get3A_566 = vector.shape_cast %get3A_565 : vector<1x16xi32> to vector<16xi32>
      %swap3A_567 = arith.constant 0 : index
      %swap3A_568 = tpu.vector_load %arg11[%swap3A_567] {strides = array<i32>} : memref<80xi32, #tpu.memory_space<vmem>>, vector<16xi32>,
      %swap3A_569 = vector.shape_cast %swap3A_568 : vector<16xi32> to vector<16xi32>
      %swap3A_570 = vector.shape_cast %get3A_566 : vector<16xi32> to vector<16xi32>
      tpu.vector_store %arg11[%swap3A_567], %swap3A_570 {strides = array<i32>} : memref<80xi32, #tpu.memory_space<vmem>>, vector<16xi32>,
      %get3A_571 = arith.constant 0 : i32
      %get3A_572 = arith.index_cast %get3A_571 : i32 to index
      %get3A_573 = arith.constant 16 : index
      %get3A_574 = tpu.vector_load %arg7[%get3A_572, %get3A_573] {strides = array<i32>} : memref<2x80xi32, #tpu.memory_space<vmem>>, vector<1x16xi32>,
      %get3A_575 = vector.shape_cast %get3A_574 : vector<1x16xi32> to vector<16xi32>
      %swap3A_576 = arith.constant 16 : index
      %swap3A_577 = tpu.vector_load %arg9[%swap3A_576] {strides = array<i32>} : memref<80xi32, #tpu.memory_space<vmem>>, vector<16xi32>,
      %swap3A_578 = vector.shape_cast %swap3A_577 : vector<16xi32> to vector<16xi32>
      %swap3A_579 = vector.shape_cast %get3A_575 : vector<16xi32> to vector<16xi32>
      tpu.vector_store %arg9[%swap3A_576], %swap3A_579 {strides = array<i32>} : memref<80xi32, #tpu.memory_space<vmem>>, vector<16xi32>,
      %get3A_580 = arith.constant 1 : i32
      %get3A_581 = arith.index_cast %get3A_580 : i32 to index
      %get3A_582 = arith.constant 16 : index
      %get3A_583 = tpu.vector_load %arg7[%get3A_581, %get3A_582] {strides = array<i32>} : memref<2x80xi32, #tpu.memory_space<vmem>>, vector<1x16xi32>,
      %get3A_584 = vector.shape_cast %get3A_583 : vector<1x16xi32> to vector<16xi32>
      %swap3A_585 = arith.constant 16 : index
      %swap3A_586 = tpu.vector_load %arg11[%swap3A_585] {strides = array<i32>} : memref<80xi32, #tpu.memory_space<vmem>>, vector<16xi32>,
      %swap3A_587 = vector.shape_cast %swap3A_586 : vector<16xi32> to vector<16xi32>
      %swap3A_588 = vector.shape_cast %get3A_584 : vector<16xi32> to vector<16xi32>
      tpu.vector_store %arg11[%swap3A_585], %swap3A_588 {strides = array<i32>} : memref<80xi32, #tpu.memory_space<vmem>>, vector<16xi32>,
      %get3A_589 = arith.constant 0 : i32
      %get3A_590 = arith.index_cast %get3A_589 : i32 to index
      %get3A_591 = arith.constant 32 : index
      %get3A_592 = tpu.vector_load %arg7[%get3A_590, %get3A_591] {strides = array<i32>} : memref<2x80xi32, #tpu.memory_space<vmem>>, vector<1x16xi32>,
      %get3A_593 = vector.shape_cast %get3A_592 : vector<1x16xi32> to vector<16xi32>
      %swap3A_594 = arith.constant 32 : index
      %swap3A_595 = tpu.vector_load %arg9[%swap3A_594] {strides = array<i32>} : memref<80xi32, #tpu.memory_space<vmem>>, vector<16xi32>,
      %swap3A_596 = vector.shape_cast %swap3A_595 : vector<16xi32> to vector<16xi32>
      %swap3A_597 = vector.shape_cast %get3A_593 : vector<16xi32> to vector<16xi32>
      tpu.vector_store %arg9[%swap3A_594], %swap3A_597 {strides = array<i32>} : memref<80xi32, #tpu.memory_space<vmem>>, vector<16xi32>,
      %get3A_598 = arith.constant 1 : i32
      %get3A_599 = arith.index_cast %get3A_598 : i32 to index
      %get3A_600 = arith.constant 32 : index
      %get3A_601 = tpu.vector_load %arg7[%get3A_599, %get3A_600] {strides = array<i32>} : memref<2x80xi32, #tpu.memory_space<vmem>>, vector<1x16xi32>,
      %get3A_602 = vector.shape_cast %get3A_601 : vector<1x16xi32> to vector<16xi32>
      %swap3A_603 = arith.constant 32 : index
      %swap3A_604 = tpu.vector_load %arg11[%swap3A_603] {strides = array<i32>} : memref<80xi32, #tpu.memory_space<vmem>>, vector<16xi32>,
      %swap3A_605 = vector.shape_cast %swap3A_604 : vector<16xi32> to vector<16xi32>
      %swap3A_606 = vector.shape_cast %get3A_602 : vector<16xi32> to vector<16xi32>
      tpu.vector_store %arg11[%swap3A_603], %swap3A_606 {strides = array<i32>} : memref<80xi32, #tpu.memory_space<vmem>>, vector<16xi32>,
      %get3A_607 = arith.constant 0 : i32
      %get3A_608 = arith.index_cast %get3A_607 : i32 to index
      %get3A_609 = arith.constant 48 : index
      %get3A_610 = tpu.vector_load %arg7[%get3A_608, %get3A_609] {strides = array<i32>} : memref<2x80xi32, #tpu.memory_space<vmem>>, vector<1x16xi32>,
      %get3A_611 = vector.shape_cast %get3A_610 : vector<1x16xi32> to vector<16xi32>
      %swap3A_612 = arith.constant 48 : index
      %swap3A_613 = tpu.vector_load %arg9[%swap3A_612] {strides = array<i32>} : memref<80xi32, #tpu.memory_space<vmem>>, vector<16xi32>,
      %swap3A_614 = vector.shape_cast %swap3A_613 : vector<16xi32> to vector<16xi32>
      %swap3A_615 = vector.shape_cast %get3A_611 : vector<16xi32> to vector<16xi32>
      tpu.vector_store %arg9[%swap3A_612], %swap3A_615 {strides = array<i32>} : memref<80xi32, #tpu.memory_space<vmem>>, vector<16xi32>,
      %get3A_616 = arith.constant 1 : i32
      %get3A_617 = arith.index_cast %get3A_616 : i32 to index
      %get3A_618 = arith.constant 48 : index
      %get3A_619 = tpu.vector_load %arg7[%get3A_617, %get3A_618] {strides = array<i32>} : memref<2x80xi32, #tpu.memory_space<vmem>>, vector<1x16xi32>,
      %get3A_620 = vector.shape_cast %get3A_619 : vector<1x16xi32> to vector<16xi32>
      %swap3A_621 = arith.constant 48 : index
      %swap3A_622 = tpu.vector_load %arg11[%swap3A_621] {strides = array<i32>} : memref<80xi32, #tpu.memory_space<vmem>>, vector<16xi32>,
      %swap3A_623 = vector.shape_cast %swap3A_622 : vector<16xi32> to vector<16xi32>
      %swap3A_624 = vector.shape_cast %get3A_620 : vector<16xi32> to vector<16xi32>
      tpu.vector_store %arg11[%swap3A_621], %swap3A_624 {strides = array<i32>} : memref<80xi32, #tpu.memory_space<vmem>>, vector<16xi32>,
      %get3A_625 = arith.constant 0 : i32
      %get3A_626 = arith.index_cast %get3A_625 : i32 to index
      %get3A_627 = arith.constant 64 : index
      %get3A_628 = tpu.vector_load %arg7[%get3A_626, %get3A_627] {strides = array<i32>} : memref<2x80xi32, #tpu.memory_space<vmem>>, vector<1x16xi32>,
      %get3A_629 = vector.shape_cast %get3A_628 : vector<1x16xi32> to vector<16xi32>
      %swap3A_630 = arith.constant 64 : index
      %swap3A_631 = tpu.vector_load %arg9[%swap3A_630] {strides = array<i32>} : memref<80xi32, #tpu.memory_space<vmem>>, vector<16xi32>,
      %swap3A_632 = vector.shape_cast %swap3A_631 : vector<16xi32> to vector<16xi32>
      %swap3A_633 = vector.shape_cast %get3A_629 : vector<16xi32> to vector<16xi32>
      tpu.vector_store %arg9[%swap3A_630], %swap3A_633 {strides = array<i32>} : memref<80xi32, #tpu.memory_space<vmem>>, vector<16xi32>,
      %get3A_634 = arith.constant 1 : i32
      %get3A_635 = arith.index_cast %get3A_634 : i32 to index
      %get3A_636 = arith.constant 64 : index
      %get3A_637 = tpu.vector_load %arg7[%get3A_635, %get3A_636] {strides = array<i32>} : memref<2x80xi32, #tpu.memory_space<vmem>>, vector<1x16xi32>,
      %get3A_638 = vector.shape_cast %get3A_637 : vector<1x16xi32> to vector<16xi32>
      %swap3A_639 = arith.constant 64 : index
      %swap3A_640 = tpu.vector_load %arg11[%swap3A_639] {strides = array<i32>} : memref<80xi32, #tpu.memory_space<vmem>>, vector<16xi32>,
      %swap3A_641 = vector.shape_cast %swap3A_640 : vector<16xi32> to vector<16xi32>
      %swap3A_642 = vector.shape_cast %get3A_638 : vector<16xi32> to vector<16xi32>
      tpu.vector_store %arg11[%swap3A_639], %swap3A_642 {strides = array<i32>} : memref<80xi32, #tpu.memory_space<vmem>>, vector<16xi32>,
      %add3A_643 = arith.constant 1 : i32
      %add3A_644 = arith.addi %add3A_537, %add3A_643 : i32
      %dma_start3A_645 = arith.constant 0 : i32
      %dma_start3A_646 = arith.constant 0 : i32
      %dma_start3A_647 = tpu.memref_slice %arg4[%add3A_644, %dma_start3A_645, %dma_start3A_646] : memref<4000x2x80xi32, #tpu.memory_space<hbm>> -> memref<1x2x80xi32, #tpu.memory_space<hbm>>
      %dma_start3A_648 = tpu.memref_squeeze %dma_start3A_647 : memref<1x2x80xi32, #tpu.memory_space<hbm>> -> memref<2x80xi32, #tpu.memory_space<hbm>>
      %dma_start3A_649 = arith.constant 0 : i32
      %dma_start3A_650 = arith.constant 0 : i32
      %dma_start3A_651 = tpu.memref_slice %arg4[%add3A_644, %dma_start3A_649, %dma_start3A_650] : memref<4000x2x80xi32, #tpu.memory_space<hbm>> -> memref<1x2x80xi32, #tpu.memory_space<hbm>>
      %dma_start3A_652 = tpu.memref_squeeze %dma_start3A_651 : memref<1x2x80xi32, #tpu.memory_space<hbm>> -> memref<2x80xi32, #tpu.memory_space<hbm>>
      tpu.enqueue_dma source(%dma_start3A_652 : memref<2x80xi32, #tpu.memory_space<hbm>>) target(%arg8 : memref<2x80xi32, #tpu.memory_space<vmem>>) target_semaphore(%arg22 : memref<!tpu.dma_semaphore, #tpu.memory_space<semaphore_mem>>)
      %dma_start3A_653 = arith.constant 0 : i32
      %dma_start3A_654 = arith.constant 0 : i32
      %dma_start3A_655 = tpu.memref_slice %arg2[%dma_start3A_653, %dma_start3A_654] : memref<10000x128xf32, #tpu.memory_space<hbm>> -> memref<10000x128xf32, #tpu.memory_space<hbm>>
      tpu.enqueue_indirect_dma source(%dma_start3A_655 : memref<10000x128xf32, #tpu.memory_space<hbm>>) target(%arg15 : memref<80x128xf32, #tpu.memory_space<vmem>>) offsets(%arg9 : memref<80xi32, #tpu.memory_space<vmem>>) semaphore(%arg25 : memref<!tpu.dma_semaphore, #tpu.memory_space<semaphore_mem>>)
      %add3A_656 = arith.constant 1 : i32
      %add3A_657 = arith.addi %add3A_537, %add3A_656 : i32
      %mul3A_658 = arith.constant 80 : i32
      %mul3A_659 = arith.muli %add3A_657, %mul3A_658 : i32
      %dma_start3A_660 = arith.constant 0 : i32
      %dma_start3A_661 = tpu.memref_slice %arg3[%mul3A_659, %dma_start3A_660] : memref<320000x128xf32, #tpu.memory_space<hbm>> -> memref<80x128xf32, #tpu.memory_space<hbm>>
      %dma_start3A_662 = arith.constant 0 : i32
      %dma_start3A_663 = tpu.memref_slice %arg3[%mul3A_659, %dma_start3A_662] : memref<320000x128xf32, #tpu.memory_space<hbm>> -> memref<80x128xf32, #tpu.memory_space<hbm>>
      tpu.enqueue_dma source(%dma_start3A_663 : memref<80x128xf32, #tpu.memory_space<hbm>>) target(%arg14 : memref<80x128xf32, #tpu.memory_space<vmem>>) target_semaphore(%arg24 : memref<!tpu.dma_semaphore, #tpu.memory_space<semaphore_mem>>)
      %dma_wait3A_664 = arith.constant 0 : i32
      %dma_wait3A_665 = arith.constant 0 : i32
      %dma_wait3A_666 = tpu.memref_slice %arg3[%dma_wait3A_664, %dma_wait3A_665] : memref<320000x128xf32, #tpu.memory_space<hbm>> -> memref<80x128xf32, #tpu.memory_space<hbm>>
      %dma_wait3A_667 = arith.constant 0 : i32
      %dma_wait3A_668 = arith.constant 0 : i32
      %dma_wait3A_669 = tpu.memref_slice %arg3[%dma_wait3A_667, %dma_wait3A_668] : memref<320000x128xf32, #tpu.memory_space<hbm>> -> memref<80x128xf32, #tpu.memory_space<hbm>>
      tpu.wait_dma2 semaphore(%arg23 : memref<!tpu.dma_semaphore, #tpu.memory_space<semaphore_mem>>) src(%dma_wait3A_669 : memref<80x128xf32, #tpu.memory_space<hbm>>) dst(%arg13 : memref<80x128xf32, #tpu.memory_space<vmem>>)
      %dma_wait3A_670 = arith.constant 0 : i32
      %dma_wait3A_671 = arith.constant 0 : i32
      %dma_wait3A_672 = tpu.memref_slice %arg2[%dma_wait3A_670, %dma_wait3A_671] : memref<10000x128xf32, #tpu.memory_space<hbm>> -> memref<10000x128xf32, #tpu.memory_space<hbm>>
      tpu.wait_indirect_dma semaphore(%arg25 : memref<!tpu.dma_semaphore, #tpu.memory_space<semaphore_mem>>) src(%dma_wait3A_672 : memref<10000x128xf32, #tpu.memory_space<hbm>>) dst(%arg15 : memref<80x128xf32, #tpu.memory_space<vmem>>)
      %scan3A_673 = arith.constant 0 : i32
      %scan3A_674 = arith.constant 80 : i32
      %scan3A_675 = arith.addi %scan3A_673, %scan3A_674 : i32
      %scan3A_676 = arith.constant 1 : i32
      scf.for %scan3A_832 = %scan3A_673 to %scan3A_675 step %scan3A_676  : i32 {
        %mul3A_833 = arith.constant 1 : i32
        %mul3A_834 = arith.muli %scan3A_832, %mul3A_833 : i32
        %add3A_835 = arith.constant 0 : i32
        %add3A_836 = arith.addi %add3A_835, %mul3A_834 : i32
        %get3A_837 = arith.index_cast %add3A_836 : i32 to index
        %get3A_838 = arith.constant 0 : index
        %get3A_839 = tpu.vector_load %arg15[%get3A_837, %get3A_838] {strides = array<i32>} : memref<80x128xf32, #tpu.memory_space<vmem>>, vector<1x16xf32>,
        %get3A_840 = vector.shape_cast %get3A_839 : vector<1x16xf32> to vector<16xf32>
        %get3A_841 = arith.index_cast %add3A_836 : i32 to index
        %get3A_842 = arith.constant 0 : index
        %get3A_843 = tpu.vector_load %arg13[%get3A_841, %get3A_842] {strides = array<i32>} : memref<80x128xf32, #tpu.memory_space<vmem>>, vector<1x16xf32>,
        %get3A_844 = vector.shape_cast %get3A_843 : vector<1x16xf32> to vector<16xf32>
        %mul3A_845 = arith.mulf %get3A_840, %get3A_844 : vector<16xf32>
        %swap3A_846 = arith.index_cast %add3A_836 : i32 to index
        %swap3A_847 = arith.constant 0 : index
        %swap3A_848 = tpu.vector_load %arg15[%swap3A_846, %swap3A_847] {strides = array<i32>} : memref<80x128xf32, #tpu.memory_space<vmem>>, vector<1x16xf32>,
        %swap3A_849 = vector.shape_cast %swap3A_848 : vector<1x16xf32> to vector<16xf32>
        %swap3A_850 = vector.shape_cast %mul3A_845 : vector<16xf32> to vector<1x16xf32>
        tpu.vector_store %arg15[%swap3A_846, %swap3A_847], %swap3A_850 {strides = array<i32>} : memref<80x128xf32, #tpu.memory_space<vmem>>, vector<1x16xf32>,
        %get3A_851 = arith.index_cast %add3A_836 : i32 to index
        %get3A_852 = arith.constant 16 : index
        %get3A_853 = tpu.vector_load %arg15[%get3A_851, %get3A_852] {strides = array<i32>} : memref<80x128xf32, #tpu.memory_space<vmem>>, vector<1x16xf32>,
        %get3A_854 = vector.shape_cast %get3A_853 : vector<1x16xf32> to vector<16xf32>
        %get3A_855 = arith.index_cast %add3A_836 : i32 to index
        %get3A_856 = arith.constant 16 : index
        %get3A_857 = tpu.vector_load %arg13[%get3A_855, %get3A_856] {strides = array<i32>} : memref<80x128xf32, #tpu.memory_space<vmem>>, vector<1x16xf32>,
        %get3A_858 = vector.shape_cast %get3A_857 : vector<1x16xf32> to vector<16xf32>
        %mul3A_859 = arith.mulf %get3A_854, %get3A_858 : vector<16xf32>
        %swap3A_860 = arith.index_cast %add3A_836 : i32 to index
        %swap3A_861 = arith.constant 16 : index
        %swap3A_862 = tpu.vector_load %arg15[%swap3A_860, %swap3A_861] {strides = array<i32>} : memref<80x128xf32, #tpu.memory_space<vmem>>, vector<1x16xf32>,
        %swap3A_863 = vector.shape_cast %swap3A_862 : vector<1x16xf32> to vector<16xf32>
        %swap3A_864 = vector.shape_cast %mul3A_859 : vector<16xf32> to vector<1x16xf32>
        tpu.vector_store %arg15[%swap3A_860, %swap3A_861], %swap3A_864 {strides = array<i32>} : memref<80x128xf32, #tpu.memory_space<vmem>>, vector<1x16xf32>,
        %get3A_865 = arith.index_cast %add3A_836 : i32 to index
        %get3A_866 = arith.constant 32 : index
        %get3A_867 = tpu.vector_load %arg15[%get3A_865, %get3A_866] {strides = array<i32>} : memref<80x128xf32, #tpu.memory_space<vmem>>, vector<1x16xf32>,
        %get3A_868 = vector.shape_cast %get3A_867 : vector<1x16xf32> to vector<16xf32>
        %get3A_869 = arith.index_cast %add3A_836 : i32 to index
        %get3A_870 = arith.constant 32 : index
        %get3A_871 = tpu.vector_load %arg13[%get3A_869, %get3A_870] {strides = array<i32>} : memref<80x128xf32, #tpu.memory_space<vmem>>, vector<1x16xf32>,
        %get3A_872 = vector.shape_cast %get3A_871 : vector<1x16xf32> to vector<16xf32>
        %mul3A_873 = arith.mulf %get3A_868, %get3A_872 : vector<16xf32>
        %swap3A_874 = arith.index_cast %add3A_836 : i32 to index
        %swap3A_875 = arith.constant 32 : index
        %swap3A_876 = tpu.vector_load %arg15[%swap3A_874, %swap3A_875] {strides = array<i32>} : memref<80x128xf32, #tpu.memory_space<vmem>>, vector<1x16xf32>,
        %swap3A_877 = vector.shape_cast %swap3A_876 : vector<1x16xf32> to vector<16xf32>
        %swap3A_878 = vector.shape_cast %mul3A_873 : vector<16xf32> to vector<1x16xf32>
        tpu.vector_store %arg15[%swap3A_874, %swap3A_875], %swap3A_878 {strides = array<i32>} : memref<80x128xf32, #tpu.memory_space<vmem>>, vector<1x16xf32>,
        %get3A_879 = arith.index_cast %add3A_836 : i32 to index
        %get3A_880 = arith.constant 48 : index
        %get3A_881 = tpu.vector_load %arg15[%get3A_879, %get3A_880] {strides = array<i32>} : memref<80x128xf32, #tpu.memory_space<vmem>>, vector<1x16xf32>,
        %get3A_882 = vector.shape_cast %get3A_881 : vector<1x16xf32> to vector<16xf32>
        %get3A_883 = arith.index_cast %add3A_836 : i32 to index
        %get3A_884 = arith.constant 48 : index
        %get3A_885 = tpu.vector_load %arg13[%get3A_883, %get3A_884] {strides = array<i32>} : memref<80x128xf32, #tpu.memory_space<vmem>>, vector<1x16xf32>,
        %get3A_886 = vector.shape_cast %get3A_885 : vector<1x16xf32> to vector<16xf32>
        %mul3A_887 = arith.mulf %get3A_882, %get3A_886 : vector<16xf32>
        %swap3A_888 = arith.index_cast %add3A_836 : i32 to index
        %swap3A_889 = arith.constant 48 : index
        %swap3A_890 = tpu.vector_load %arg15[%swap3A_888, %swap3A_889] {strides = array<i32>} : memref<80x128xf32, #tpu.memory_space<vmem>>, vector<1x16xf32>,
        %swap3A_891 = vector.shape_cast %swap3A_890 : vector<1x16xf32> to vector<16xf32>
        %swap3A_892 = vector.shape_cast %mul3A_887 : vector<16xf32> to vector<1x16xf32>
        tpu.vector_store %arg15[%swap3A_888, %swap3A_889], %swap3A_892 {strides = array<i32>} : memref<80x128xf32, #tpu.memory_space<vmem>>, vector<1x16xf32>,
        %get3A_893 = arith.index_cast %add3A_836 : i32 to index
        %get3A_894 = arith.constant 64 : index
        %get3A_895 = tpu.vector_load %arg15[%get3A_893, %get3A_894] {strides = array<i32>} : memref<80x128xf32, #tpu.memory_space<vmem>>, vector<1x16xf32>,
        %get3A_896 = vector.shape_cast %get3A_895 : vector<1x16xf32> to vector<16xf32>
        %get3A_897 = arith.index_cast %add3A_836 : i32 to index
        %get3A_898 = arith.constant 64 : index
        %get3A_899 = tpu.vector_load %arg13[%get3A_897, %get3A_898] {strides = array<i32>} : memref<80x128xf32, #tpu.memory_space<vmem>>, vector<1x16xf32>,
        %get3A_900 = vector.shape_cast %get3A_899 : vector<1x16xf32> to vector<16xf32>
        %mul3A_901 = arith.mulf %get3A_896, %get3A_900 : vector<16xf32>
        %swap3A_902 = arith.index_cast %add3A_836 : i32 to index
        %swap3A_903 = arith.constant 64 : index
        %swap3A_904 = tpu.vector_load %arg15[%swap3A_902, %swap3A_903] {strides = array<i32>} : memref<80x128xf32, #tpu.memory_space<vmem>>, vector<1x16xf32>,
        %swap3A_905 = vector.shape_cast %swap3A_904 : vector<1x16xf32> to vector<16xf32>
        %swap3A_906 = vector.shape_cast %mul3A_901 : vector<16xf32> to vector<1x16xf32>
        tpu.vector_store %arg15[%swap3A_902, %swap3A_903], %swap3A_906 {strides = array<i32>} : memref<80x128xf32, #tpu.memory_space<vmem>>, vector<1x16xf32>,
        %get3A_907 = arith.index_cast %add3A_836 : i32 to index
        %get3A_908 = arith.constant 80 : index
        %get3A_909 = tpu.vector_load %arg15[%get3A_907, %get3A_908] {strides = array<i32>} : memref<80x128xf32, #tpu.memory_space<vmem>>, vector<1x16xf32>,
        %get3A_910 = vector.shape_cast %get3A_909 : vector<1x16xf32> to vector<16xf32>
        %get3A_911 = arith.index_cast %add3A_836 : i32 to index
        %get3A_912 = arith.constant 80 : index
        %get3A_913 = tpu.vector_load %arg13[%get3A_911, %get3A_912] {strides = array<i32>} : memref<80x128xf32, #tpu.memory_space<vmem>>, vector<1x16xf32>,
        %get3A_914 = vector.shape_cast %get3A_913 : vector<1x16xf32> to vector<16xf32>
        %mul3A_915 = arith.mulf %get3A_910, %get3A_914 : vector<16xf32>
        %swap3A_916 = arith.index_cast %add3A_836 : i32 to index
        %swap3A_917 = arith.constant 80 : index
        %swap3A_918 = tpu.vector_load %arg15[%swap3A_916, %swap3A_917] {strides = array<i32>} : memref<80x128xf32, #tpu.memory_space<vmem>>, vector<1x16xf32>,
        %swap3A_919 = vector.shape_cast %swap3A_918 : vector<1x16xf32> to vector<16xf32>
        %swap3A_920 = vector.shape_cast %mul3A_915 : vector<16xf32> to vector<1x16xf32>
        tpu.vector_store %arg15[%swap3A_916, %swap3A_917], %swap3A_920 {strides = array<i32>} : memref<80x128xf32, #tpu.memory_space<vmem>>, vector<1x16xf32>,
        %get3A_921 = arith.index_cast %add3A_836 : i32 to index
        %get3A_922 = arith.constant 96 : index
        %get3A_923 = tpu.vector_load %arg15[%get3A_921, %get3A_922] {strides = array<i32>} : memref<80x128xf32, #tpu.memory_space<vmem>>, vector<1x16xf32>,
        %get3A_924 = vector.shape_cast %get3A_923 : vector<1x16xf32> to vector<16xf32>
        %get3A_925 = arith.index_cast %add3A_836 : i32 to index
        %get3A_926 = arith.constant 96 : index
        %get3A_927 = tpu.vector_load %arg13[%get3A_925, %get3A_926] {strides = array<i32>} : memref<80x128xf32, #tpu.memory_space<vmem>>, vector<1x16xf32>,
        %get3A_928 = vector.shape_cast %get3A_927 : vector<1x16xf32> to vector<16xf32>
        %mul3A_929 = arith.mulf %get3A_924, %get3A_928 : vector<16xf32>
        %swap3A_930 = arith.index_cast %add3A_836 : i32 to index
        %swap3A_931 = arith.constant 96 : index
        %swap3A_932 = tpu.vector_load %arg15[%swap3A_930, %swap3A_931] {strides = array<i32>} : memref<80x128xf32, #tpu.memory_space<vmem>>, vector<1x16xf32>,
        %swap3A_933 = vector.shape_cast %swap3A_932 : vector<1x16xf32> to vector<16xf32>
        %swap3A_934 = vector.shape_cast %mul3A_929 : vector<16xf32> to vector<1x16xf32>
        tpu.vector_store %arg15[%swap3A_930, %swap3A_931], %swap3A_934 {strides = array<i32>} : memref<80x128xf32, #tpu.memory_space<vmem>>, vector<1x16xf32>,
        %get3A_935 = arith.index_cast %add3A_836 : i32 to index
        %get3A_936 = arith.constant 112 : index
        %get3A_937 = tpu.vector_load %arg15[%get3A_935, %get3A_936] {strides = array<i32>} : memref<80x128xf32, #tpu.memory_space<vmem>>, vector<1x16xf32>,
        %get3A_938 = vector.shape_cast %get3A_937 : vector<1x16xf32> to vector<16xf32>
        %get3A_939 = arith.index_cast %add3A_836 : i32 to index
        %get3A_940 = arith.constant 112 : index
        %get3A_941 = tpu.vector_load %arg13[%get3A_939, %get3A_940] {strides = array<i32>} : memref<80x128xf32, #tpu.memory_space<vmem>>, vector<1x16xf32>,
        %get3A_942 = vector.shape_cast %get3A_941 : vector<1x16xf32> to vector<16xf32>
        %mul3A_943 = arith.mulf %get3A_938, %get3A_942 : vector<16xf32>
        %swap3A_944 = arith.index_cast %add3A_836 : i32 to index
        %swap3A_945 = arith.constant 112 : index
        %swap3A_946 = tpu.vector_load %arg15[%swap3A_944, %swap3A_945] {strides = array<i32>} : memref<80x128xf32, #tpu.memory_space<vmem>>, vector<1x16xf32>,
        %swap3A_947 = vector.shape_cast %swap3A_946 : vector<1x16xf32> to vector<16xf32>
        %swap3A_948 = vector.shape_cast %mul3A_943 : vector<16xf32> to vector<1x16xf32>
        tpu.vector_store %arg15[%swap3A_944, %swap3A_945], %swap3A_948 {strides = array<i32>} : memref<80x128xf32, #tpu.memory_space<vmem>>, vector<1x16xf32>,
      }
      %scan3A_677 = arith.constant 80 : i32
      %dma_start3A_678 = arith.constant 0 : i32
      %dma_start3A_679 = arith.constant 0 : i32
      %dma_start3A_680 = tpu.memref_slice %arg19[%dma_start3A_678, %dma_start3A_679] : memref<10000x128xf32, #tpu.memory_space<vmem_shared>> -> memref<10000x128xf32, #tpu.memory_space<vmem_shared>>
      tpu.enqueue_indirect_dma source(%arg15 : memref<80x128xf32, #tpu.memory_space<vmem>>) target(%dma_start3A_680 : memref<10000x128xf32, #tpu.memory_space<vmem_shared>>) offsets(%arg11 : memref<80xi32, #tpu.memory_space<vmem>>) semaphore(%arg27 : memref<!tpu.dma_semaphore, #tpu.memory_space<semaphore_mem>>) {add = true}
      %dma_start3A_681 = arith.constant 0 : i32
      %dma_start3A_682 = arith.constant 0 : i32
      %dma_start3A_683 = tpu.memref_slice %arg20[%dma_start3A_681, %dma_start3A_682] : memref<10240x8xf32, #tpu.memory_space<vmem_shared>> -> memref<10240x8xf32, #tpu.memory_space<vmem_shared>>
      tpu.enqueue_indirect_dma source(%arg17 : memref<80x8xf32, #tpu.memory_space<vmem>>) target(%dma_start3A_683 : memref<10240x8xf32, #tpu.memory_space<vmem_shared>>) offsets(%arg11 : memref<80xi32, #tpu.memory_space<vmem>>) semaphore(%arg29 : memref<!tpu.dma_semaphore, #tpu.memory_space<semaphore_mem>>) {add = true}
      %add3A_684 = arith.constant 1 : i32
      %add3A_685 = arith.addi %add3A_537, %add3A_684 : i32
      %dma_wait3A_686 = arith.constant 0 : i32
      %dma_wait3A_687 = arith.constant 0 : i32
      %dma_wait3A_688 = tpu.memref_slice %arg19[%dma_wait3A_686, %dma_wait3A_687] : memref<10000x128xf32, #tpu.memory_space<vmem_shared>> -> memref<10000x128xf32, #tpu.memory_space<vmem_shared>>
      tpu.wait_indirect_dma semaphore(%arg28 : memref<!tpu.dma_semaphore, #tpu.memory_space<semaphore_mem>>) src(%arg16 : memref<80x128xf32, #tpu.memory_space<vmem>>) dst(%dma_wait3A_688 : memref<10000x128xf32, #tpu.memory_space<vmem_shared>>)
      %dma_wait3A_689 = arith.constant 0 : i32
      %dma_wait3A_690 = arith.constant 0 : i32
      %dma_wait3A_691 = tpu.memref_slice %arg20[%dma_wait3A_689, %dma_wait3A_690] : memref<10240x8xf32, #tpu.memory_space<vmem_shared>> -> memref<10240x8xf32, #tpu.memory_space<vmem_shared>>
      tpu.wait_indirect_dma semaphore(%arg30 : memref<!tpu.dma_semaphore, #tpu.memory_space<semaphore_mem>>) src(%arg17 : memref<80x8xf32, #tpu.memory_space<vmem>>) dst(%dma_wait3A_691 : memref<10240x8xf32, #tpu.memory_space<vmem_shared>>)
      %dma_wait3A_692 = arith.constant 0 : i32
      %dma_wait3A_693 = arith.constant 0 : i32
      %dma_wait3A_694 = arith.constant 0 : i32
      %dma_wait3A_695 = tpu.memref_slice %arg4[%dma_wait3A_692, %dma_wait3A_693, %dma_wait3A_694] : memref<4000x2x80xi32, #tpu.memory_space<hbm>> -> memref<1x2x80xi32, #tpu.memory_space<hbm>>
      %dma_wait3A_696 = tpu.memref_squeeze %dma_wait3A_695 : memref<1x2x80xi32, #tpu.memory_space<hbm>> -> memref<2x80xi32, #tpu.memory_space<hbm>>
      %dma_wait3A_697 = arith.constant 0 : i32
      %dma_wait3A_698 = arith.constant 0 : i32
      %dma_wait3A_699 = tpu.memref_slice %arg4[%dma_wait3A_692, %dma_wait3A_697, %dma_wait3A_698] : memref<4000x2x80xi32, #tpu.memory_space<hbm>> -> memref<1x2x80xi32, #tpu.memory_space<hbm>>
      %dma_wait3A_700 = tpu.memref_squeeze %dma_wait3A_699 : memref<1x2x80xi32, #tpu.memory_space<hbm>> -> memref<2x80xi32, #tpu.memory_space<hbm>>
      tpu.wait_dma2 semaphore(%arg22 : memref<!tpu.dma_semaphore, #tpu.memory_space<semaphore_mem>>) src(%dma_wait3A_700 : memref<2x80xi32, #tpu.memory_space<hbm>>) dst(%arg8 : memref<2x80xi32, #tpu.memory_space<vmem>>)
      %get3A_701 = arith.constant 0 : i32
      %get3A_702 = arith.index_cast %get3A_701 : i32 to index
      %get3A_703 = arith.constant 0 : index
      %get3A_704 = tpu.vector_load %arg8[%get3A_702, %get3A_703] {strides = array<i32>} : memref<2x80xi32, #tpu.memory_space<vmem>>, vector<1x16xi32>,
      %get3A_705 = vector.shape_cast %get3A_704 : vector<1x16xi32> to vector<16xi32>
      %swap3A_706 = arith.constant 0 : index
      %swap3A_707 = tpu.vector_load %arg10[%swap3A_706] {strides = array<i32>} : memref<80xi32, #tpu.memory_space<vmem>>, vector<16xi32>,
      %swap3A_708 = vector.shape_cast %swap3A_707 : vector<16xi32> to vector<16xi32>
      %swap3A_709 = vector.shape_cast %get3A_705 : vector<16xi32> to vector<16xi32>
      tpu.vector_store %arg10[%swap3A_706], %swap3A_709 {strides = array<i32>} : memref<80xi32, #tpu.memory_space<vmem>>, vector<16xi32>,
      %get3A_710 = arith.constant 1 : i32
      %get3A_711 = arith.index_cast %get3A_710 : i32 to index
      %get3A_712 = arith.constant 0 : index
      %get3A_713 = tpu.vector_load %arg8[%get3A_711, %get3A_712] {strides = array<i32>} : memref<2x80xi32, #tpu.memory_space<vmem>>, vector<1x16xi32>,
      %get3A_714 = vector.shape_cast %get3A_713 : vector<1x16xi32> to vector<16xi32>
      %swap3A_715 = arith.constant 0 : index
      %swap3A_716 = tpu.vector_load %arg12[%swap3A_715] {strides = array<i32>} : memref<80xi32, #tpu.memory_space<vmem>>, vector<16xi32>,
      %swap3A_717 = vector.shape_cast %swap3A_716 : vector<16xi32> to vector<16xi32>
      %swap3A_718 = vector.shape_cast %get3A_714 : vector<16xi32> to vector<16xi32>
      tpu.vector_store %arg12[%swap3A_715], %swap3A_718 {strides = array<i32>} : memref<80xi32, #tpu.memory_space<vmem>>, vector<16xi32>,
      %get3A_719 = arith.constant 0 : i32
      %get3A_720 = arith.index_cast %get3A_719 : i32 to index
      %get3A_721 = arith.constant 16 : index
      %get3A_722 = tpu.vector_load %arg8[%get3A_720, %get3A_721] {strides = array<i32>} : memref<2x80xi32, #tpu.memory_space<vmem>>, vector<1x16xi32>,
      %get3A_723 = vector.shape_cast %get3A_722 : vector<1x16xi32> to vector<16xi32>
      %swap3A_724 = arith.constant 16 : index
      %swap3A_725 = tpu.vector_load %arg10[%swap3A_724] {strides = array<i32>} : memref<80xi32, #tpu.memory_space<vmem>>, vector<16xi32>,
      %swap3A_726 = vector.shape_cast %swap3A_725 : vector<16xi32> to vector<16xi32>
      %swap3A_727 = vector.shape_cast %get3A_723 : vector<16xi32> to vector<16xi32>
      tpu.vector_store %arg10[%swap3A_724], %swap3A_727 {strides = array<i32>} : memref<80xi32, #tpu.memory_space<vmem>>, vector<16xi32>,
      %get3A_728 = arith.constant 1 : i32
      %get3A_729 = arith.index_cast %get3A_728 : i32 to index
      %get3A_730 = arith.constant 16 : index
      %get3A_731 = tpu.vector_load %arg8[%get3A_729, %get3A_730] {strides = array<i32>} : memref<2x80xi32, #tpu.memory_space<vmem>>, vector<1x16xi32>,
      %get3A_732 = vector.shape_cast %get3A_731 : vector<1x16xi32> to vector<16xi32>
      %swap3A_733 = arith.constant 16 : index
      %swap3A_734 = tpu.vector_load %arg12[%swap3A_733] {strides = array<i32>} : memref<80xi32, #tpu.memory_space<vmem>>, vector<16xi32>,
      %swap3A_735 = vector.shape_cast %swap3A_734 : vector<16xi32> to vector<16xi32>
      %swap3A_736 = vector.shape_cast %get3A_732 : vector<16xi32> to vector<16xi32>
      tpu.vector_store %arg12[%swap3A_733], %swap3A_736 {strides = array<i32>} : memref<80xi32, #tpu.memory_space<vmem>>, vector<16xi32>,
      %get3A_737 = arith.constant 0 : i32
      %get3A_738 = arith.index_cast %get3A_737 : i32 to index
      %get3A_739 = arith.constant 32 : index
      %get3A_740 = tpu.vector_load %arg8[%get3A_738, %get3A_739] {strides = array<i32>} : memref<2x80xi32, #tpu.memory_space<vmem>>, vector<1x16xi32>,
      %get3A_741 = vector.shape_cast %get3A_740 : vector<1x16xi32> to vector<16xi32>
      %swap3A_742 = arith.constant 32 : index
      %swap3A_743 = tpu.vector_load %arg10[%swap3A_742] {strides = array<i32>} : memref<80xi32, #tpu.memory_space<vmem>>, vector<16xi32>,
      %swap3A_744 = vector.shape_cast %swap3A_743 : vector<16xi32> to vector<16xi32>
      %swap3A_745 = vector.shape_cast %get3A_741 : vector<16xi32> to vector<16xi32>
      tpu.vector_store %arg10[%swap3A_742], %swap3A_745 {strides = array<i32>} : memref<80xi32, #tpu.memory_space<vmem>>, vector<16xi32>,
      %get3A_746 = arith.constant 1 : i32
      %get3A_747 = arith.index_cast %get3A_746 : i32 to index
      %get3A_748 = arith.constant 32 : index
      %get3A_749 = tpu.vector_load %arg8[%get3A_747, %get3A_748] {strides = array<i32>} : memref<2x80xi32, #tpu.memory_space<vmem>>, vector<1x16xi32>,
      %get3A_750 = vector.shape_cast %get3A_749 : vector<1x16xi32> to vector<16xi32>
      %swap3A_751 = arith.constant 32 : index
      %swap3A_752 = tpu.vector_load %arg12[%swap3A_751] {strides = array<i32>} : memref<80xi32, #tpu.memory_space<vmem>>, vector<16xi32>,
      %swap3A_753 = vector.shape_cast %swap3A_752 : vector<16xi32> to vector<16xi32>
      %swap3A_754 = vector.shape_cast %get3A_750 : vector<16xi32> to vector<16xi32>
      tpu.vector_store %arg12[%swap3A_751], %swap3A_754 {strides = array<i32>} : memref<80xi32, #tpu.memory_space<vmem>>, vector<16xi32>,
      %get3A_755 = arith.constant 0 : i32
      %get3A_756 = arith.index_cast %get3A_755 : i32 to index
      %get3A_757 = arith.constant 48 : index
      %get3A_758 = tpu.vector_load %arg8[%get3A_756, %get3A_757] {strides = array<i32>} : memref<2x80xi32, #tpu.memory_space<vmem>>, vector<1x16xi32>,
      %get3A_759 = vector.shape_cast %get3A_758 : vector<1x16xi32> to vector<16xi32>
      %swap3A_760 = arith.constant 48 : index
      %swap3A_761 = tpu.vector_load %arg10[%swap3A_760] {strides = array<i32>} : memref<80xi32, #tpu.memory_space<vmem>>, vector<16xi32>,
      %swap3A_762 = vector.shape_cast %swap3A_761 : vector<16xi32> to vector<16xi32>
      %swap3A_763 = vector.shape_cast %get3A_759 : vector<16xi32> to vector<16xi32>
      tpu.vector_store %arg10[%swap3A_760], %swap3A_763 {strides = array<i32>} : memref<80xi32, #tpu.memory_space<vmem>>, vector<16xi32>,
      %get3A_764 = arith.constant 1 : i32
      %get3A_765 = arith.index_cast %get3A_764 : i32 to index
      %get3A_766 = arith.constant 48 : index
      %get3A_767 = tpu.vector_load %arg8[%get3A_765, %get3A_766] {strides = array<i32>} : memref<2x80xi32, #tpu.memory_space<vmem>>, vector<1x16xi32>,
      %get3A_768 = vector.shape_cast %get3A_767 : vector<1x16xi32> to vector<16xi32>
      %swap3A_769 = arith.constant 48 : index
      %swap3A_770 = tpu.vector_load %arg12[%swap3A_769] {strides = array<i32>} : memref<80xi32, #tpu.memory_space<vmem>>, vector<16xi32>,
      %swap3A_771 = vector.shape_cast %swap3A_770 : vector<16xi32> to vector<16xi32>
      %swap3A_772 = vector.shape_cast %get3A_768 : vector<16xi32> to vector<16xi32>
      tpu.vector_store %arg12[%swap3A_769], %swap3A_772 {strides = array<i32>} : memref<80xi32, #tpu.memory_space<vmem>>, vector<16xi32>,
      %get3A_773 = arith.constant 0 : i32
      %get3A_774 = arith.index_cast %get3A_773 : i32 to index
      %get3A_775 = arith.constant 64 : index
      %get3A_776 = tpu.vector_load %arg8[%get3A_774, %get3A_775] {strides = array<i32>} : memref<2x80xi32, #tpu.memory_space<vmem>>, vector<1x16xi32>,
      %get3A_777 = vector.shape_cast %get3A_776 : vector<1x16xi32> to vector<16xi32>
      %swap3A_778 = arith.constant 64 : index
      %swap3A_779 = tpu.vector_load %arg10[%swap3A_778] {strides = array<i32>} : memref<80xi32, #tpu.memory_space<vmem>>, vector<16xi32>,
      %swap3A_780 = vector.shape_cast %swap3A_779 : vector<16xi32> to vector<16xi32>
      %swap3A_781 = vector.shape_cast %get3A_777 : vector<16xi32> to vector<16xi32>
      tpu.vector_store %arg10[%swap3A_778], %swap3A_781 {strides = array<i32>} : memref<80xi32, #tpu.memory_space<vmem>>, vector<16xi32>,
      %get3A_782 = arith.constant 1 : i32
      %get3A_783 = arith.index_cast %get3A_782 : i32 to index
      %get3A_784 = arith.constant 64 : index
      %get3A_785 = tpu.vector_load %arg8[%get3A_783, %get3A_784] {strides = array<i32>} : memref<2x80xi32, #tpu.memory_space<vmem>>, vector<1x16xi32>,
      %get3A_786 = vector.shape_cast %get3A_785 : vector<1x16xi32> to vector<16xi32>
      %swap3A_787 = arith.constant 64 : index
      %swap3A_788 = tpu.vector_load %arg12[%swap3A_787] {strides = array<i32>} : memref<80xi32, #tpu.memory_space<vmem>>, vector<16xi32>,
      %swap3A_789 = vector.shape_cast %swap3A_788 : vector<16xi32> to vector<16xi32>
      %swap3A_790 = vector.shape_cast %get3A_786 : vector<16xi32> to vector<16xi32>
      tpu.vector_store %arg12[%swap3A_787], %swap3A_790 {strides = array<i32>} : memref<80xi32, #tpu.memory_space<vmem>>, vector<16xi32>,
      %add3A_791 = arith.constant 1 : i32
      %add3A_792 = arith.addi %add3A_685, %add3A_791 : i32
      %dma_start3A_793 = arith.constant 0 : i32
      %dma_start3A_794 = arith.constant 0 : i32
      %dma_start3A_795 = tpu.memref_slice %arg4[%add3A_792, %dma_start3A_793, %dma_start3A_794] : memref<4000x2x80xi32, #tpu.memory_space<hbm>> -> memref<1x2x80xi32, #tpu.memory_space<hbm>>
      %dma_start3A_796 = tpu.memref_squeeze %dma_start3A_795 : memref<1x2x80xi32, #tpu.memory_space<hbm>> -> memref<2x80xi32, #tpu.memory_space<hbm>>
      %dma_start3A_797 = arith.constant 0 : i32
      %dma_start3A_798 = arith.constant 0 : i32
      %dma_start3A_799 = tpu.memref_slice %arg4[%add3A_792, %dma_start3A_797, %dma_start3A_798] : memref<4000x2x80xi32, #tpu.memory_space<hbm>> -> memref<1x2x80xi32, #tpu.memory_space<hbm>>
      %dma_start3A_800 = tpu.memref_squeeze %dma_start3A_799 : memref<1x2x80xi32, #tpu.memory_space<hbm>> -> memref<2x80xi32, #tpu.memory_space<hbm>>
      tpu.enqueue_dma source(%dma_start3A_800 : memref<2x80xi32, #tpu.memory_space<hbm>>) target(%arg7 : memref<2x80xi32, #tpu.memory_space<vmem>>) target_semaphore(%arg21 : memref<!tpu.dma_semaphore, #tpu.memory_space<semaphore_mem>>)
      %dma_start3A_801 = arith.constant 0 : i32
      %dma_start3A_802 = arith.constant 0 : i32
      %dma_start3A_803 = tpu.memref_slice %arg2[%dma_start3A_801, %dma_start3A_802] : memref<10000x128xf32, #tpu.memory_space<hbm>> -> memref<10000x128xf32, #tpu.memory_space<hbm>>
      tpu.enqueue_indirect_dma source(%dma_start3A_803 : memref<10000x128xf32, #tpu.memory_space<hbm>>) target(%arg16 : memref<80x128xf32, #tpu.memory_space<vmem>>) offsets(%arg10 : memref<80xi32, #tpu.memory_space<vmem>>) semaphore(%arg26 : memref<!tpu.dma_semaphore, #tpu.memory_space<semaphore_mem>>)
      %add3A_804 = arith.constant 1 : i32
      %add3A_805 = arith.addi %add3A_685, %add3A_804 : i32
      %mul3A_806 = arith.constant 80 : i32
      %mul3A_807 = arith.muli %add3A_805, %mul3A_806 : i32
      %dma_start3A_808 = arith.constant 0 : i32
      %dma_start3A_809 = tpu.memref_slice %arg3[%mul3A_807, %dma_start3A_808] : memref<320000x128xf32, #tpu.memory_space<hbm>> -> memref<80x128xf32, #tpu.memory_space<hbm>>
      %dma_start3A_810 = arith.constant 0 : i32
      %dma_start3A_811 = tpu.memref_slice %arg3[%mul3A_807, %dma_start3A_810] : memref<320000x128xf32, #tpu.memory_space<hbm>> -> memref<80x128xf32, #tpu.memory_space<hbm>>
      tpu.enqueue_dma source(%dma_start3A_811 : memref<80x128xf32, #tpu.memory_space<hbm>>) target(%arg13 : memref<80x128xf32, #tpu.memory_space<vmem>>) target_semaphore(%arg23 : memref<!tpu.dma_semaphore, #tpu.memory_space<semaphore_mem>>)
      %dma_wait3A_812 = arith.constant 0 : i32
      %dma_wait3A_813 = arith.constant 0 : i32
      %dma_wait3A_814 = tpu.memref_slice %arg3[%dma_wait3A_812, %dma_wait3A_813] : memref<320000x128xf32, #tpu.memory_space<hbm>> -> memref<80x128xf32, #tpu.memory_space<hbm>>
      %dma_wait3A_815 = arith.constant 0 : i32
      %dma_wait3A_816 = arith.constant 0 : i32
      %dma_wait3A_817 = tpu.memref_slice %arg3[%dma_wait3A_815, %dma_wait3A_816] : memref<320000x128xf32, #tpu.memory_space<hbm>> -> memref<80x128xf32, #tpu.memory_space<hbm>>
      tpu.wait_dma2 semaphore(%arg24 : memref<!tpu.dma_semaphore, #tpu.memory_space<semaphore_mem>>) src(%dma_wait3A_817 : memref<80x128xf32, #tpu.memory_space<hbm>>) dst(%arg14 : memref<80x128xf32, #tpu.memory_space<vmem>>)
      %dma_wait3A_818 = arith.constant 0 : i32
      %dma_wait3A_819 = arith.constant 0 : i32
      %dma_wait3A_820 = tpu.memref_slice %arg2[%dma_wait3A_818, %dma_wait3A_819] : memref<10000x128xf32, #tpu.memory_space<hbm>> -> memref<10000x128xf32, #tpu.memory_space<hbm>>
      tpu.wait_indirect_dma semaphore(%arg26 : memref<!tpu.dma_semaphore, #tpu.memory_space<semaphore_mem>>) src(%dma_wait3A_820 : memref<10000x128xf32, #tpu.memory_space<hbm>>) dst(%arg16 : memref<80x128xf32, #tpu.memory_space<vmem>>)
      %scan3A_821 = arith.constant 0 : i32
      %scan3A_822 = arith.constant 80 : i32
      %scan3A_823 = arith.addi %scan3A_821, %scan3A_822 : i32
      %scan3A_824 = arith.constant 1 : i32
      scf.for %scan3A_832 = %scan3A_821 to %scan3A_823 step %scan3A_824  : i32 {
        %mul3A_833 = arith.constant 1 : i32
        %mul3A_834 = arith.muli %scan3A_832, %mul3A_833 : i32
        %add3A_835 = arith.constant 0 : i32
        %add3A_836 = arith.addi %add3A_835, %mul3A_834 : i32
        %get3A_837 = arith.index_cast %add3A_836 : i32 to index
        %get3A_838 = arith.constant 0 : index
        %get3A_839 = tpu.vector_load %arg16[%get3A_837, %get3A_838] {strides = array<i32>} : memref<80x128xf32, #tpu.memory_space<vmem>>, vector<1x16xf32>,
        %get3A_840 = vector.shape_cast %get3A_839 : vector<1x16xf32> to vector<16xf32>
        %get3A_841 = arith.index_cast %add3A_836 : i32 to index
        %get3A_842 = arith.constant 0 : index
        %get3A_843 = tpu.vector_load %arg14[%get3A_841, %get3A_842] {strides = array<i32>} : memref<80x128xf32, #tpu.memory_space<vmem>>, vector<1x16xf32>,
        %get3A_844 = vector.shape_cast %get3A_843 : vector<1x16xf32> to vector<16xf32>
        %mul3A_845 = arith.mulf %get3A_840, %get3A_844 : vector<16xf32>
        %swap3A_846 = arith.index_cast %add3A_836 : i32 to index
        %swap3A_847 = arith.constant 0 : index
        %swap3A_848 = tpu.vector_load %arg16[%swap3A_846, %swap3A_847] {strides = array<i32>} : memref<80x128xf32, #tpu.memory_space<vmem>>, vector<1x16xf32>,
        %swap3A_849 = vector.shape_cast %swap3A_848 : vector<1x16xf32> to vector<16xf32>
        %swap3A_850 = vector.shape_cast %mul3A_845 : vector<16xf32> to vector<1x16xf32>
        tpu.vector_store %arg16[%swap3A_846, %swap3A_847], %swap3A_850 {strides = array<i32>} : memref<80x128xf32, #tpu.memory_space<vmem>>, vector<1x16xf32>,
        %get3A_851 = arith.index_cast %add3A_836 : i32 to index
        %get3A_852 = arith.constant 16 : index
        %get3A_853 = tpu.vector_load %arg16[%get3A_851, %get3A_852] {strides = array<i32>} : memref<80x128xf32, #tpu.memory_space<vmem>>, vector<1x16xf32>,
        %get3A_854 = vector.shape_cast %get3A_853 : vector<1x16xf32> to vector<16xf32>
        %get3A_855 = arith.index_cast %add3A_836 : i32 to index
        %get3A_856 = arith.constant 16 : index
        %get3A_857 = tpu.vector_load %arg14[%get3A_855, %get3A_856] {strides = array<i32>} : memref<80x128xf32, #tpu.memory_space<vmem>>, vector<1x16xf32>,
        %get3A_858 = vector.shape_cast %get3A_857 : vector<1x16xf32> to vector<16xf32>
        %mul3A_859 = arith.mulf %get3A_854, %get3A_858 : vector<16xf32>
        %swap3A_860 = arith.index_cast %add3A_836 : i32 to index
        %swap3A_861 = arith.constant 16 : index
        %swap3A_862 = tpu.vector_load %arg16[%swap3A_860, %swap3A_861] {strides = array<i32>} : memref<80x128xf32, #tpu.memory_space<vmem>>, vector<1x16xf32>,
        %swap3A_863 = vector.shape_cast %swap3A_862 : vector<1x16xf32> to vector<16xf32>
        %swap3A_864 = vector.shape_cast %mul3A_859 : vector<16xf32> to vector<1x16xf32>
        tpu.vector_store %arg16[%swap3A_860, %swap3A_861], %swap3A_864 {strides = array<i32>} : memref<80x128xf32, #tpu.memory_space<vmem>>, vector<1x16xf32>,
        %get3A_865 = arith.index_cast %add3A_836 : i32 to index
        %get3A_866 = arith.constant 32 : index
        %get3A_867 = tpu.vector_load %arg16[%get3A_865, %get3A_866] {strides = array<i32>} : memref<80x128xf32, #tpu.memory_space<vmem>>, vector<1x16xf32>,
        %get3A_868 = vector.shape_cast %get3A_867 : vector<1x16xf32> to vector<16xf32>
        %get3A_869 = arith.index_cast %add3A_836 : i32 to index
        %get3A_870 = arith.constant 32 : index
        %get3A_871 = tpu.vector_load %arg14[%get3A_869, %get3A_870] {strides = array<i32>} : memref<80x128xf32, #tpu.memory_space<vmem>>, vector<1x16xf32>,
        %get3A_872 = vector.shape_cast %get3A_871 : vector<1x16xf32> to vector<16xf32>
        %mul3A_873 = arith.mulf %get3A_868, %get3A_872 : vector<16xf32>
        %swap3A_874 = arith.index_cast %add3A_836 : i32 to index
        %swap3A_875 = arith.constant 32 : index
        %swap3A_876 = tpu.vector_load %arg16[%swap3A_874, %swap3A_875] {strides = array<i32>} : memref<80x128xf32, #tpu.memory_space<vmem>>, vector<1x16xf32>,
        %swap3A_877 = vector.shape_cast %swap3A_876 : vector<1x16xf32> to vector<16xf32>
        %swap3A_878 = vector.shape_cast %mul3A_873 : vector<16xf32> to vector<1x16xf32>
        tpu.vector_store %arg16[%swap3A_874, %swap3A_875], %swap3A_878 {strides = array<i32>} : memref<80x128xf32, #tpu.memory_space<vmem>>, vector<1x16xf32>,
        %get3A_879 = arith.index_cast %add3A_836 : i32 to index
        %get3A_880 = arith.constant 48 : index
        %get3A_881 = tpu.vector_load %arg16[%get3A_879, %get3A_880] {strides = array<i32>} : memref<80x128xf32, #tpu.memory_space<vmem>>, vector<1x16xf32>,
        %get3A_882 = vector.shape_cast %get3A_881 : vector<1x16xf32> to vector<16xf32>
        %get3A_883 = arith.index_cast %add3A_836 : i32 to index
        %get3A_884 = arith.constant 48 : index
        %get3A_885 = tpu.vector_load %arg14[%get3A_883, %get3A_884] {strides = array<i32>} : memref<80x128xf32, #tpu.memory_space<vmem>>, vector<1x16xf32>,
        %get3A_886 = vector.shape_cast %get3A_885 : vector<1x16xf32> to vector<16xf32>
        %mul3A_887 = arith.mulf %get3A_882, %get3A_886 : vector<16xf32>
        %swap3A_888 = arith.index_cast %add3A_836 : i32 to index
        %swap3A_889 = arith.constant 48 : index
        %swap3A_890 = tpu.vector_load %arg16[%swap3A_888, %swap3A_889] {strides = array<i32>} : memref<80x128xf32, #tpu.memory_space<vmem>>, vector<1x16xf32>,
        %swap3A_891 = vector.shape_cast %swap3A_890 : vector<1x16xf32> to vector<16xf32>
        %swap3A_892 = vector.shape_cast %mul3A_887 : vector<16xf32> to vector<1x16xf32>
        tpu.vector_store %arg16[%swap3A_888, %swap3A_889], %swap3A_892 {strides = array<i32>} : memref<80x128xf32, #tpu.memory_space<vmem>>, vector<1x16xf32>,
        %get3A_893 = arith.index_cast %add3A_836 : i32 to index
        %get3A_894 = arith.constant 64 : index
        %get3A_895 = tpu.vector_load %arg16[%get3A_893, %get3A_894] {strides = array<i32>} : memref<80x128xf32, #tpu.memory_space<vmem>>, vector<1x16xf32>,
        %get3A_896 = vector.shape_cast %get3A_895 : vector<1x16xf32> to vector<16xf32>
        %get3A_897 = arith.index_cast %add3A_836 : i32 to index
        %get3A_898 = arith.constant 64 : index
        %get3A_899 = tpu.vector_load %arg14[%get3A_897, %get3A_898] {strides = array<i32>} : memref<80x128xf32, #tpu.memory_space<vmem>>, vector<1x16xf32>,
        %get3A_900 = vector.shape_cast %get3A_899 : vector<1x16xf32> to vector<16xf32>
        %mul3A_901 = arith.mulf %get3A_896, %get3A_900 : vector<16xf32>
        %swap3A_902 = arith.index_cast %add3A_836 : i32 to index
        %swap3A_903 = arith.constant 64 : index
        %swap3A_904 = tpu.vector_load %arg16[%swap3A_902, %swap3A_903] {strides = array<i32>} : memref<80x128xf32, #tpu.memory_space<vmem>>, vector<1x16xf32>,
        %swap3A_905 = vector.shape_cast %swap3A_904 : vector<1x16xf32> to vector<16xf32>
        %swap3A_906 = vector.shape_cast %mul3A_901 : vector<16xf32> to vector<1x16xf32>
        tpu.vector_store %arg16[%swap3A_902, %swap3A_903], %swap3A_906 {strides = array<i32>} : memref<80x128xf32, #tpu.memory_space<vmem>>, vector<1x16xf32>,
        %get3A_907 = arith.index_cast %add3A_836 : i32 to index
        %get3A_908 = arith.constant 80 : index
        %get3A_909 = tpu.vector_load %arg16[%get3A_907, %get3A_908] {strides = array<i32>} : memref<80x128xf32, #tpu.memory_space<vmem>>, vector<1x16xf32>,
        %get3A_910 = vector.shape_cast %get3A_909 : vector<1x16xf32> to vector<16xf32>
        %get3A_911 = arith.index_cast %add3A_836 : i32 to index
        %get3A_912 = arith.constant 80 : index
        %get3A_913 = tpu.vector_load %arg14[%get3A_911, %get3A_912] {strides = array<i32>} : memref<80x128xf32, #tpu.memory_space<vmem>>, vector<1x16xf32>,
        %get3A_914 = vector.shape_cast %get3A_913 : vector<1x16xf32> to vector<16xf32>
        %mul3A_915 = arith.mulf %get3A_910, %get3A_914 : vector<16xf32>
        %swap3A_916 = arith.index_cast %add3A_836 : i32 to index
        %swap3A_917 = arith.constant 80 : index
        %swap3A_918 = tpu.vector_load %arg16[%swap3A_916, %swap3A_917] {strides = array<i32>} : memref<80x128xf32, #tpu.memory_space<vmem>>, vector<1x16xf32>,
        %swap3A_919 = vector.shape_cast %swap3A_918 : vector<1x16xf32> to vector<16xf32>
        %swap3A_920 = vector.shape_cast %mul3A_915 : vector<16xf32> to vector<1x16xf32>
        tpu.vector_store %arg16[%swap3A_916, %swap3A_917], %swap3A_920 {strides = array<i32>} : memref<80x128xf32, #tpu.memory_space<vmem>>, vector<1x16xf32>,
        %get3A_921 = arith.index_cast %add3A_836 : i32 to index
        %get3A_922 = arith.constant 96 : index
        %get3A_923 = tpu.vector_load %arg16[%get3A_921, %get3A_922] {strides = array<i32>} : memref<80x128xf32, #tpu.memory_space<vmem>>, vector<1x16xf32>,
        %get3A_924 = vector.shape_cast %get3A_923 : vector<1x16xf32> to vector<16xf32>
        %get3A_925 = arith.index_cast %add3A_836 : i32 to index
        %get3A_926 = arith.constant 96 : index
        %get3A_927 = tpu.vector_load %arg14[%get3A_925, %get3A_926] {strides = array<i32>} : memref<80x128xf32, #tpu.memory_space<vmem>>, vector<1x16xf32>,
        %get3A_928 = vector.shape_cast %get3A_927 : vector<1x16xf32> to vector<16xf32>
        %mul3A_929 = arith.mulf %get3A_924, %get3A_928 : vector<16xf32>
        %swap3A_930 = arith.index_cast %add3A_836 : i32 to index
        %swap3A_931 = arith.constant 96 : index
        %swap3A_932 = tpu.vector_load %arg16[%swap3A_930, %swap3A_931] {strides = array<i32>} : memref<80x128xf32, #tpu.memory_space<vmem>>, vector<1x16xf32>,
        %swap3A_933 = vector.shape_cast %swap3A_932 : vector<1x16xf32> to vector<16xf32>
        %swap3A_934 = vector.shape_cast %mul3A_929 : vector<16xf32> to vector<1x16xf32>
        tpu.vector_store %arg16[%swap3A_930, %swap3A_931], %swap3A_934 {strides = array<i32>} : memref<80x128xf32, #tpu.memory_space<vmem>>, vector<1x16xf32>,
        %get3A_935 = arith.index_cast %add3A_836 : i32 to index
        %get3A_936 = arith.constant 112 : index
        %get3A_937 = tpu.vector_load %arg16[%get3A_935, %get3A_936] {strides = array<i32>} : memref<80x128xf32, #tpu.memory_space<vmem>>, vector<1x16xf32>,
        %get3A_938 = vector.shape_cast %get3A_937 : vector<1x16xf32> to vector<16xf32>
        %get3A_939 = arith.index_cast %add3A_836 : i32 to index
        %get3A_940 = arith.constant 112 : index
        %get3A_941 = tpu.vector_load %arg14[%get3A_939, %get3A_940] {strides = array<i32>} : memref<80x128xf32, #tpu.memory_space<vmem>>, vector<1x16xf32>,
        %get3A_942 = vector.shape_cast %get3A_941 : vector<1x16xf32> to vector<16xf32>
        %mul3A_943 = arith.mulf %get3A_938, %get3A_942 : vector<16xf32>
        %swap3A_944 = arith.index_cast %add3A_836 : i32 to index
        %swap3A_945 = arith.constant 112 : index
        %swap3A_946 = tpu.vector_load %arg16[%swap3A_944, %swap3A_945] {strides = array<i32>} : memref<80x128xf32, #tpu.memory_space<vmem>>, vector<1x16xf32>,
        %swap3A_947 = vector.shape_cast %swap3A_946 : vector<1x16xf32> to vector<16xf32>
        %swap3A_948 = vector.shape_cast %mul3A_943 : vector<16xf32> to vector<1x16xf32>
        tpu.vector_store %arg16[%swap3A_944, %swap3A_945], %swap3A_948 {strides = array<i32>} : memref<80x128xf32, #tpu.memory_space<vmem>>, vector<1x16xf32>,
      }
      %scan3A_825 = arith.constant 80 : i32
      %dma_start3A_826 = arith.constant 0 : i32
      %dma_start3A_827 = arith.constant 0 : i32
      %dma_start3A_828 = tpu.memref_slice %arg19[%dma_start3A_826, %dma_start3A_827] : memref<10000x128xf32, #tpu.memory_space<vmem_shared>> -> memref<10000x128xf32, #tpu.memory_space<vmem_shared>>
      tpu.enqueue_indirect_dma source(%arg16 : memref<80x128xf32, #tpu.memory_space<vmem>>) target(%dma_start3A_828 : memref<10000x128xf32, #tpu.memory_space<vmem_shared>>) offsets(%arg12 : memref<80xi32, #tpu.memory_space<vmem>>) semaphore(%arg28 : memref<!tpu.dma_semaphore, #tpu.memory_space<semaphore_mem>>) {add = true}
      %dma_start3A_829 = arith.constant 0 : i32
      %dma_start3A_830 = arith.constant 0 : i32
      %dma_start3A_831 = tpu.memref_slice %arg20[%dma_start3A_829, %dma_start3A_830] : memref<10240x8xf32, #tpu.memory_space<vmem_shared>> -> memref<10240x8xf32, #tpu.memory_space<vmem_shared>>
      tpu.enqueue_indirect_dma source(%arg17 : memref<80x8xf32, #tpu.memory_space<vmem>>) target(%dma_start3A_831 : memref<10240x8xf32, #tpu.memory_space<vmem_shared>>) offsets(%arg12 : memref<80xi32, #tpu.memory_space<vmem>>) semaphore(%arg30 : memref<!tpu.dma_semaphore, #tpu.memory_space<semaphore_mem>>) {add = true}
    }
    %while3A_357 = arith.constant 1 : i32
    scf.for %while3A_535 = %while3A_355 to %while3A_351 step %while3A_357  : i32 {
      %mul3A_536 = arith.muli %while3A_535, %while3A_348 : i32
      %add3A_537 = arith.addi %add3A_336, %mul3A_536 : i32
      %dma_wait3A_538 = arith.constant 0 : i32
      %dma_wait3A_539 = arith.constant 0 : i32
      %dma_wait3A_540 = tpu.memref_slice %arg19[%dma_wait3A_538, %dma_wait3A_539] : memref<10000x128xf32, #tpu.memory_space<vmem_shared>> -> memref<10000x128xf32, #tpu.memory_space<vmem_shared>>
      tpu.wait_indirect_dma semaphore(%arg27 : memref<!tpu.dma_semaphore, #tpu.memory_space<semaphore_mem>>) src(%arg15 : memref<80x128xf32, #tpu.memory_space<vmem>>) dst(%dma_wait3A_540 : memref<10000x128xf32, #tpu.memory_space<vmem_shared>>)
      %dma_wait3A_541 = arith.constant 0 : i32
      %dma_wait3A_542 = arith.constant 0 : i32
      %dma_wait3A_543 = tpu.memref_slice %arg20[%dma_wait3A_541, %dma_wait3A_542] : memref<10240x8xf32, #tpu.memory_space<vmem_shared>> -> memref<10240x8xf32, #tpu.memory_space<vmem_shared>>
      tpu.wait_indirect_dma semaphore(%arg29 : memref<!tpu.dma_semaphore, #tpu.memory_space<semaphore_mem>>) src(%arg17 : memref<80x8xf32, #tpu.memory_space<vmem>>) dst(%dma_wait3A_543 : memref<10240x8xf32, #tpu.memory_space<vmem_shared>>)
      %dma_wait3A_544 = arith.constant 0 : i32
      %dma_wait3A_545 = arith.constant 0 : i32
      %dma_wait3A_546 = arith.constant 0 : i32
      %dma_wait3A_547 = tpu.memref_slice %arg4[%dma_wait3A_544, %dma_wait3A_545, %dma_wait3A_546] : memref<4000x2x80xi32, #tpu.memory_space<hbm>> -> memref<1x2x80xi32, #tpu.memory_space<hbm>>
      %dma_wait3A_548 = tpu.memref_squeeze %dma_wait3A_547 : memref<1x2x80xi32, #tpu.memory_space<hbm>> -> memref<2x80xi32, #tpu.memory_space<hbm>>
      %dma_wait3A_549 = arith.constant 0 : i32
      %dma_wait3A_550 = arith.constant 0 : i32
      %dma_wait3A_551 = tpu.memref_slice %arg4[%dma_wait3A_544, %dma_wait3A_549, %dma_wait3A_550] : memref<4000x2x80xi32, #tpu.memory_space<hbm>> -> memref<1x2x80xi32, #tpu.memory_space<hbm>>
      %dma_wait3A_552 = tpu.memref_squeeze %dma_wait3A_551 : memref<1x2x80xi32, #tpu.memory_space<hbm>> -> memref<2x80xi32, #tpu.memory_space<hbm>>
      tpu.wait_dma2 semaphore(%arg21 : memref<!tpu.dma_semaphore, #tpu.memory_space<semaphore_mem>>) src(%dma_wait3A_552 : memref<2x80xi32, #tpu.memory_space<hbm>>) dst(%arg7 : memref<2x80xi32, #tpu.memory_space<vmem>>)
      %get3A_553 = arith.constant 0 : i32
      %get3A_554 = arith.index_cast %get3A_553 : i32 to index
      %get3A_555 = arith.constant 0 : index
      %get3A_556 = tpu.vector_load %arg7[%get3A_554, %get3A_555] {strides = array<i32>} : memref<2x80xi32, #tpu.memory_space<vmem>>, vector<1x16xi32>,
      %get3A_557 = vector.shape_cast %get3A_556 : vector<1x16xi32> to vector<16xi32>
      %swap3A_558 = arith.constant 0 : index
      %swap3A_559 = tpu.vector_load %arg9[%swap3A_558] {strides = array<i32>} : memref<80xi32, #tpu.memory_space<vmem>>, vector<16xi32>,
      %swap3A_560 = vector.shape_cast %swap3A_559 : vector<16xi32> to vector<16xi32>
      %swap3A_561 = vector.shape_cast %get3A_557 : vector<16xi32> to vector<16xi32>
      tpu.vector_store %arg9[%swap3A_558], %swap3A_561 {strides = array<i32>} : memref<80xi32, #tpu.memory_space<vmem>>, vector<16xi32>,
      %get3A_562 = arith.constant 1 : i32
      %get3A_563 = arith.index_cast %get3A_562 : i32 to index
      %get3A_564 = arith.constant 0 : index
      %get3A_565 = tpu.vector_load %arg7[%get3A_563, %get3A_564] {strides = array<i32>} : memref<2x80xi32, #tpu.memory_space<vmem>>, vector<1x16xi32>,
      %get3A_566 = vector.shape_cast %get3A_565 : vector<1x16xi32> to vector<16xi32>
      %swap3A_567 = arith.constant 0 : index
      %swap3A_568 = tpu.vector_load %arg11[%swap3A_567] {strides = array<i32>} : memref<80xi32, #tpu.memory_space<vmem>>, vector<16xi32>,
      %swap3A_569 = vector.shape_cast %swap3A_568 : vector<16xi32> to vector<16xi32>
      %swap3A_570 = vector.shape_cast %get3A_566 : vector<16xi32> to vector<16xi32>
      tpu.vector_store %arg11[%swap3A_567], %swap3A_570 {strides = array<i32>} : memref<80xi32, #tpu.memory_space<vmem>>, vector<16xi32>,
      %get3A_571 = arith.constant 0 : i32
      %get3A_572 = arith.index_cast %get3A_571 : i32 to index
      %get3A_573 = arith.constant 16 : index
      %get3A_574 = tpu.vector_load %arg7[%get3A_572, %get3A_573] {strides = array<i32>} : memref<2x80xi32, #tpu.memory_space<vmem>>, vector<1x16xi32>,
      %get3A_575 = vector.shape_cast %get3A_574 : vector<1x16xi32> to vector<16xi32>
      %swap3A_576 = arith.constant 16 : index
      %swap3A_577 = tpu.vector_load %arg9[%swap3A_576] {strides = array<i32>} : memref<80xi32, #tpu.memory_space<vmem>>, vector<16xi32>,
      %swap3A_578 = vector.shape_cast %swap3A_577 : vector<16xi32> to vector<16xi32>
      %swap3A_579 = vector.shape_cast %get3A_575 : vector<16xi32> to vector<16xi32>
      tpu.vector_store %arg9[%swap3A_576], %swap3A_579 {strides = array<i32>} : memref<80xi32, #tpu.memory_space<vmem>>, vector<16xi32>,
      %get3A_580 = arith.constant 1 : i32
      %get3A_581 = arith.index_cast %get3A_580 : i32 to index
      %get3A_582 = arith.constant 16 : index
      %get3A_583 = tpu.vector_load %arg7[%get3A_581, %get3A_582] {strides = array<i32>} : memref<2x80xi32, #tpu.memory_space<vmem>>, vector<1x16xi32>,
      %get3A_584 = vector.shape_cast %get3A_583 : vector<1x16xi32> to vector<16xi32>
      %swap3A_585 = arith.constant 16 : index
      %swap3A_586 = tpu.vector_load %arg11[%swap3A_585] {strides = array<i32>} : memref<80xi32, #tpu.memory_space<vmem>>, vector<16xi32>,
      %swap3A_587 = vector.shape_cast %swap3A_586 : vector<16xi32> to vector<16xi32>
      %swap3A_588 = vector.shape_cast %get3A_584 : vector<16xi32> to vector<16xi32>
      tpu.vector_store %arg11[%swap3A_585], %swap3A_588 {strides = array<i32>} : memref<80xi32, #tpu.memory_space<vmem>>, vector<16xi32>,
      %get3A_589 = arith.constant 0 : i32
      %get3A_590 = arith.index_cast %get3A_589 : i32 to index
      %get3A_591 = arith.constant 32 : index
      %get3A_592 = tpu.vector_load %arg7[%get3A_590, %get3A_591] {strides = array<i32>} : memref<2x80xi32, #tpu.memory_space<vmem>>, vector<1x16xi32>,
      %get3A_593 = vector.shape_cast %get3A_592 : vector<1x16xi32> to vector<16xi32>
      %swap3A_594 = arith.constant 32 : index
      %swap3A_595 = tpu.vector_load %arg9[%swap3A_594] {strides = array<i32>} : memref<80xi32, #tpu.memory_space<vmem>>, vector<16xi32>,
      %swap3A_596 = vector.shape_cast %swap3A_595 : vector<16xi32> to vector<16xi32>
      %swap3A_597 = vector.shape_cast %get3A_593 : vector<16xi32> to vector<16xi32>
      tpu.vector_store %arg9[%swap3A_594], %swap3A_597 {strides = array<i32>} : memref<80xi32, #tpu.memory_space<vmem>>, vector<16xi32>,
      %get3A_598 = arith.constant 1 : i32
      %get3A_599 = arith.index_cast %get3A_598 : i32 to index
      %get3A_600 = arith.constant 32 : index
      %get3A_601 = tpu.vector_load %arg7[%get3A_599, %get3A_600] {strides = array<i32>} : memref<2x80xi32, #tpu.memory_space<vmem>>, vector<1x16xi32>,
      %get3A_602 = vector.shape_cast %get3A_601 : vector<1x16xi32> to vector<16xi32>
      %swap3A_603 = arith.constant 32 : index
      %swap3A_604 = tpu.vector_load %arg11[%swap3A_603] {strides = array<i32>} : memref<80xi32, #tpu.memory_space<vmem>>, vector<16xi32>,
      %swap3A_605 = vector.shape_cast %swap3A_604 : vector<16xi32> to vector<16xi32>
      %swap3A_606 = vector.shape_cast %get3A_602 : vector<16xi32> to vector<16xi32>
      tpu.vector_store %arg11[%swap3A_603], %swap3A_606 {strides = array<i32>} : memref<80xi32, #tpu.memory_space<vmem>>, vector<16xi32>,
      %get3A_607 = arith.constant 0 : i32
      %get3A_608 = arith.index_cast %get3A_607 : i32 to index
      %get3A_609 = arith.constant 48 : index
      %get3A_610 = tpu.vector_load %arg7[%get3A_608, %get3A_609] {strides = array<i32>} : memref<2x80xi32, #tpu.memory_space<vmem>>, vector<1x16xi32>,
      %get3A_611 = vector.shape_cast %get3A_610 : vector<1x16xi32> to vector<16xi32>
      %swap3A_612 = arith.constant 48 : index
      %swap3A_613 = tpu.vector_load %arg9[%swap3A_612] {strides = array<i32>} : memref<80xi32, #tpu.memory_space<vmem>>, vector<16xi32>,
      %swap3A_614 = vector.shape_cast %swap3A_613 : vector<16xi32> to vector<16xi32>
      %swap3A_615 = vector.shape_cast %get3A_611 : vector<16xi32> to vector<16xi32>
      tpu.vector_store %arg9[%swap3A_612], %swap3A_615 {strides = array<i32>} : memref<80xi32, #tpu.memory_space<vmem>>, vector<16xi32>,
      %get3A_616 = arith.constant 1 : i32
      %get3A_617 = arith.index_cast %get3A_616 : i32 to index
      %get3A_618 = arith.constant 48 : index
      %get3A_619 = tpu.vector_load %arg7[%get3A_617, %get3A_618] {strides = array<i32>} : memref<2x80xi32, #tpu.memory_space<vmem>>, vector<1x16xi32>,
      %get3A_620 = vector.shape_cast %get3A_619 : vector<1x16xi32> to vector<16xi32>
      %swap3A_621 = arith.constant 48 : index
      %swap3A_622 = tpu.vector_load %arg11[%swap3A_621] {strides = array<i32>} : memref<80xi32, #tpu.memory_space<vmem>>, vector<16xi32>,
      %swap3A_623 = vector.shape_cast %swap3A_622 : vector<16xi32> to vector<16xi32>
      %swap3A_624 = vector.shape_cast %get3A_620 : vector<16xi32> to vector<16xi32>
      tpu.vector_store %arg11[%swap3A_621], %swap3A_624 {strides = array<i32>} : memref<80xi32, #tpu.memory_space<vmem>>, vector<16xi32>,
      %get3A_625 = arith.constant 0 : i32
      %get3A_626 = arith.index_cast %get3A_625 : i32 to index
      %get3A_627 = arith.constant 64 : index
      %get3A_628 = tpu.vector_load %arg7[%get3A_626, %get3A_627] {strides = array<i32>} : memref<2x80xi32, #tpu.memory_space<vmem>>, vector<1x16xi32>,
      %get3A_629 = vector.shape_cast %get3A_628 : vector<1x16xi32> to vector<16xi32>
      %swap3A_630 = arith.constant 64 : index
      %swap3A_631 = tpu.vector_load %arg9[%swap3A_630] {strides = array<i32>} : memref<80xi32, #tpu.memory_space<vmem>>, vector<16xi32>,
      %swap3A_632 = vector.shape_cast %swap3A_631 : vector<16xi32> to vector<16xi32>
      %swap3A_633 = vector.shape_cast %get3A_629 : vector<16xi32> to vector<16xi32>
      tpu.vector_store %arg9[%swap3A_630], %swap3A_633 {strides = array<i32>} : memref<80xi32, #tpu.memory_space<vmem>>, vector<16xi32>,
      %get3A_634 = arith.constant 1 : i32
      %get3A_635 = arith.index_cast %get3A_634 : i32 to index
      %get3A_636 = arith.constant 64 : index
      %get3A_637 = tpu.vector_load %arg7[%get3A_635, %get3A_636] {strides = array<i32>} : memref<2x80xi32, #tpu.memory_space<vmem>>, vector<1x16xi32>,
      %get3A_638 = vector.shape_cast %get3A_637 : vector<1x16xi32> to vector<16xi32>
      %swap3A_639 = arith.constant 64 : index
      %swap3A_640 = tpu.vector_load %arg11[%swap3A_639] {strides = array<i32>} : memref<80xi32, #tpu.memory_space<vmem>>, vector<16xi32>,
      %swap3A_641 = vector.shape_cast %swap3A_640 : vector<16xi32> to vector<16xi32>
      %swap3A_642 = vector.shape_cast %get3A_638 : vector<16xi32> to vector<16xi32>
      tpu.vector_store %arg11[%swap3A_639], %swap3A_642 {strides = array<i32>} : memref<80xi32, #tpu.memory_space<vmem>>, vector<16xi32>,
      %add3A_643 = arith.constant 1 : i32
      %add3A_644 = arith.addi %add3A_537, %add3A_643 : i32
      %dma_start3A_645 = arith.constant 0 : i32
      %dma_start3A_646 = arith.constant 0 : i32
      %dma_start3A_647 = tpu.memref_slice %arg4[%add3A_644, %dma_start3A_645, %dma_start3A_646] : memref<4000x2x80xi32, #tpu.memory_space<hbm>> -> memref<1x2x80xi32, #tpu.memory_space<hbm>>
      %dma_start3A_648 = tpu.memref_squeeze %dma_start3A_647 : memref<1x2x80xi32, #tpu.memory_space<hbm>> -> memref<2x80xi32, #tpu.memory_space<hbm>>
      %dma_start3A_649 = arith.constant 0 : i32
      %dma_start3A_650 = arith.constant 0 : i32
      %dma_start3A_651 = tpu.memref_slice %arg4[%add3A_644, %dma_start3A_649, %dma_start3A_650] : memref<4000x2x80xi32, #tpu.memory_space<hbm>> -> memref<1x2x80xi32, #tpu.memory_space<hbm>>
      %dma_start3A_652 = tpu.memref_squeeze %dma_start3A_651 : memref<1x2x80xi32, #tpu.memory_space<hbm>> -> memref<2x80xi32, #tpu.memory_space<hbm>>
      tpu.enqueue_dma source(%dma_start3A_652 : memref<2x80xi32, #tpu.memory_space<hbm>>) target(%arg8 : memref<2x80xi32, #tpu.memory_space<vmem>>) target_semaphore(%arg22 : memref<!tpu.dma_semaphore, #tpu.memory_space<semaphore_mem>>)
      %dma_start3A_653 = arith.constant 0 : i32
      %dma_start3A_654 = arith.constant 0 : i32
      %dma_start3A_655 = tpu.memref_slice %arg2[%dma_start3A_653, %dma_start3A_654] : memref<10000x128xf32, #tpu.memory_space<hbm>> -> memref<10000x128xf32, #tpu.memory_space<hbm>>
      tpu.enqueue_indirect_dma source(%dma_start3A_655 : memref<10000x128xf32, #tpu.memory_space<hbm>>) target(%arg15 : memref<80x128xf32, #tpu.memory_space<vmem>>) offsets(%arg9 : memref<80xi32, #tpu.memory_space<vmem>>) semaphore(%arg25 : memref<!tpu.dma_semaphore, #tpu.memory_space<semaphore_mem>>)
      %add3A_656 = arith.constant 1 : i32
      %add3A_657 = arith.addi %add3A_537, %add3A_656 : i32
      %mul3A_658 = arith.constant 80 : i32
      %mul3A_659 = arith.muli %add3A_657, %mul3A_658 : i32
      %dma_start3A_660 = arith.constant 0 : i32
      %dma_start3A_661 = tpu.memref_slice %arg3[%mul3A_659, %dma_start3A_660] : memref<320000x128xf32, #tpu.memory_space<hbm>> -> memref<80x128xf32, #tpu.memory_space<hbm>>
      %dma_start3A_662 = arith.constant 0 : i32
      %dma_start3A_663 = tpu.memref_slice %arg3[%mul3A_659, %dma_start3A_662] : memref<320000x128xf32, #tpu.memory_space<hbm>> -> memref<80x128xf32, #tpu.memory_space<hbm>>
      tpu.enqueue_dma source(%dma_start3A_663 : memref<80x128xf32, #tpu.memory_space<hbm>>) target(%arg14 : memref<80x128xf32, #tpu.memory_space<vmem>>) target_semaphore(%arg24 : memref<!tpu.dma_semaphore, #tpu.memory_space<semaphore_mem>>)
      %dma_wait3A_664 = arith.constant 0 : i32
      %dma_wait3A_665 = arith.constant 0 : i32
      %dma_wait3A_666 = tpu.memref_slice %arg3[%dma_wait3A_664, %dma_wait3A_665] : memref<320000x128xf32, #tpu.memory_space<hbm>> -> memref<80x128xf32, #tpu.memory_space<hbm>>
      %dma_wait3A_667 = arith.constant 0 : i32
      %dma_wait3A_668 = arith.constant 0 : i32
      %dma_wait3A_669 = tpu.memref_slice %arg3[%dma_wait3A_667, %dma_wait3A_668] : memref<320000x128xf32, #tpu.memory_space<hbm>> -> memref<80x128xf32, #tpu.memory_space<hbm>>
      tpu.wait_dma2 semaphore(%arg23 : memref<!tpu.dma_semaphore, #tpu.memory_space<semaphore_mem>>) src(%dma_wait3A_669 : memref<80x128xf32, #tpu.memory_space<hbm>>) dst(%arg13 : memref<80x128xf32, #tpu.memory_space<vmem>>)
      %dma_wait3A_670 = arith.constant 0 : i32
      %dma_wait3A_671 = arith.constant 0 : i32
      %dma_wait3A_672 = tpu.memref_slice %arg2[%dma_wait3A_670, %dma_wait3A_671] : memref<10000x128xf32, #tpu.memory_space<hbm>> -> memref<10000x128xf32, #tpu.memory_space<hbm>>
      tpu.wait_indirect_dma semaphore(%arg25 : memref<!tpu.dma_semaphore, #tpu.memory_space<semaphore_mem>>) src(%dma_wait3A_672 : memref<10000x128xf32, #tpu.memory_space<hbm>>) dst(%arg15 : memref<80x128xf32, #tpu.memory_space<vmem>>)
      %scan3A_673 = arith.constant 0 : i32
      %scan3A_674 = arith.constant 80 : i32
      %scan3A_675 = arith.addi %scan3A_673, %scan3A_674 : i32
      %scan3A_676 = arith.constant 1 : i32
      scf.for %scan3A_832 = %scan3A_673 to %scan3A_675 step %scan3A_676  : i32 {
        %mul3A_833 = arith.constant 1 : i32
        %mul3A_834 = arith.muli %scan3A_832, %mul3A_833 : i32
        %add3A_835 = arith.constant 0 : i32
        %add3A_836 = arith.addi %add3A_835, %mul3A_834 : i32
        %get3A_837 = arith.index_cast %add3A_836 : i32 to index
        %get3A_838 = arith.constant 0 : index
        %get3A_839 = tpu.vector_load %arg15[%get3A_837, %get3A_838] {strides = array<i32>} : memref<80x128xf32, #tpu.memory_space<vmem>>, vector<1x16xf32>,
        %get3A_840 = vector.shape_cast %get3A_839 : vector<1x16xf32> to vector<16xf32>
        %get3A_841 = arith.index_cast %add3A_836 : i32 to index
        %get3A_842 = arith.constant 0 : index
        %get3A_843 = tpu.vector_load %arg13[%get3A_841, %get3A_842] {strides = array<i32>} : memref<80x128xf32, #tpu.memory_space<vmem>>, vector<1x16xf32>,
        %get3A_844 = vector.shape_cast %get3A_843 : vector<1x16xf32> to vector<16xf32>
        %mul3A_845 = arith.mulf %get3A_840, %get3A_844 : vector<16xf32>
        %swap3A_846 = arith.index_cast %add3A_836 : i32 to index
        %swap3A_847 = arith.constant 0 : index
        %swap3A_848 = tpu.vector_load %arg15[%swap3A_846, %swap3A_847] {strides = array<i32>} : memref<80x128xf32, #tpu.memory_space<vmem>>, vector<1x16xf32>,
        %swap3A_849 = vector.shape_cast %swap3A_848 : vector<1x16xf32> to vector<16xf32>
        %swap3A_850 = vector.shape_cast %mul3A_845 : vector<16xf32> to vector<1x16xf32>
        tpu.vector_store %arg15[%swap3A_846, %swap3A_847], %swap3A_850 {strides = array<i32>} : memref<80x128xf32, #tpu.memory_space<vmem>>, vector<1x16xf32>,
        %get3A_851 = arith.index_cast %add3A_836 : i32 to index
        %get3A_852 = arith.constant 16 : index
        %get3A_853 = tpu.vector_load %arg15[%get3A_851, %get3A_852] {strides = array<i32>} : memref<80x128xf32, #tpu.memory_space<vmem>>, vector<1x16xf32>,
        %get3A_854 = vector.shape_cast %get3A_853 : vector<1x16xf32> to vector<16xf32>
        %get3A_855 = arith.index_cast %add3A_836 : i32 to index
        %get3A_856 = arith.constant 16 : index
        %get3A_857 = tpu.vector_load %arg13[%get3A_855, %get3A_856] {strides = array<i32>} : memref<80x128xf32, #tpu.memory_space<vmem>>, vector<1x16xf32>,
        %get3A_858 = vector.shape_cast %get3A_857 : vector<1x16xf32> to vector<16xf32>
        %mul3A_859 = arith.mulf %get3A_854, %get3A_858 : vector<16xf32>
        %swap3A_860 = arith.index_cast %add3A_836 : i32 to index
        %swap3A_861 = arith.constant 16 : index
        %swap3A_862 = tpu.vector_load %arg15[%swap3A_860, %swap3A_861] {strides = array<i32>} : memref<80x128xf32, #tpu.memory_space<vmem>>, vector<1x16xf32>,
        %swap3A_863 = vector.shape_cast %swap3A_862 : vector<1x16xf32> to vector<16xf32>
        %swap3A_864 = vector.shape_cast %mul3A_859 : vector<16xf32> to vector<1x16xf32>
        tpu.vector_store %arg15[%swap3A_860, %swap3A_861], %swap3A_864 {strides = array<i32>} : memref<80x128xf32, #tpu.memory_space<vmem>>, vector<1x16xf32>,
        %get3A_865 = arith.index_cast %add3A_836 : i32 to index
        %get3A_866 = arith.constant 32 : index
        %get3A_867 = tpu.vector_load %arg15[%get3A_865, %get3A_866] {strides = array<i32>} : memref<80x128xf32, #tpu.memory_space<vmem>>, vector<1x16xf32>,
        %get3A_868 = vector.shape_cast %get3A_867 : vector<1x16xf32> to vector<16xf32>
        %get3A_869 = arith.index_cast %add3A_836 : i32 to index
        %get3A_870 = arith.constant 32 : index
        %get3A_871 = tpu.vector_load %arg13[%get3A_869, %get3A_870] {strides = array<i32>} : memref<80x128xf32, #tpu.memory_space<vmem>>, vector<1x16xf32>,
        %get3A_872 = vector.shape_cast %get3A_871 : vector<1x16xf32> to vector<16xf32>
        %mul3A_873 = arith.mulf %get3A_868, %get3A_872 : vector<16xf32>
        %swap3A_874 = arith.index_cast %add3A_836 : i32 to index
        %swap3A_875 = arith.constant 32 : index
        %swap3A_876 = tpu.vector_load %arg15[%swap3A_874, %swap3A_875] {strides = array<i32>} : memref<80x128xf32, #tpu.memory_space<vmem>>, vector<1x16xf32>,
        %swap3A_877 = vector.shape_cast %swap3A_876 : vector<1x16xf32> to vector<16xf32>
        %swap3A_878 = vector.shape_cast %mul3A_873 : vector<16xf32> to vector<1x16xf32>
        tpu.vector_store %arg15[%swap3A_874, %swap3A_875], %swap3A_878 {strides = array<i32>} : memref<80x128xf32, #tpu.memory_space<vmem>>, vector<1x16xf32>,
        %get3A_879 = arith.index_cast %add3A_836 : i32 to index
        %get3A_880 = arith.constant 48 : index
        %get3A_881 = tpu.vector_load %arg15[%get3A_879, %get3A_880] {strides = array<i32>} : memref<80x128xf32, #tpu.memory_space<vmem>>, vector<1x16xf32>,
        %get3A_882 = vector.shape_cast %get3A_881 : vector<1x16xf32> to vector<16xf32>
        %get3A_883 = arith.index_cast %add3A_836 : i32 to index
        %get3A_884 = arith.constant 48 : index
        %get3A_885 = tpu.vector_load %arg13[%get3A_883, %get3A_884] {strides = array<i32>} : memref<80x128xf32, #tpu.memory_space<vmem>>, vector<1x16xf32>,
        %get3A_886 = vector.shape_cast %get3A_885 : vector<1x16xf32> to vector<16xf32>
        %mul3A_887 = arith.mulf %get3A_882, %get3A_886 : vector<16xf32>
        %swap3A_888 = arith.index_cast %add3A_836 : i32 to index
        %swap3A_889 = arith.constant 48 : index
        %swap3A_890 = tpu.vector_load %arg15[%swap3A_888, %swap3A_889] {strides = array<i32>} : memref<80x128xf32, #tpu.memory_space<vmem>>, vector<1x16xf32>,
        %swap3A_891 = vector.shape_cast %swap3A_890 : vector<1x16xf32> to vector<16xf32>
        %swap3A_892 = vector.shape_cast %mul3A_887 : vector<16xf32> to vector<1x16xf32>
        tpu.vector_store %arg15[%swap3A_888, %swap3A_889], %swap3A_892 {strides = array<i32>} : memref<80x128xf32, #tpu.memory_space<vmem>>, vector<1x16xf32>,
        %get3A_893 = arith.index_cast %add3A_836 : i32 to index
        %get3A_894 = arith.constant 64 : index
        %get3A_895 = tpu.vector_load %arg15[%get3A_893, %get3A_894] {strides = array<i32>} : memref<80x128xf32, #tpu.memory_space<vmem>>, vector<1x16xf32>,
        %get3A_896 = vector.shape_cast %get3A_895 : vector<1x16xf32> to vector<16xf32>
        %get3A_897 = arith.index_cast %add3A_836 : i32 to index
        %get3A_898 = arith.constant 64 : index
        %get3A_899 = tpu.vector_load %arg13[%get3A_897, %get3A_898] {strides = array<i32>} : memref<80x128xf32, #tpu.memory_space<vmem>>, vector<1x16xf32>,
        %get3A_900 = vector.shape_cast %get3A_899 : vector<1x16xf32> to vector<16xf32>
        %mul3A_901 = arith.mulf %get3A_896, %get3A_900 : vector<16xf32>
        %swap3A_902 = arith.index_cast %add3A_836 : i32 to index
        %swap3A_903 = arith.constant 64 : index
        %swap3A_904 = tpu.vector_load %arg15[%swap3A_902, %swap3A_903] {strides = array<i32>} : memref<80x128xf32, #tpu.memory_space<vmem>>, vector<1x16xf32>,
        %swap3A_905 = vector.shape_cast %swap3A_904 : vector<1x16xf32> to vector<16xf32>
        %swap3A_906 = vector.shape_cast %mul3A_901 : vector<16xf32> to vector<1x16xf32>
        tpu.vector_store %arg15[%swap3A_902, %swap3A_903], %swap3A_906 {strides = array<i32>} : memref<80x128xf32, #tpu.memory_space<vmem>>, vector<1x16xf32>,
        %get3A_907 = arith.index_cast %add3A_836 : i32 to index
        %get3A_908 = arith.constant 80 : index
        %get3A_909 = tpu.vector_load %arg15[%get3A_907, %get3A_908] {strides = array<i32>} : memref<80x128xf32, #tpu.memory_space<vmem>>, vector<1x16xf32>,
        %get3A_910 = vector.shape_cast %get3A_909 : vector<1x16xf32> to vector<16xf32>
        %get3A_911 = arith.index_cast %add3A_836 : i32 to index
        %get3A_912 = arith.constant 80 : index
        %get3A_913 = tpu.vector_load %arg13[%get3A_911, %get3A_912] {strides = array<i32>} : memref<80x128xf32, #tpu.memory_space<vmem>>, vector<1x16xf32>,
        %get3A_914 = vector.shape_cast %get3A_913 : vector<1x16xf32> to vector<16xf32>
        %mul3A_915 = arith.mulf %get3A_910, %get3A_914 : vector<16xf32>
        %swap3A_916 = arith.index_cast %add3A_836 : i32 to index
        %swap3A_917 = arith.constant 80 : index
        %swap3A_918 = tpu.vector_load %arg15[%swap3A_916, %swap3A_917] {strides = array<i32>} : memref<80x128xf32, #tpu.memory_space<vmem>>, vector<1x16xf32>,
        %swap3A_919 = vector.shape_cast %swap3A_918 : vector<1x16xf32> to vector<16xf32>
        %swap3A_920 = vector.shape_cast %mul3A_915 : vector<16xf32> to vector<1x16xf32>
        tpu.vector_store %arg15[%swap3A_916, %swap3A_917], %swap3A_920 {strides = array<i32>} : memref<80x128xf32, #tpu.memory_space<vmem>>, vector<1x16xf32>,
        %get3A_921 = arith.index_cast %add3A_836 : i32 to index
        %get3A_922 = arith.constant 96 : index
        %get3A_923 = tpu.vector_load %arg15[%get3A_921, %get3A_922] {strides = array<i32>} : memref<80x128xf32, #tpu.memory_space<vmem>>, vector<1x16xf32>,
        %get3A_924 = vector.shape_cast %get3A_923 : vector<1x16xf32> to vector<16xf32>
        %get3A_925 = arith.index_cast %add3A_836 : i32 to index
        %get3A_926 = arith.constant 96 : index
        %get3A_927 = tpu.vector_load %arg13[%get3A_925, %get3A_926] {strides = array<i32>} : memref<80x128xf32, #tpu.memory_space<vmem>>, vector<1x16xf32>,
        %get3A_928 = vector.shape_cast %get3A_927 : vector<1x16xf32> to vector<16xf32>
        %mul3A_929 = arith.mulf %get3A_924, %get3A_928 : vector<16xf32>
        %swap3A_930 = arith.index_cast %add3A_836 : i32 to index
        %swap3A_931 = arith.constant 96 : index
        %swap3A_932 = tpu.vector_load %arg15[%swap3A_930, %swap3A_931] {strides = array<i32>} : memref<80x128xf32, #tpu.memory_space<vmem>>, vector<1x16xf32>,
        %swap3A_933 = vector.shape_cast %swap3A_932 : vector<1x16xf32> to vector<16xf32>
        %swap3A_934 = vector.shape_cast %mul3A_929 : vector<16xf32> to vector<1x16xf32>
        tpu.vector_store %arg15[%swap3A_930, %swap3A_931], %swap3A_934 {strides = array<i32>} : memref<80x128xf32, #tpu.memory_space<vmem>>, vector<1x16xf32>,
        %get3A_935 = arith.index_cast %add3A_836 : i32 to index
        %get3A_936 = arith.constant 112 : index
        %get3A_937 = tpu.vector_load %arg15[%get3A_935, %get3A_936] {strides = array<i32>} : memref<80x128xf32, #tpu.memory_space<vmem>>, vector<1x16xf32>,
        %get3A_938 = vector.shape_cast %get3A_937 : vector<1x16xf32> to vector<16xf32>
        %get3A_939 = arith.index_cast %add3A_836 : i32 to index
        %get3A_940 = arith.constant 112 : index
        %get3A_941 = tpu.vector_load %arg13[%get3A_939, %get3A_940] {strides = array<i32>} : memref<80x128xf32, #tpu.memory_space<vmem>>, vector<1x16xf32>,
        %get3A_942 = vector.shape_cast %get3A_941 : vector<1x16xf32> to vector<16xf32>
        %mul3A_943 = arith.mulf %get3A_938, %get3A_942 : vector<16xf32>
        %swap3A_944 = arith.index_cast %add3A_836 : i32 to index
        %swap3A_945 = arith.constant 112 : index
        %swap3A_946 = tpu.vector_load %arg15[%swap3A_944, %swap3A_945] {strides = array<i32>} : memref<80x128xf32, #tpu.memory_space<vmem>>, vector<1x16xf32>,
        %swap3A_947 = vector.shape_cast %swap3A_946 : vector<1x16xf32> to vector<16xf32>
        %swap3A_948 = vector.shape_cast %mul3A_943 : vector<16xf32> to vector<1x16xf32>
        tpu.vector_store %arg15[%swap3A_944, %swap3A_945], %swap3A_948 {strides = array<i32>} : memref<80x128xf32, #tpu.memory_space<vmem>>, vector<1x16xf32>,
      }
      %scan3A_677 = arith.constant 80 : i32
      %dma_start3A_678 = arith.constant 0 : i32
      %dma_start3A_679 = arith.constant 0 : i32
      %dma_start3A_680 = tpu.memref_slice %arg19[%dma_start3A_678, %dma_start3A_679] : memref<10000x128xf32, #tpu.memory_space<vmem_shared>> -> memref<10000x128xf32, #tpu.memory_space<vmem_shared>>
      tpu.enqueue_indirect_dma source(%arg15 : memref<80x128xf32, #tpu.memory_space<vmem>>) target(%dma_start3A_680 : memref<10000x128xf32, #tpu.memory_space<vmem_shared>>) offsets(%arg11 : memref<80xi32, #tpu.memory_space<vmem>>) semaphore(%arg27 : memref<!tpu.dma_semaphore, #tpu.memory_space<semaphore_mem>>) {add = true}
      %dma_start3A_681 = arith.constant 0 : i32
      %dma_start3A_682 = arith.constant 0 : i32
      %dma_start3A_683 = tpu.memref_slice %arg20[%dma_start3A_681, %dma_start3A_682] : memref<10240x8xf32, #tpu.memory_space<vmem_shared>> -> memref<10240x8xf32, #tpu.memory_space<vmem_shared>>
      tpu.enqueue_indirect_dma source(%arg17 : memref<80x8xf32, #tpu.memory_space<vmem>>) target(%dma_start3A_683 : memref<10240x8xf32, #tpu.memory_space<vmem_shared>>) offsets(%arg11 : memref<80xi32, #tpu.memory_space<vmem>>) semaphore(%arg29 : memref<!tpu.dma_semaphore, #tpu.memory_space<semaphore_mem>>) {add = true}
      %add3A_684 = arith.constant 1 : i32
      %add3A_685 = arith.addi %add3A_537, %add3A_684 : i32
      %dma_wait3A_686 = arith.constant 0 : i32
      %dma_wait3A_687 = arith.constant 0 : i32
      %dma_wait3A_688 = tpu.memref_slice %arg19[%dma_wait3A_686, %dma_wait3A_687] : memref<10000x128xf32, #tpu.memory_space<vmem_shared>> -> memref<10000x128xf32, #tpu.memory_space<vmem_shared>>
      tpu.wait_indirect_dma semaphore(%arg28 : memref<!tpu.dma_semaphore, #tpu.memory_space<semaphore_mem>>) src(%arg16 : memref<80x128xf32, #tpu.memory_space<vmem>>) dst(%dma_wait3A_688 : memref<10000x128xf32, #tpu.memory_space<vmem_shared>>)
      %dma_wait3A_689 = arith.constant 0 : i32
      %dma_wait3A_690 = arith.constant 0 : i32
      %dma_wait3A_691 = tpu.memref_slice %arg20[%dma_wait3A_689, %dma_wait3A_690] : memref<10240x8xf32, #tpu.memory_space<vmem_shared>> -> memref<10240x8xf32, #tpu.memory_space<vmem_shared>>
      tpu.wait_indirect_dma semaphore(%arg30 : memref<!tpu.dma_semaphore, #tpu.memory_space<semaphore_mem>>) src(%arg17 : memref<80x8xf32, #tpu.memory_space<vmem>>) dst(%dma_wait3A_691 : memref<10240x8xf32, #tpu.memory_space<vmem_shared>>)
      %dma_wait3A_692 = arith.constant 0 : i32
      %dma_wait3A_693 = arith.constant 0 : i32
      %dma_wait3A_694 = arith.constant 0 : i32
      %dma_wait3A_695 = tpu.memref_slice %arg4[%dma_wait3A_692, %dma_wait3A_693, %dma_wait3A_694] : memref<4000x2x80xi32, #tpu.memory_space<hbm>> -> memref<1x2x80xi32, #tpu.memory_space<hbm>>
      %dma_wait3A_696 = tpu.memref_squeeze %dma_wait3A_695 : memref<1x2x80xi32, #tpu.memory_space<hbm>> -> memref<2x80xi32, #tpu.memory_space<hbm>>
      %dma_wait3A_697 = arith.constant 0 : i32
      %dma_wait3A_698 = arith.constant 0 : i32
      %dma_wait3A_699 = tpu.memref_slice %arg4[%dma_wait3A_692, %dma_wait3A_697, %dma_wait3A_698] : memref<4000x2x80xi32, #tpu.memory_space<hbm>> -> memref<1x2x80xi32, #tpu.memory_space<hbm>>
      %dma_wait3A_700 = tpu.memref_squeeze %dma_wait3A_699 : memref<1x2x80xi32, #tpu.memory_space<hbm>> -> memref<2x80xi32, #tpu.memory_space<hbm>>
      tpu.wait_dma2 semaphore(%arg22 : memref<!tpu.dma_semaphore, #tpu.memory_space<semaphore_mem>>) src(%dma_wait3A_700 : memref<2x80xi32, #tpu.memory_space<hbm>>) dst(%arg8 : memref<2x80xi32, #tpu.memory_space<vmem>>)
      %get3A_701 = arith.constant 0 : i32
      %get3A_702 = arith.index_cast %get3A_701 : i32 to index
      %get3A_703 = arith.constant 0 : index
      %get3A_704 = tpu.vector_load %arg8[%get3A_702, %get3A_703] {strides = array<i32>} : memref<2x80xi32, #tpu.memory_space<vmem>>, vector<1x16xi32>,
      %get3A_705 = vector.shape_cast %get3A_704 : vector<1x16xi32> to vector<16xi32>
      %swap3A_706 = arith.constant 0 : index
      %swap3A_707 = tpu.vector_load %arg10[%swap3A_706] {strides = array<i32>} : memref<80xi32, #tpu.memory_space<vmem>>, vector<16xi32>,
      %swap3A_708 = vector.shape_cast %swap3A_707 : vector<16xi32> to vector<16xi32>
      %swap3A_709 = vector.shape_cast %get3A_705 : vector<16xi32> to vector<16xi32>
      tpu.vector_store %arg10[%swap3A_706], %swap3A_709 {strides = array<i32>} : memref<80xi32, #tpu.memory_space<vmem>>, vector<16xi32>,
      %get3A_710 = arith.constant 1 : i32
      %get3A_711 = arith.index_cast %get3A_710 : i32 to index
      %get3A_712 = arith.constant 0 : index
      %get3A_713 = tpu.vector_load %arg8[%get3A_711, %get3A_712] {strides = array<i32>} : memref<2x80xi32, #tpu.memory_space<vmem>>, vector<1x16xi32>,
      %get3A_714 = vector.shape_cast %get3A_713 : vector<1x16xi32> to vector<16xi32>
      %swap3A_715 = arith.constant 0 : index
      %swap3A_716 = tpu.vector_load %arg12[%swap3A_715] {strides = array<i32>} : memref<80xi32, #tpu.memory_space<vmem>>, vector<16xi32>,
      %swap3A_717 = vector.shape_cast %swap3A_716 : vector<16xi32> to vector<16xi32>
      %swap3A_718 = vector.shape_cast %get3A_714 : vector<16xi32> to vector<16xi32>
      tpu.vector_store %arg12[%swap3A_715], %swap3A_718 {strides = array<i32>} : memref<80xi32, #tpu.memory_space<vmem>>, vector<16xi32>,
      %get3A_719 = arith.constant 0 : i32
      %get3A_720 = arith.index_cast %get3A_719 : i32 to index
      %get3A_721 = arith.constant 16 : index
      %get3A_722 = tpu.vector_load %arg8[%get3A_720, %get3A_721] {strides = array<i32>} : memref<2x80xi32, #tpu.memory_space<vmem>>, vector<1x16xi32>,
      %get3A_723 = vector.shape_cast %get3A_722 : vector<1x16xi32> to vector<16xi32>
      %swap3A_724 = arith.constant 16 : index
      %swap3A_725 = tpu.vector_load %arg10[%swap3A_724] {strides = array<i32>} : memref<80xi32, #tpu.memory_space<vmem>>, vector<16xi32>,
      %swap3A_726 = vector.shape_cast %swap3A_725 : vector<16xi32> to vector<16xi32>
      %swap3A_727 = vector.shape_cast %get3A_723 : vector<16xi32> to vector<16xi32>
      tpu.vector_store %arg10[%swap3A_724], %swap3A_727 {strides = array<i32>} : memref<80xi32, #tpu.memory_space<vmem>>, vector<16xi32>,
      %get3A_728 = arith.constant 1 : i32
      %get3A_729 = arith.index_cast %get3A_728 : i32 to index
      %get3A_730 = arith.constant 16 : index
      %get3A_731 = tpu.vector_load %arg8[%get3A_729, %get3A_730] {strides = array<i32>} : memref<2x80xi32, #tpu.memory_space<vmem>>, vector<1x16xi32>,
      %get3A_732 = vector.shape_cast %get3A_731 : vector<1x16xi32> to vector<16xi32>
      %swap3A_733 = arith.constant 16 : index
      %swap3A_734 = tpu.vector_load %arg12[%swap3A_733] {strides = array<i32>} : memref<80xi32, #tpu.memory_space<vmem>>, vector<16xi32>,
      %swap3A_735 = vector.shape_cast %swap3A_734 : vector<16xi32> to vector<16xi32>
      %swap3A_736 = vector.shape_cast %get3A_732 : vector<16xi32> to vector<16xi32>
      tpu.vector_store %arg12[%swap3A_733], %swap3A_736 {strides = array<i32>} : memref<80xi32, #tpu.memory_space<vmem>>, vector<16xi32>,
      %get3A_737 = arith.constant 0 : i32
      %get3A_738 = arith.index_cast %get3A_737 : i32 to index
      %get3A_739 = arith.constant 32 : index
      %get3A_740 = tpu.vector_load %arg8[%get3A_738, %get3A_739] {strides = array<i32>} : memref<2x80xi32, #tpu.memory_space<vmem>>, vector<1x16xi32>,
      %get3A_741 = vector.shape_cast %get3A_740 : vector<1x16xi32> to vector<16xi32>
      %swap3A_742 = arith.constant 32 : index
      %swap3A_743 = tpu.vector_load %arg10[%swap3A_742] {strides = array<i32>} : memref<80xi32, #tpu.memory_space<vmem>>, vector<16xi32>,
      %swap3A_744 = vector.shape_cast %swap3A_743 : vector<16xi32> to vector<16xi32>
      %swap3A_745 = vector.shape_cast %get3A_741 : vector<16xi32> to vector<16xi32>
      tpu.vector_store %arg10[%swap3A_742], %swap3A_745 {strides = array<i32>} : memref<80xi32, #tpu.memory_space<vmem>>, vector<16xi32>,
      %get3A_746 = arith.constant 1 : i32
      %get3A_747 = arith.index_cast %get3A_746 : i32 to index
      %get3A_748 = arith.constant 32 : index
      %get3A_749 = tpu.vector_load %arg8[%get3A_747, %get3A_748] {strides = array<i32>} : memref<2x80xi32, #tpu.memory_space<vmem>>, vector<1x16xi32>,
      %get3A_750 = vector.shape_cast %get3A_749 : vector<1x16xi32> to vector<16xi32>
      %swap3A_751 = arith.constant 32 : index
      %swap3A_752 = tpu.vector_load %arg12[%swap3A_751] {strides = array<i32>} : memref<80xi32, #tpu.memory_space<vmem>>, vector<16xi32>,
      %swap3A_753 = vector.shape_cast %swap3A_752 : vector<16xi32> to vector<16xi32>
      %swap3A_754 = vector.shape_cast %get3A_750 : vector<16xi32> to vector<16xi32>
      tpu.vector_store %arg12[%swap3A_751], %swap3A_754 {strides = array<i32>} : memref<80xi32, #tpu.memory_space<vmem>>, vector<16xi32>,
      %get3A_755 = arith.constant 0 : i32
      %get3A_756 = arith.index_cast %get3A_755 : i32 to index
      %get3A_757 = arith.constant 48 : index
      %get3A_758 = tpu.vector_load %arg8[%get3A_756, %get3A_757] {strides = array<i32>} : memref<2x80xi32, #tpu.memory_space<vmem>>, vector<1x16xi32>,
      %get3A_759 = vector.shape_cast %get3A_758 : vector<1x16xi32> to vector<16xi32>
      %swap3A_760 = arith.constant 48 : index
      %swap3A_761 = tpu.vector_load %arg10[%swap3A_760] {strides = array<i32>} : memref<80xi32, #tpu.memory_space<vmem>>, vector<16xi32>,
      %swap3A_762 = vector.shape_cast %swap3A_761 : vector<16xi32> to vector<16xi32>
      %swap3A_763 = vector.shape_cast %get3A_759 : vector<16xi32> to vector<16xi32>
      tpu.vector_store %arg10[%swap3A_760], %swap3A_763 {strides = array<i32>} : memref<80xi32, #tpu.memory_space<vmem>>, vector<16xi32>,
      %get3A_764 = arith.constant 1 : i32
      %get3A_765 = arith.index_cast %get3A_764 : i32 to index
      %get3A_766 = arith.constant 48 : index
      %get3A_767 = tpu.vector_load %arg8[%get3A_765, %get3A_766] {strides = array<i32>} : memref<2x80xi32, #tpu.memory_space<vmem>>, vector<1x16xi32>,
      %get3A_768 = vector.shape_cast %get3A_767 : vector<1x16xi32> to vector<16xi32>
      %swap3A_769 = arith.constant 48 : index
      %swap3A_770 = tpu.vector_load %arg12[%swap3A_769] {strides = array<i32>} : memref<80xi32, #tpu.memory_space<vmem>>, vector<16xi32>,
      %swap3A_771 = vector.shape_cast %swap3A_770 : vector<16xi32> to vector<16xi32>
      %swap3A_772 = vector.shape_cast %get3A_768 : vector<16xi32> to vector<16xi32>
      tpu.vector_store %arg12[%swap3A_769], %swap3A_772 {strides = array<i32>} : memref<80xi32, #tpu.memory_space<vmem>>, vector<16xi32>,
      %get3A_773 = arith.constant 0 : i32
      %get3A_774 = arith.index_cast %get3A_773 : i32 to index
      %get3A_775 = arith.constant 64 : index
      %get3A_776 = tpu.vector_load %arg8[%get3A_774, %get3A_775] {strides = array<i32>} : memref<2x80xi32, #tpu.memory_space<vmem>>, vector<1x16xi32>,
      %get3A_777 = vector.shape_cast %get3A_776 : vector<1x16xi32> to vector<16xi32>
      %swap3A_778 = arith.constant 64 : index
      %swap3A_779 = tpu.vector_load %arg10[%swap3A_778] {strides = array<i32>} : memref<80xi32, #tpu.memory_space<vmem>>, vector<16xi32>,
      %swap3A_780 = vector.shape_cast %swap3A_779 : vector<16xi32> to vector<16xi32>
      %swap3A_781 = vector.shape_cast %get3A_777 : vector<16xi32> to vector<16xi32>
      tpu.vector_store %arg10[%swap3A_778], %swap3A_781 {strides = array<i32>} : memref<80xi32, #tpu.memory_space<vmem>>, vector<16xi32>,
      %get3A_782 = arith.constant 1 : i32
      %get3A_783 = arith.index_cast %get3A_782 : i32 to index
      %get3A_784 = arith.constant 64 : index
      %get3A_785 = tpu.vector_load %arg8[%get3A_783, %get3A_784] {strides = array<i32>} : memref<2x80xi32, #tpu.memory_space<vmem>>, vector<1x16xi32>,
      %get3A_786 = vector.shape_cast %get3A_785 : vector<1x16xi32> to vector<16xi32>
      %swap3A_787 = arith.constant 64 : index
      %swap3A_788 = tpu.vector_load %arg12[%swap3A_787] {strides = array<i32>} : memref<80xi32, #tpu.memory_space<vmem>>, vector<16xi32>,
      %swap3A_789 = vector.shape_cast %swap3A_788 : vector<16xi32> to vector<16xi32>
      %swap3A_790 = vector.shape_cast %get3A_786 : vector<16xi32> to vector<16xi32>
      tpu.vector_store %arg12[%swap3A_787], %swap3A_790 {strides = array<i32>} : memref<80xi32, #tpu.memory_space<vmem>>, vector<16xi32>,
      %add3A_791 = arith.constant 1 : i32
      %add3A_792 = arith.addi %add3A_685, %add3A_791 : i32
      %dma_start3A_793 = arith.constant 0 : i32
      %dma_start3A_794 = arith.constant 0 : i32
      %dma_start3A_795 = tpu.memref_slice %arg4[%add3A_792, %dma_start3A_793, %dma_start3A_794] : memref<4000x2x80xi32, #tpu.memory_space<hbm>> -> memref<1x2x80xi32, #tpu.memory_space<hbm>>
      %dma_start3A_796 = tpu.memref_squeeze %dma_start3A_795 : memref<1x2x80xi32, #tpu.memory_space<hbm>> -> memref<2x80xi32, #tpu.memory_space<hbm>>
      %dma_start3A_797 = arith.constant 0 : i32
      %dma_start3A_798 = arith.constant 0 : i32
      %dma_start3A_799 = tpu.memref_slice %arg4[%add3A_792, %dma_start3A_797, %dma_start3A_798] : memref<4000x2x80xi32, #tpu.memory_space<hbm>> -> memref<1x2x80xi32, #tpu.memory_space<hbm>>
      %dma_start3A_800 = tpu.memref_squeeze %dma_start3A_799 : memref<1x2x80xi32, #tpu.memory_space<hbm>> -> memref<2x80xi32, #tpu.memory_space<hbm>>
      tpu.enqueue_dma source(%dma_start3A_800 : memref<2x80xi32, #tpu.memory_space<hbm>>) target(%arg7 : memref<2x80xi32, #tpu.memory_space<vmem>>) target_semaphore(%arg21 : memref<!tpu.dma_semaphore, #tpu.memory_space<semaphore_mem>>)
      %dma_start3A_801 = arith.constant 0 : i32
      %dma_start3A_802 = arith.constant 0 : i32
      %dma_start3A_803 = tpu.memref_slice %arg2[%dma_start3A_801, %dma_start3A_802] : memref<10000x128xf32, #tpu.memory_space<hbm>> -> memref<10000x128xf32, #tpu.memory_space<hbm>>
      tpu.enqueue_indirect_dma source(%dma_start3A_803 : memref<10000x128xf32, #tpu.memory_space<hbm>>) target(%arg16 : memref<80x128xf32, #tpu.memory_space<vmem>>) offsets(%arg10 : memref<80xi32, #tpu.memory_space<vmem>>) semaphore(%arg26 : memref<!tpu.dma_semaphore, #tpu.memory_space<semaphore_mem>>)
      %add3A_804 = arith.constant 1 : i32
      %add3A_805 = arith.addi %add3A_685, %add3A_804 : i32
      %mul3A_806 = arith.constant 80 : i32
      %mul3A_807 = arith.muli %add3A_805, %mul3A_806 : i32
      %dma_start3A_808 = arith.constant 0 : i32
      %dma_start3A_809 = tpu.memref_slice %arg3[%mul3A_807, %dma_start3A_808] : memref<320000x128xf32, #tpu.memory_space<hbm>> -> memref<80x128xf32, #tpu.memory_space<hbm>>
      %dma_start3A_810 = arith.constant 0 : i32
      %dma_start3A_811 = tpu.memref_slice %arg3[%mul3A_807, %dma_start3A_810] : memref<320000x128xf32, #tpu.memory_space<hbm>> -> memref<80x128xf32, #tpu.memory_space<hbm>>
      tpu.enqueue_dma source(%dma_start3A_811 : memref<80x128xf32, #tpu.memory_space<hbm>>) target(%arg13 : memref<80x128xf32, #tpu.memory_space<vmem>>) target_semaphore(%arg23 : memref<!tpu.dma_semaphore, #tpu.memory_space<semaphore_mem>>)
      %dma_wait3A_812 = arith.constant 0 : i32
      %dma_wait3A_813 = arith.constant 0 : i32
      %dma_wait3A_814 = tpu.memref_slice %arg3[%dma_wait3A_812, %dma_wait3A_813] : memref<320000x128xf32, #tpu.memory_space<hbm>> -> memref<80x128xf32, #tpu.memory_space<hbm>>
      %dma_wait3A_815 = arith.constant 0 : i32
      %dma_wait3A_816 = arith.constant 0 : i32
      %dma_wait3A_817 = tpu.memref_slice %arg3[%dma_wait3A_815, %dma_wait3A_816] : memref<320000x128xf32, #tpu.memory_space<hbm>> -> memref<80x128xf32, #tpu.memory_space<hbm>>
      tpu.wait_dma2 semaphore(%arg24 : memref<!tpu.dma_semaphore, #tpu.memory_space<semaphore_mem>>) src(%dma_wait3A_817 : memref<80x128xf32, #tpu.memory_space<hbm>>) dst(%arg14 : memref<80x128xf32, #tpu.memory_space<vmem>>)
      %dma_wait3A_818 = arith.constant 0 : i32
      %dma_wait3A_819 = arith.constant 0 : i32
      %dma_wait3A_820 = tpu.memref_slice %arg2[%dma_wait3A_818, %dma_wait3A_819] : memref<10000x128xf32, #tpu.memory_space<hbm>> -> memref<10000x128xf32, #tpu.memory_space<hbm>>
      tpu.wait_indirect_dma semaphore(%arg26 : memref<!tpu.dma_semaphore, #tpu.memory_space<semaphore_mem>>) src(%dma_wait3A_820 : memref<10000x128xf32, #tpu.memory_space<hbm>>) dst(%arg16 : memref<80x128xf32, #tpu.memory_space<vmem>>)
      %scan3A_821 = arith.constant 0 : i32
      %scan3A_822 = arith.constant 80 : i32
      %scan3A_823 = arith.addi %scan3A_821, %scan3A_822 : i32
      %scan3A_824 = arith.constant 1 : i32
      scf.for %scan3A_832 = %scan3A_821 to %scan3A_823 step %scan3A_824  : i32 {
        %mul3A_833 = arith.constant 1 : i32
        %mul3A_834 = arith.muli %scan3A_832, %mul3A_833 : i32
        %add3A_835 = arith.constant 0 : i32
        %add3A_836 = arith.addi %add3A_835, %mul3A_834 : i32
        %get3A_837 = arith.index_cast %add3A_836 : i32 to index
        %get3A_838 = arith.constant 0 : index
        %get3A_839 = tpu.vector_load %arg16[%get3A_837, %get3A_838] {strides = array<i32>} : memref<80x128xf32, #tpu.memory_space<vmem>>, vector<1x16xf32>,
        %get3A_840 = vector.shape_cast %get3A_839 : vector<1x16xf32> to vector<16xf32>
        %get3A_841 = arith.index_cast %add3A_836 : i32 to index
        %get3A_842 = arith.constant 0 : index
        %get3A_843 = tpu.vector_load %arg14[%get3A_841, %get3A_842] {strides = array<i32>} : memref<80x128xf32, #tpu.memory_space<vmem>>, vector<1x16xf32>,
        %get3A_844 = vector.shape_cast %get3A_843 : vector<1x16xf32> to vector<16xf32>
        %mul3A_845 = arith.mulf %get3A_840, %get3A_844 : vector<16xf32>
        %swap3A_846 = arith.index_cast %add3A_836 : i32 to index
        %swap3A_847 = arith.constant 0 : index
        %swap3A_848 = tpu.vector_load %arg16[%swap3A_846, %swap3A_847] {strides = array<i32>} : memref<80x128xf32, #tpu.memory_space<vmem>>, vector<1x16xf32>,
        %swap3A_849 = vector.shape_cast %swap3A_848 : vector<1x16xf32> to vector<16xf32>
        %swap3A_850 = vector.shape_cast %mul3A_845 : vector<16xf32> to vector<1x16xf32>
        tpu.vector_store %arg16[%swap3A_846, %swap3A_847], %swap3A_850 {strides = array<i32>} : memref<80x128xf32, #tpu.memory_space<vmem>>, vector<1x16xf32>,
        %get3A_851 = arith.index_cast %add3A_836 : i32 to index
        %get3A_852 = arith.constant 16 : index
        %get3A_853 = tpu.vector_load %arg16[%get3A_851, %get3A_852] {strides = array<i32>} : memref<80x128xf32, #tpu.memory_space<vmem>>, vector<1x16xf32>,
        %get3A_854 = vector.shape_cast %get3A_853 : vector<1x16xf32> to vector<16xf32>
        %get3A_855 = arith.index_cast %add3A_836 : i32 to index
        %get3A_856 = arith.constant 16 : index
        %get3A_857 = tpu.vector_load %arg14[%get3A_855, %get3A_856] {strides = array<i32>} : memref<80x128xf32, #tpu.memory_space<vmem>>, vector<1x16xf32>,
        %get3A_858 = vector.shape_cast %get3A_857 : vector<1x16xf32> to vector<16xf32>
        %mul3A_859 = arith.mulf %get3A_854, %get3A_858 : vector<16xf32>
        %swap3A_860 = arith.index_cast %add3A_836 : i32 to index
        %swap3A_861 = arith.constant 16 : index
        %swap3A_862 = tpu.vector_load %arg16[%swap3A_860, %swap3A_861] {strides = array<i32>} : memref<80x128xf32, #tpu.memory_space<vmem>>, vector<1x16xf32>,
        %swap3A_863 = vector.shape_cast %swap3A_862 : vector<1x16xf32> to vector<16xf32>
        %swap3A_864 = vector.shape_cast %mul3A_859 : vector<16xf32> to vector<1x16xf32>
        tpu.vector_store %arg16[%swap3A_860, %swap3A_861], %swap3A_864 {strides = array<i32>} : memref<80x128xf32, #tpu.memory_space<vmem>>, vector<1x16xf32>,
        %get3A_865 = arith.index_cast %add3A_836 : i32 to index
        %get3A_866 = arith.constant 32 : index
        %get3A_867 = tpu.vector_load %arg16[%get3A_865, %get3A_866] {strides = array<i32>} : memref<80x128xf32, #tpu.memory_space<vmem>>, vector<1x16xf32>,
        %get3A_868 = vector.shape_cast %get3A_867 : vector<1x16xf32> to vector<16xf32>
        %get3A_869 = arith.index_cast %add3A_836 : i32 to index
        %get3A_870 = arith.constant 32 : index
        %get3A_871 = tpu.vector_load %arg14[%get3A_869, %get3A_870] {strides = array<i32>} : memref<80x128xf32, #tpu.memory_space<vmem>>, vector<1x16xf32>,
        %get3A_872 = vector.shape_cast %get3A_871 : vector<1x16xf32> to vector<16xf32>
        %mul3A_873 = arith.mulf %get3A_868, %get3A_872 : vector<16xf32>
        %swap3A_874 = arith.index_cast %add3A_836 : i32 to index
        %swap3A_875 = arith.constant 32 : index
        %swap3A_876 = tpu.vector_load %arg16[%swap3A_874, %swap3A_875] {strides = array<i32>} : memref<80x128xf32, #tpu.memory_space<vmem>>, vector<1x16xf32>,
        %swap3A_877 = vector.shape_cast %swap3A_876 : vector<1x16xf32> to vector<16xf32>
        %swap3A_878 = vector.shape_cast %mul3A_873 : vector<16xf32> to vector<1x16xf32>
        tpu.vector_store %arg16[%swap3A_874, %swap3A_875], %swap3A_878 {strides = array<i32>} : memref<80x128xf32, #tpu.memory_space<vmem>>, vector<1x16xf32>,
        %get3A_879 = arith.index_cast %add3A_836 : i32 to index
        %get3A_880 = arith.constant 48 : index
        %get3A_881 = tpu.vector_load %arg16[%get3A_879, %get3A_880] {strides = array<i32>} : memref<80x128xf32, #tpu.memory_space<vmem>>, vector<1x16xf32>,
        %get3A_882 = vector.shape_cast %get3A_881 : vector<1x16xf32> to vector<16xf32>
        %get3A_883 = arith.index_cast %add3A_836 : i32 to index
        %get3A_884 = arith.constant 48 : index
        %get3A_885 = tpu.vector_load %arg14[%get3A_883, %get3A_884] {strides = array<i32>} : memref<80x128xf32, #tpu.memory_space<vmem>>, vector<1x16xf32>,
        %get3A_886 = vector.shape_cast %get3A_885 : vector<1x16xf32> to vector<16xf32>
        %mul3A_887 = arith.mulf %get3A_882, %get3A_886 : vector<16xf32>
        %swap3A_888 = arith.index_cast %add3A_836 : i32 to index
        %swap3A_889 = arith.constant 48 : index
        %swap3A_890 = tpu.vector_load %arg16[%swap3A_888, %swap3A_889] {strides = array<i32>} : memref<80x128xf32, #tpu.memory_space<vmem>>, vector<1x16xf32>,
        %swap3A_891 = vector.shape_cast %swap3A_890 : vector<1x16xf32> to vector<16xf32>
        %swap3A_892 = vector.shape_cast %mul3A_887 : vector<16xf32> to vector<1x16xf32>
        tpu.vector_store %arg16[%swap3A_888, %swap3A_889], %swap3A_892 {strides = array<i32>} : memref<80x128xf32, #tpu.memory_space<vmem>>, vector<1x16xf32>,
        %get3A_893 = arith.index_cast %add3A_836 : i32 to index
        %get3A_894 = arith.constant 64 : index
        %get3A_895 = tpu.vector_load %arg16[%get3A_893, %get3A_894] {strides = array<i32>} : memref<80x128xf32, #tpu.memory_space<vmem>>, vector<1x16xf32>,
        %get3A_896 = vector.shape_cast %get3A_895 : vector<1x16xf32> to vector<16xf32>
        %get3A_897 = arith.index_cast %add3A_836 : i32 to index
        %get3A_898 = arith.constant 64 : index
        %get3A_899 = tpu.vector_load %arg14[%get3A_897, %get3A_898] {strides = array<i32>} : memref<80x128xf32, #tpu.memory_space<vmem>>, vector<1x16xf32>,
        %get3A_900 = vector.shape_cast %get3A_899 : vector<1x16xf32> to vector<16xf32>
        %mul3A_901 = arith.mulf %get3A_896, %get3A_900 : vector<16xf32>
        %swap3A_902 = arith.index_cast %add3A_836 : i32 to index
        %swap3A_903 = arith.constant 64 : index
        %swap3A_904 = tpu.vector_load %arg16[%swap3A_902, %swap3A_903] {strides = array<i32>} : memref<80x128xf32, #tpu.memory_space<vmem>>, vector<1x16xf32>,
        %swap3A_905 = vector.shape_cast %swap3A_904 : vector<1x16xf32> to vector<16xf32>
        %swap3A_906 = vector.shape_cast %mul3A_901 : vector<16xf32> to vector<1x16xf32>
        tpu.vector_store %arg16[%swap3A_902, %swap3A_903], %swap3A_906 {strides = array<i32>} : memref<80x128xf32, #tpu.memory_space<vmem>>, vector<1x16xf32>,
        %get3A_907 = arith.index_cast %add3A_836 : i32 to index
        %get3A_908 = arith.constant 80 : index
        %get3A_909 = tpu.vector_load %arg16[%get3A_907, %get3A_908] {strides = array<i32>} : memref<80x128xf32, #tpu.memory_space<vmem>>, vector<1x16xf32>,
        %get3A_910 = vector.shape_cast %get3A_909 : vector<1x16xf32> to vector<16xf32>
        %get3A_911 = arith.index_cast %add3A_836 : i32 to index
        %get3A_912 = arith.constant 80 : index
        %get3A_913 = tpu.vector_load %arg14[%get3A_911, %get3A_912] {strides = array<i32>} : memref<80x128xf32, #tpu.memory_space<vmem>>, vector<1x16xf32>,
        %get3A_914 = vector.shape_cast %get3A_913 : vector<1x16xf32> to vector<16xf32>
        %mul3A_915 = arith.mulf %get3A_910, %get3A_914 : vector<16xf32>
        %swap3A_916 = arith.index_cast %add3A_836 : i32 to index
        %swap3A_917 = arith.constant 80 : index
        %swap3A_918 = tpu.vector_load %arg16[%swap3A_916, %swap3A_917] {strides = array<i32>} : memref<80x128xf32, #tpu.memory_space<vmem>>, vector<1x16xf32>,
        %swap3A_919 = vector.shape_cast %swap3A_918 : vector<1x16xf32> to vector<16xf32>
        %swap3A_920 = vector.shape_cast %mul3A_915 : vector<16xf32> to vector<1x16xf32>
        tpu.vector_store %arg16[%swap3A_916, %swap3A_917], %swap3A_920 {strides = array<i32>} : memref<80x128xf32, #tpu.memory_space<vmem>>, vector<1x16xf32>,
        %get3A_921 = arith.index_cast %add3A_836 : i32 to index
        %get3A_922 = arith.constant 96 : index
        %get3A_923 = tpu.vector_load %arg16[%get3A_921, %get3A_922] {strides = array<i32>} : memref<80x128xf32, #tpu.memory_space<vmem>>, vector<1x16xf32>,
        %get3A_924 = vector.shape_cast %get3A_923 : vector<1x16xf32> to vector<16xf32>
        %get3A_925 = arith.index_cast %add3A_836 : i32 to index
        %get3A_926 = arith.constant 96 : index
        %get3A_927 = tpu.vector_load %arg14[%get3A_925, %get3A_926] {strides = array<i32>} : memref<80x128xf32, #tpu.memory_space<vmem>>, vector<1x16xf32>,
        %get3A_928 = vector.shape_cast %get3A_927 : vector<1x16xf32> to vector<16xf32>
        %mul3A_929 = arith.mulf %get3A_924, %get3A_928 : vector<16xf32>
        %swap3A_930 = arith.index_cast %add3A_836 : i32 to index
        %swap3A_931 = arith.constant 96 : index
        %swap3A_932 = tpu.vector_load %arg16[%swap3A_930, %swap3A_931] {strides = array<i32>} : memref<80x128xf32, #tpu.memory_space<vmem>>, vector<1x16xf32>,
        %swap3A_933 = vector.shape_cast %swap3A_932 : vector<1x16xf32> to vector<16xf32>
        %swap3A_934 = vector.shape_cast %mul3A_929 : vector<16xf32> to vector<1x16xf32>
        tpu.vector_store %arg16[%swap3A_930, %swap3A_931], %swap3A_934 {strides = array<i32>} : memref<80x128xf32, #tpu.memory_space<vmem>>, vector<1x16xf32>,
        %get3A_935 = arith.index_cast %add3A_836 : i32 to index
        %get3A_936 = arith.constant 112 : index
        %get3A_937 = tpu.vector_load %arg16[%get3A_935, %get3A_936] {strides = array<i32>} : memref<80x128xf32, #tpu.memory_space<vmem>>, vector<1x16xf32>,
        %get3A_938 = vector.shape_cast %get3A_937 : vector<1x16xf32> to vector<16xf32>
        %get3A_939 = arith.index_cast %add3A_836 : i32 to index
        %get3A_940 = arith.constant 112 : index
        %get3A_941 = tpu.vector_load %arg14[%get3A_939, %get3A_940] {strides = array<i32>} : memref<80x128xf32, #tpu.memory_space<vmem>>, vector<1x16xf32>,
        %get3A_942 = vector.shape_cast %get3A_941 : vector<1x16xf32> to vector<16xf32>
        %mul3A_943 = arith.mulf %get3A_938, %get3A_942 : vector<16xf32>
        %swap3A_944 = arith.index_cast %add3A_836 : i32 to index
        %swap3A_945 = arith.constant 112 : index
        %swap3A_946 = tpu.vector_load %arg16[%swap3A_944, %swap3A_945] {strides = array<i32>} : memref<80x128xf32, #tpu.memory_space<vmem>>, vector<1x16xf32>,
        %swap3A_947 = vector.shape_cast %swap3A_946 : vector<1x16xf32> to vector<16xf32>
        %swap3A_948 = vector.shape_cast %mul3A_943 : vector<16xf32> to vector<1x16xf32>
        tpu.vector_store %arg16[%swap3A_944, %swap3A_945], %swap3A_948 {strides = array<i32>} : memref<80x128xf32, #tpu.memory_space<vmem>>, vector<1x16xf32>,
      }
      %scan3A_825 = arith.constant 80 : i32
      %dma_start3A_826 = arith.constant 0 : i32
      %dma_start3A_827 = arith.constant 0 : i32
      %dma_start3A_828 = tpu.memref_slice %arg19[%dma_start3A_826, %dma_start3A_827] : memref<10000x128xf32, #tpu.memory_space<vmem_shared>> -> memref<10000x128xf32, #tpu.memory_space<vmem_shared>>
      tpu.enqueue_indirect_dma source(%arg16 : memref<80x128xf32, #tpu.memory_space<vmem>>) target(%dma_start3A_828 : memref<10000x128xf32, #tpu.memory_space<vmem_shared>>) offsets(%arg12 : memref<80xi32, #tpu.memory_space<vmem>>) semaphore(%arg28 : memref<!tpu.dma_semaphore, #tpu.memory_space<semaphore_mem>>) {add = true}
      %dma_start3A_829 = arith.constant 0 : i32
      %dma_start3A_830 = arith.constant 0 : i32
      %dma_start3A_831 = tpu.memref_slice %arg20[%dma_start3A_829, %dma_start3A_830] : memref<10240x8xf32, #tpu.memory_space<vmem_shared>> -> memref<10240x8xf32, #tpu.memory_space<vmem_shared>>
      tpu.enqueue_indirect_dma source(%arg17 : memref<80x8xf32, #tpu.memory_space<vmem>>) target(%dma_start3A_831 : memref<10240x8xf32, #tpu.memory_space<vmem_shared>>) offsets(%arg12 : memref<80xi32, #tpu.memory_space<vmem>>) semaphore(%arg30 : memref<!tpu.dma_semaphore, #tpu.memory_space<semaphore_mem>>) {add = true}
    }
    %dma_wait3A_358 = arith.constant 0 : i32
    %dma_wait3A_359 = arith.constant 0 : i32
    %dma_wait3A_360 = tpu.memref_slice %arg19[%dma_wait3A_358, %dma_wait3A_359] : memref<10000x128xf32, #tpu.memory_space<vmem_shared>> -> memref<10000x128xf32, #tpu.memory_space<vmem_shared>>
    tpu.wait_indirect_dma semaphore(%arg27 : memref<!tpu.dma_semaphore, #tpu.memory_space<semaphore_mem>>) src(%arg15 : memref<80x128xf32, #tpu.memory_space<vmem>>) dst(%dma_wait3A_360 : memref<10000x128xf32, #tpu.memory_space<vmem_shared>>)
    %dma_wait3A_361 = arith.constant 0 : i32
    %dma_wait3A_362 = arith.constant 0 : i32
    %dma_wait3A_363 = tpu.memref_slice %arg20[%dma_wait3A_361, %dma_wait3A_362] : memref<10240x8xf32, #tpu.memory_space<vmem_shared>> -> memref<10240x8xf32, #tpu.memory_space<vmem_shared>>
    tpu.wait_indirect_dma semaphore(%arg29 : memref<!tpu.dma_semaphore, #tpu.memory_space<semaphore_mem>>) src(%arg17 : memref<80x8xf32, #tpu.memory_space<vmem>>) dst(%dma_wait3A_363 : memref<10240x8xf32, #tpu.memory_space<vmem_shared>>)
    %dma_wait3A_364 = arith.constant 0 : i32
    %dma_wait3A_365 = arith.constant 0 : i32
    %dma_wait3A_366 = arith.constant 0 : i32
    %dma_wait3A_367 = tpu.memref_slice %arg4[%dma_wait3A_364, %dma_wait3A_365, %dma_wait3A_366] : memref<4000x2x80xi32, #tpu.memory_space<hbm>> -> memref<1x2x80xi32, #tpu.memory_space<hbm>>
    %dma_wait3A_368 = tpu.memref_squeeze %dma_wait3A_367 : memref<1x2x80xi32, #tpu.memory_space<hbm>> -> memref<2x80xi32, #tpu.memory_space<hbm>>
    %dma_wait3A_369 = arith.constant 0 : i32
    %dma_wait3A_370 = arith.constant 0 : i32
    %dma_wait3A_371 = tpu.memref_slice %arg4[%dma_wait3A_364, %dma_wait3A_369, %dma_wait3A_370] : memref<4000x2x80xi32, #tpu.memory_space<hbm>> -> memref<1x2x80xi32, #tpu.memory_space<hbm>>
    %dma_wait3A_372 = tpu.memref_squeeze %dma_wait3A_371 : memref<1x2x80xi32, #tpu.memory_space<hbm>> -> memref<2x80xi32, #tpu.memory_space<hbm>>
    tpu.wait_dma2 semaphore(%arg21 : memref<!tpu.dma_semaphore, #tpu.memory_space<semaphore_mem>>) src(%dma_wait3A_372 : memref<2x80xi32, #tpu.memory_space<hbm>>) dst(%arg7 : memref<2x80xi32, #tpu.memory_space<vmem>>)
    %get3A_373 = arith.constant 0 : i32
    %get3A_374 = arith.index_cast %get3A_373 : i32 to index
    %get3A_375 = arith.constant 0 : index
    %get3A_376 = tpu.vector_load %arg7[%get3A_374, %get3A_375] {strides = array<i32>} : memref<2x80xi32, #tpu.memory_space<vmem>>, vector<1x16xi32>,
    %get3A_377 = vector.shape_cast %get3A_376 : vector<1x16xi32> to vector<16xi32>
    %swap3A_378 = arith.constant 0 : index
    %swap3A_379 = tpu.vector_load %arg9[%swap3A_378] {strides = array<i32>} : memref<80xi32, #tpu.memory_space<vmem>>, vector<16xi32>,
    %swap3A_380 = vector.shape_cast %swap3A_379 : vector<16xi32> to vector<16xi32>
    %swap3A_381 = vector.shape_cast %get3A_377 : vector<16xi32> to vector<16xi32>
    tpu.vector_store %arg9[%swap3A_378], %swap3A_381 {strides = array<i32>} : memref<80xi32, #tpu.memory_space<vmem>>, vector<16xi32>,
    %get3A_382 = arith.constant 1 : i32
    %get3A_383 = arith.index_cast %get3A_382 : i32 to index
    %get3A_384 = arith.constant 0 : index
    %get3A_385 = tpu.vector_load %arg7[%get3A_383, %get3A_384] {strides = array<i32>} : memref<2x80xi32, #tpu.memory_space<vmem>>, vector<1x16xi32>,
    %get3A_386 = vector.shape_cast %get3A_385 : vector<1x16xi32> to vector<16xi32>
    %swap3A_387 = arith.constant 0 : index
    %swap3A_388 = tpu.vector_load %arg11[%swap3A_387] {strides = array<i32>} : memref<80xi32, #tpu.memory_space<vmem>>, vector<16xi32>,
    %swap3A_389 = vector.shape_cast %swap3A_388 : vector<16xi32> to vector<16xi32>
    %swap3A_390 = vector.shape_cast %get3A_386 : vector<16xi32> to vector<16xi32>
    tpu.vector_store %arg11[%swap3A_387], %swap3A_390 {strides = array<i32>} : memref<80xi32, #tpu.memory_space<vmem>>, vector<16xi32>,
    %get3A_391 = arith.constant 0 : i32
    %get3A_392 = arith.index_cast %get3A_391 : i32 to index
    %get3A_393 = arith.constant 16 : index
    %get3A_394 = tpu.vector_load %arg7[%get3A_392, %get3A_393] {strides = array<i32>} : memref<2x80xi32, #tpu.memory_space<vmem>>, vector<1x16xi32>,
    %get3A_395 = vector.shape_cast %get3A_394 : vector<1x16xi32> to vector<16xi32>
    %swap3A_396 = arith.constant 16 : index
    %swap3A_397 = tpu.vector_load %arg9[%swap3A_396] {strides = array<i32>} : memref<80xi32, #tpu.memory_space<vmem>>, vector<16xi32>,
    %swap3A_398 = vector.shape_cast %swap3A_397 : vector<16xi32> to vector<16xi32>
    %swap3A_399 = vector.shape_cast %get3A_395 : vector<16xi32> to vector<16xi32>
    tpu.vector_store %arg9[%swap3A_396], %swap3A_399 {strides = array<i32>} : memref<80xi32, #tpu.memory_space<vmem>>, vector<16xi32>,
    %get3A_400 = arith.constant 1 : i32
    %get3A_401 = arith.index_cast %get3A_400 : i32 to index
    %get3A_402 = arith.constant 16 : index
    %get3A_403 = tpu.vector_load %arg7[%get3A_401, %get3A_402] {strides = array<i32>} : memref<2x80xi32, #tpu.memory_space<vmem>>, vector<1x16xi32>,
    %get3A_404 = vector.shape_cast %get3A_403 : vector<1x16xi32> to vector<16xi32>
    %swap3A_405 = arith.constant 16 : index
    %swap3A_406 = tpu.vector_load %arg11[%swap3A_405] {strides = array<i32>} : memref<80xi32, #tpu.memory_space<vmem>>, vector<16xi32>,
    %swap3A_407 = vector.shape_cast %swap3A_406 : vector<16xi32> to vector<16xi32>
    %swap3A_408 = vector.shape_cast %get3A_404 : vector<16xi32> to vector<16xi32>
    tpu.vector_store %arg11[%swap3A_405], %swap3A_408 {strides = array<i32>} : memref<80xi32, #tpu.memory_space<vmem>>, vector<16xi32>,
    %get3A_409 = arith.constant 0 : i32
    %get3A_410 = arith.index_cast %get3A_409 : i32 to index
    %get3A_411 = arith.constant 32 : index
    %get3A_412 = tpu.vector_load %arg7[%get3A_410, %get3A_411] {strides = array<i32>} : memref<2x80xi32, #tpu.memory_space<vmem>>, vector<1x16xi32>,
    %get3A_413 = vector.shape_cast %get3A_412 : vector<1x16xi32> to vector<16xi32>
    %swap3A_414 = arith.constant 32 : index
    %swap3A_415 = tpu.vector_load %arg9[%swap3A_414] {strides = array<i32>} : memref<80xi32, #tpu.memory_space<vmem>>, vector<16xi32>,
    %swap3A_416 = vector.shape_cast %swap3A_415 : vector<16xi32> to vector<16xi32>
    %swap3A_417 = vector.shape_cast %get3A_413 : vector<16xi32> to vector<16xi32>
    tpu.vector_store %arg9[%swap3A_414], %swap3A_417 {strides = array<i32>} : memref<80xi32, #tpu.memory_space<vmem>>, vector<16xi32>,
    %get3A_418 = arith.constant 1 : i32
    %get3A_419 = arith.index_cast %get3A_418 : i32 to index
    %get3A_420 = arith.constant 32 : index
    %get3A_421 = tpu.vector_load %arg7[%get3A_419, %get3A_420] {strides = array<i32>} : memref<2x80xi32, #tpu.memory_space<vmem>>, vector<1x16xi32>,
    %get3A_422 = vector.shape_cast %get3A_421 : vector<1x16xi32> to vector<16xi32>
    %swap3A_423 = arith.constant 32 : index
    %swap3A_424 = tpu.vector_load %arg11[%swap3A_423] {strides = array<i32>} : memref<80xi32, #tpu.memory_space<vmem>>, vector<16xi32>,
    %swap3A_425 = vector.shape_cast %swap3A_424 : vector<16xi32> to vector<16xi32>
    %swap3A_426 = vector.shape_cast %get3A_422 : vector<16xi32> to vector<16xi32>
    tpu.vector_store %arg11[%swap3A_423], %swap3A_426 {strides = array<i32>} : memref<80xi32, #tpu.memory_space<vmem>>, vector<16xi32>,
    %get3A_427 = arith.constant 0 : i32
    %get3A_428 = arith.index_cast %get3A_427 : i32 to index
    %get3A_429 = arith.constant 48 : index
    %get3A_430 = tpu.vector_load %arg7[%get3A_428, %get3A_429] {strides = array<i32>} : memref<2x80xi32, #tpu.memory_space<vmem>>, vector<1x16xi32>,
    %get3A_431 = vector.shape_cast %get3A_430 : vector<1x16xi32> to vector<16xi32>
    %swap3A_432 = arith.constant 48 : index
    %swap3A_433 = tpu.vector_load %arg9[%swap3A_432] {strides = array<i32>} : memref<80xi32, #tpu.memory_space<vmem>>, vector<16xi32>,
    %swap3A_434 = vector.shape_cast %swap3A_433 : vector<16xi32> to vector<16xi32>
    %swap3A_435 = vector.shape_cast %get3A_431 : vector<16xi32> to vector<16xi32>
    tpu.vector_store %arg9[%swap3A_432], %swap3A_435 {strides = array<i32>} : memref<80xi32, #tpu.memory_space<vmem>>, vector<16xi32>,
    %get3A_436 = arith.constant 1 : i32
    %get3A_437 = arith.index_cast %get3A_436 : i32 to index
    %get3A_438 = arith.constant 48 : index
    %get3A_439 = tpu.vector_load %arg7[%get3A_437, %get3A_438] {strides = array<i32>} : memref<2x80xi32, #tpu.memory_space<vmem>>, vector<1x16xi32>,
    %get3A_440 = vector.shape_cast %get3A_439 : vector<1x16xi32> to vector<16xi32>
    %swap3A_441 = arith.constant 48 : index
    %swap3A_442 = tpu.vector_load %arg11[%swap3A_441] {strides = array<i32>} : memref<80xi32, #tpu.memory_space<vmem>>, vector<16xi32>,
    %swap3A_443 = vector.shape_cast %swap3A_442 : vector<16xi32> to vector<16xi32>
    %swap3A_444 = vector.shape_cast %get3A_440 : vector<16xi32> to vector<16xi32>
    tpu.vector_store %arg11[%swap3A_441], %swap3A_444 {strides = array<i32>} : memref<80xi32, #tpu.memory_space<vmem>>, vector<16xi32>,
    %get3A_445 = arith.constant 0 : i32
    %get3A_446 = arith.index_cast %get3A_445 : i32 to index
    %get3A_447 = arith.constant 64 : index
    %get3A_448 = tpu.vector_load %arg7[%get3A_446, %get3A_447] {strides = array<i32>} : memref<2x80xi32, #tpu.memory_space<vmem>>, vector<1x16xi32>,
    %get3A_449 = vector.shape_cast %get3A_448 : vector<1x16xi32> to vector<16xi32>
    %swap3A_450 = arith.constant 64 : index
    %swap3A_451 = tpu.vector_load %arg9[%swap3A_450] {strides = array<i32>} : memref<80xi32, #tpu.memory_space<vmem>>, vector<16xi32>,
    %swap3A_452 = vector.shape_cast %swap3A_451 : vector<16xi32> to vector<16xi32>
    %swap3A_453 = vector.shape_cast %get3A_449 : vector<16xi32> to vector<16xi32>
    tpu.vector_store %arg9[%swap3A_450], %swap3A_453 {strides = array<i32>} : memref<80xi32, #tpu.memory_space<vmem>>, vector<16xi32>,
    %get3A_454 = arith.constant 1 : i32
    %get3A_455 = arith.index_cast %get3A_454 : i32 to index
    %get3A_456 = arith.constant 64 : index
    %get3A_457 = tpu.vector_load %arg7[%get3A_455, %get3A_456] {strides = array<i32>} : memref<2x80xi32, #tpu.memory_space<vmem>>, vector<1x16xi32>,
    %get3A_458 = vector.shape_cast %get3A_457 : vector<1x16xi32> to vector<16xi32>
    %swap3A_459 = arith.constant 64 : index
    %swap3A_460 = tpu.vector_load %arg11[%swap3A_459] {strides = array<i32>} : memref<80xi32, #tpu.memory_space<vmem>>, vector<16xi32>,
    %swap3A_461 = vector.shape_cast %swap3A_460 : vector<16xi32> to vector<16xi32>
    %swap3A_462 = vector.shape_cast %get3A_458 : vector<16xi32> to vector<16xi32>
    tpu.vector_store %arg11[%swap3A_459], %swap3A_462 {strides = array<i32>} : memref<80xi32, #tpu.memory_space<vmem>>, vector<16xi32>,
    %dma_start3A_463 = arith.constant 0 : i32
    %dma_start3A_464 = arith.constant 0 : i32
    %dma_start3A_465 = tpu.memref_slice %arg2[%dma_start3A_463, %dma_start3A_464] : memref<10000x128xf32, #tpu.memory_space<hbm>> -> memref<10000x128xf32, #tpu.memory_space<hbm>>
    tpu.enqueue_indirect_dma source(%dma_start3A_465 : memref<10000x128xf32, #tpu.memory_space<hbm>>) target(%arg15 : memref<80x128xf32, #tpu.memory_space<vmem>>) offsets(%arg9 : memref<80xi32, #tpu.memory_space<vmem>>) semaphore(%arg25 : memref<!tpu.dma_semaphore, #tpu.memory_space<semaphore_mem>>)
    %dma_wait3A_466 = arith.constant 0 : i32
    %dma_wait3A_467 = arith.constant 0 : i32
    %dma_wait3A_468 = tpu.memref_slice %arg3[%dma_wait3A_466, %dma_wait3A_467] : memref<320000x128xf32, #tpu.memory_space<hbm>> -> memref<80x128xf32, #tpu.memory_space<hbm>>
    %dma_wait3A_469 = arith.constant 0 : i32
    %dma_wait3A_470 = arith.constant 0 : i32
    %dma_wait3A_471 = tpu.memref_slice %arg3[%dma_wait3A_469, %dma_wait3A_470] : memref<320000x128xf32, #tpu.memory_space<hbm>> -> memref<80x128xf32, #tpu.memory_space<hbm>>
    tpu.wait_dma2 semaphore(%arg23 : memref<!tpu.dma_semaphore, #tpu.memory_space<semaphore_mem>>) src(%dma_wait3A_471 : memref<80x128xf32, #tpu.memory_space<hbm>>) dst(%arg13 : memref<80x128xf32, #tpu.memory_space<vmem>>)
    %dma_wait3A_472 = arith.constant 0 : i32
    %dma_wait3A_473 = arith.constant 0 : i32
    %dma_wait3A_474 = tpu.memref_slice %arg2[%dma_wait3A_472, %dma_wait3A_473] : memref<10000x128xf32, #tpu.memory_space<hbm>> -> memref<10000x128xf32, #tpu.memory_space<hbm>>
    tpu.wait_indirect_dma semaphore(%arg25 : memref<!tpu.dma_semaphore, #tpu.memory_space<semaphore_mem>>) src(%dma_wait3A_474 : memref<10000x128xf32, #tpu.memory_space<hbm>>) dst(%arg15 : memref<80x128xf32, #tpu.memory_space<vmem>>)
    %scan3A_475 = arith.constant 0 : i32
    %scan3A_476 = arith.constant 80 : i32
    %scan3A_477 = arith.addi %scan3A_475, %scan3A_476 : i32
    %scan3A_478 = arith.constant 1 : i32
    scf.for %scan3A_535 = %scan3A_475 to %scan3A_477 step %scan3A_478  : i32 {
      %mul3A_536 = arith.constant 1 : i32
      %mul3A_537 = arith.muli %scan3A_535, %mul3A_536 : i32
      %add3A_538 = arith.constant 0 : i32
      %add3A_539 = arith.addi %add3A_538, %mul3A_537 : i32
      %get3A_540 = arith.index_cast %add3A_539 : i32 to index
      %get3A_541 = arith.constant 0 : index
      %get3A_542 = tpu.vector_load %arg15[%get3A_540, %get3A_541] {strides = array<i32>} : memref<80x128xf32, #tpu.memory_space<vmem>>, vector<1x16xf32>,
      %get3A_543 = vector.shape_cast %get3A_542 : vector<1x16xf32> to vector<16xf32>
      %get3A_544 = arith.index_cast %add3A_539 : i32 to index
      %get3A_545 = arith.constant 0 : index
      %get3A_546 = tpu.vector_load %arg13[%get3A_544, %get3A_545] {strides = array<i32>} : memref<80x128xf32, #tpu.memory_space<vmem>>, vector<1x16xf32>,
      %get3A_547 = vector.shape_cast %get3A_546 : vector<1x16xf32> to vector<16xf32>
      %mul3A_548 = arith.mulf %get3A_543, %get3A_547 : vector<16xf32>
      %swap3A_549 = arith.index_cast %add3A_539 : i32 to index
      %swap3A_550 = arith.constant 0 : index
      %swap3A_551 = tpu.vector_load %arg15[%swap3A_549, %swap3A_550] {strides = array<i32>} : memref<80x128xf32, #tpu.memory_space<vmem>>, vector<1x16xf32>,
      %swap3A_552 = vector.shape_cast %swap3A_551 : vector<1x16xf32> to vector<16xf32>
      %swap3A_553 = vector.shape_cast %mul3A_548 : vector<16xf32> to vector<1x16xf32>
      tpu.vector_store %arg15[%swap3A_549, %swap3A_550], %swap3A_553 {strides = array<i32>} : memref<80x128xf32, #tpu.memory_space<vmem>>, vector<1x16xf32>,
      %get3A_554 = arith.index_cast %add3A_539 : i32 to index
      %get3A_555 = arith.constant 16 : index
      %get3A_556 = tpu.vector_load %arg15[%get3A_554, %get3A_555] {strides = array<i32>} : memref<80x128xf32, #tpu.memory_space<vmem>>, vector<1x16xf32>,
      %get3A_557 = vector.shape_cast %get3A_556 : vector<1x16xf32> to vector<16xf32>
      %get3A_558 = arith.index_cast %add3A_539 : i32 to index
      %get3A_559 = arith.constant 16 : index
      %get3A_560 = tpu.vector_load %arg13[%get3A_558, %get3A_559] {strides = array<i32>} : memref<80x128xf32, #tpu.memory_space<vmem>>, vector<1x16xf32>,
      %get3A_561 = vector.shape_cast %get3A_560 : vector<1x16xf32> to vector<16xf32>
      %mul3A_562 = arith.mulf %get3A_557, %get3A_561 : vector<16xf32>
      %swap3A_563 = arith.index_cast %add3A_539 : i32 to index
      %swap3A_564 = arith.constant 16 : index
      %swap3A_565 = tpu.vector_load %arg15[%swap3A_563, %swap3A_564] {strides = array<i32>} : memref<80x128xf32, #tpu.memory_space<vmem>>, vector<1x16xf32>,
      %swap3A_566 = vector.shape_cast %swap3A_565 : vector<1x16xf32> to vector<16xf32>
      %swap3A_567 = vector.shape_cast %mul3A_562 : vector<16xf32> to vector<1x16xf32>
      tpu.vector_store %arg15[%swap3A_563, %swap3A_564], %swap3A_567 {strides = array<i32>} : memref<80x128xf32, #tpu.memory_space<vmem>>, vector<1x16xf32>,
      %get3A_568 = arith.index_cast %add3A_539 : i32 to index
      %get3A_569 = arith.constant 32 : index
      %get3A_570 = tpu.vector_load %arg15[%get3A_568, %get3A_569] {strides = array<i32>} : memref<80x128xf32, #tpu.memory_space<vmem>>, vector<1x16xf32>,
      %get3A_571 = vector.shape_cast %get3A_570 : vector<1x16xf32> to vector<16xf32>
      %get3A_572 = arith.index_cast %add3A_539 : i32 to index
      %get3A_573 = arith.constant 32 : index
      %get3A_574 = tpu.vector_load %arg13[%get3A_572, %get3A_573] {strides = array<i32>} : memref<80x128xf32, #tpu.memory_space<vmem>>, vector<1x16xf32>,
      %get3A_575 = vector.shape_cast %get3A_574 : vector<1x16xf32> to vector<16xf32>
      %mul3A_576 = arith.mulf %get3A_571, %get3A_575 : vector<16xf32>
      %swap3A_577 = arith.index_cast %add3A_539 : i32 to index
      %swap3A_578 = arith.constant 32 : index
      %swap3A_579 = tpu.vector_load %arg15[%swap3A_577, %swap3A_578] {strides = array<i32>} : memref<80x128xf32, #tpu.memory_space<vmem>>, vector<1x16xf32>,
      %swap3A_580 = vector.shape_cast %swap3A_579 : vector<1x16xf32> to vector<16xf32>
      %swap3A_581 = vector.shape_cast %mul3A_576 : vector<16xf32> to vector<1x16xf32>
      tpu.vector_store %arg15[%swap3A_577, %swap3A_578], %swap3A_581 {strides = array<i32>} : memref<80x128xf32, #tpu.memory_space<vmem>>, vector<1x16xf32>,
      %get3A_582 = arith.index_cast %add3A_539 : i32 to index
      %get3A_583 = arith.constant 48 : index
      %get3A_584 = tpu.vector_load %arg15[%get3A_582, %get3A_583] {strides = array<i32>} : memref<80x128xf32, #tpu.memory_space<vmem>>, vector<1x16xf32>,
      %get3A_585 = vector.shape_cast %get3A_584 : vector<1x16xf32> to vector<16xf32>
      %get3A_586 = arith.index_cast %add3A_539 : i32 to index
      %get3A_587 = arith.constant 48 : index
      %get3A_588 = tpu.vector_load %arg13[%get3A_586, %get3A_587] {strides = array<i32>} : memref<80x128xf32, #tpu.memory_space<vmem>>, vector<1x16xf32>,
      %get3A_589 = vector.shape_cast %get3A_588 : vector<1x16xf32> to vector<16xf32>
      %mul3A_590 = arith.mulf %get3A_585, %get3A_589 : vector<16xf32>
      %swap3A_591 = arith.index_cast %add3A_539 : i32 to index
      %swap3A_592 = arith.constant 48 : index
      %swap3A_593 = tpu.vector_load %arg15[%swap3A_591, %swap3A_592] {strides = array<i32>} : memref<80x128xf32, #tpu.memory_space<vmem>>, vector<1x16xf32>,
      %swap3A_594 = vector.shape_cast %swap3A_593 : vector<1x16xf32> to vector<16xf32>
      %swap3A_595 = vector.shape_cast %mul3A_590 : vector<16xf32> to vector<1x16xf32>
      tpu.vector_store %arg15[%swap3A_591, %swap3A_592], %swap3A_595 {strides = array<i32>} : memref<80x128xf32, #tpu.memory_space<vmem>>, vector<1x16xf32>,
      %get3A_596 = arith.index_cast %add3A_539 : i32 to index
      %get3A_597 = arith.constant 64 : index
      %get3A_598 = tpu.vector_load %arg15[%get3A_596, %get3A_597] {strides = array<i32>} : memref<80x128xf32, #tpu.memory_space<vmem>>, vector<1x16xf32>,
      %get3A_599 = vector.shape_cast %get3A_598 : vector<1x16xf32> to vector<16xf32>
      %get3A_600 = arith.index_cast %add3A_539 : i32 to index
      %get3A_601 = arith.constant 64 : index
      %get3A_602 = tpu.vector_load %arg13[%get3A_600, %get3A_601] {strides = array<i32>} : memref<80x128xf32, #tpu.memory_space<vmem>>, vector<1x16xf32>,
      %get3A_603 = vector.shape_cast %get3A_602 : vector<1x16xf32> to vector<16xf32>
      %mul3A_604 = arith.mulf %get3A_599, %get3A_603 : vector<16xf32>
      %swap3A_605 = arith.index_cast %add3A_539 : i32 to index
      %swap3A_606 = arith.constant 64 : index
      %swap3A_607 = tpu.vector_load %arg15[%swap3A_605, %swap3A_606] {strides = array<i32>} : memref<80x128xf32, #tpu.memory_space<vmem>>, vector<1x16xf32>,
      %swap3A_608 = vector.shape_cast %swap3A_607 : vector<1x16xf32> to vector<16xf32>
      %swap3A_609 = vector.shape_cast %mul3A_604 : vector<16xf32> to vector<1x16xf32>
      tpu.vector_store %arg15[%swap3A_605, %swap3A_606], %swap3A_609 {strides = array<i32>} : memref<80x128xf32, #tpu.memory_space<vmem>>, vector<1x16xf32>,
      %get3A_610 = arith.index_cast %add3A_539 : i32 to index
      %get3A_611 = arith.constant 80 : index
      %get3A_612 = tpu.vector_load %arg15[%get3A_610, %get3A_611] {strides = array<i32>} : memref<80x128xf32, #tpu.memory_space<vmem>>, vector<1x16xf32>,
      %get3A_613 = vector.shape_cast %get3A_612 : vector<1x16xf32> to vector<16xf32>
      %get3A_614 = arith.index_cast %add3A_539 : i32 to index
      %get3A_615 = arith.constant 80 : index
      %get3A_616 = tpu.vector_load %arg13[%get3A_614, %get3A_615] {strides = array<i32>} : memref<80x128xf32, #tpu.memory_space<vmem>>, vector<1x16xf32>,
      %get3A_617 = vector.shape_cast %get3A_616 : vector<1x16xf32> to vector<16xf32>
      %mul3A_618 = arith.mulf %get3A_613, %get3A_617 : vector<16xf32>
      %swap3A_619 = arith.index_cast %add3A_539 : i32 to index
      %swap3A_620 = arith.constant 80 : index
      %swap3A_621 = tpu.vector_load %arg15[%swap3A_619, %swap3A_620] {strides = array<i32>} : memref<80x128xf32, #tpu.memory_space<vmem>>, vector<1x16xf32>,
      %swap3A_622 = vector.shape_cast %swap3A_621 : vector<1x16xf32> to vector<16xf32>
      %swap3A_623 = vector.shape_cast %mul3A_618 : vector<16xf32> to vector<1x16xf32>
      tpu.vector_store %arg15[%swap3A_619, %swap3A_620], %swap3A_623 {strides = array<i32>} : memref<80x128xf32, #tpu.memory_space<vmem>>, vector<1x16xf32>,
      %get3A_624 = arith.index_cast %add3A_539 : i32 to index
      %get3A_625 = arith.constant 96 : index
      %get3A_626 = tpu.vector_load %arg15[%get3A_624, %get3A_625] {strides = array<i32>} : memref<80x128xf32, #tpu.memory_space<vmem>>, vector<1x16xf32>,
      %get3A_627 = vector.shape_cast %get3A_626 : vector<1x16xf32> to vector<16xf32>
      %get3A_628 = arith.index_cast %add3A_539 : i32 to index
      %get3A_629 = arith.constant 96 : index
      %get3A_630 = tpu.vector_load %arg13[%get3A_628, %get3A_629] {strides = array<i32>} : memref<80x128xf32, #tpu.memory_space<vmem>>, vector<1x16xf32>,
      %get3A_631 = vector.shape_cast %get3A_630 : vector<1x16xf32> to vector<16xf32>
      %mul3A_632 = arith.mulf %get3A_627, %get3A_631 : vector<16xf32>
      %swap3A_633 = arith.index_cast %add3A_539 : i32 to index
      %swap3A_634 = arith.constant 96 : index
      %swap3A_635 = tpu.vector_load %arg15[%swap3A_633, %swap3A_634] {strides = array<i32>} : memref<80x128xf32, #tpu.memory_space<vmem>>, vector<1x16xf32>,
      %swap3A_636 = vector.shape_cast %swap3A_635 : vector<1x16xf32> to vector<16xf32>
      %swap3A_637 = vector.shape_cast %mul3A_632 : vector<16xf32> to vector<1x16xf32>
      tpu.vector_store %arg15[%swap3A_633, %swap3A_634], %swap3A_637 {strides = array<i32>} : memref<80x128xf32, #tpu.memory_space<vmem>>, vector<1x16xf32>,
      %get3A_638 = arith.index_cast %add3A_539 : i32 to index
      %get3A_639 = arith.constant 112 : index
      %get3A_640 = tpu.vector_load %arg15[%get3A_638, %get3A_639] {strides = array<i32>} : memref<80x128xf32, #tpu.memory_space<vmem>>, vector<1x16xf32>,
      %get3A_641 = vector.shape_cast %get3A_640 : vector<1x16xf32> to vector<16xf32>
      %get3A_642 = arith.index_cast %add3A_539 : i32 to index
      %get3A_643 = arith.constant 112 : index
      %get3A_644 = tpu.vector_load %arg13[%get3A_642, %get3A_643] {strides = array<i32>} : memref<80x128xf32, #tpu.memory_space<vmem>>, vector<1x16xf32>,
      %get3A_645 = vector.shape_cast %get3A_644 : vector<1x16xf32> to vector<16xf32>
      %mul3A_646 = arith.mulf %get3A_641, %get3A_645 : vector<16xf32>
      %swap3A_647 = arith.index_cast %add3A_539 : i32 to index
      %swap3A_648 = arith.constant 112 : index
      %swap3A_649 = tpu.vector_load %arg15[%swap3A_647, %swap3A_648] {strides = array<i32>} : memref<80x128xf32, #tpu.memory_space<vmem>>, vector<1x16xf32>,
      %swap3A_650 = vector.shape_cast %swap3A_649 : vector<1x16xf32> to vector<16xf32>
      %swap3A_651 = vector.shape_cast %mul3A_646 : vector<16xf32> to vector<1x16xf32>
      tpu.vector_store %arg15[%swap3A_647, %swap3A_648], %swap3A_651 {strides = array<i32>} : memref<80x128xf32, #tpu.memory_space<vmem>>, vector<1x16xf32>,
    }
    %scan3A_479 = arith.constant 80 : i32
    %dma_start3A_480 = arith.constant 0 : i32
    %dma_start3A_481 = arith.constant 0 : i32
    %dma_start3A_482 = tpu.memref_slice %arg19[%dma_start3A_480, %dma_start3A_481] : memref<10000x128xf32, #tpu.memory_space<vmem_shared>> -> memref<10000x128xf32, #tpu.memory_space<vmem_shared>>
    tpu.enqueue_indirect_dma source(%arg15 : memref<80x128xf32, #tpu.memory_space<vmem>>) target(%dma_start3A_482 : memref<10000x128xf32, #tpu.memory_space<vmem_shared>>) offsets(%arg11 : memref<80xi32, #tpu.memory_space<vmem>>) semaphore(%arg27 : memref<!tpu.dma_semaphore, #tpu.memory_space<semaphore_mem>>) {add = true}
    %dma_start3A_483 = arith.constant 0 : i32
    %dma_start3A_484 = arith.constant 0 : i32
    %dma_start3A_485 = tpu.memref_slice %arg20[%dma_start3A_483, %dma_start3A_484] : memref<10240x8xf32, #tpu.memory_space<vmem_shared>> -> memref<10240x8xf32, #tpu.memory_space<vmem_shared>>
    tpu.enqueue_indirect_dma source(%arg17 : memref<80x8xf32, #tpu.memory_space<vmem>>) target(%dma_start3A_485 : memref<10240x8xf32, #tpu.memory_space<vmem_shared>>) offsets(%arg11 : memref<80xi32, #tpu.memory_space<vmem>>) semaphore(%arg29 : memref<!tpu.dma_semaphore, #tpu.memory_space<semaphore_mem>>) {add = true}
    %dma_wait3A_486 = arith.constant 0 : i32
    %dma_wait3A_487 = arith.constant 0 : i32
    %dma_wait3A_488 = tpu.memref_slice %arg19[%dma_wait3A_486, %dma_wait3A_487] : memref<10000x128xf32, #tpu.memory_space<vmem_shared>> -> memref<10000x128xf32, #tpu.memory_space<vmem_shared>>
    tpu.wait_indirect_dma semaphore(%arg28 : memref<!tpu.dma_semaphore, #tpu.memory_space<semaphore_mem>>) src(%arg16 : memref<80x128xf32, #tpu.memory_space<vmem>>) dst(%dma_wait3A_488 : memref<10000x128xf32, #tpu.memory_space<vmem_shared>>)
    %dma_wait3A_489 = arith.constant 0 : i32
    %dma_wait3A_490 = arith.constant 0 : i32
    %dma_wait3A_491 = tpu.memref_slice %arg20[%dma_wait3A_489, %dma_wait3A_490] : memref<10240x8xf32, #tpu.memory_space<vmem_shared>> -> memref<10240x8xf32, #tpu.memory_space<vmem_shared>>
    tpu.wait_indirect_dma semaphore(%arg30 : memref<!tpu.dma_semaphore, #tpu.memory_space<semaphore_mem>>) src(%arg17 : memref<80x8xf32, #tpu.memory_space<vmem>>) dst(%dma_wait3A_491 : memref<10240x8xf32, #tpu.memory_space<vmem_shared>>)
    %dma_wait3A_492 = arith.constant 0 : i32
    %dma_wait3A_493 = arith.constant 0 : i32
    %dma_wait3A_494 = tpu.memref_slice %arg19[%dma_wait3A_492, %dma_wait3A_493] : memref<10000x128xf32, #tpu.memory_space<vmem_shared>> -> memref<10000x128xf32, #tpu.memory_space<vmem_shared>>
    tpu.wait_indirect_dma semaphore(%arg27 : memref<!tpu.dma_semaphore, #tpu.memory_space<semaphore_mem>>) src(%arg15 : memref<80x128xf32, #tpu.memory_space<vmem>>) dst(%dma_wait3A_494 : memref<10000x128xf32, #tpu.memory_space<vmem_shared>>)
    %dma_wait3A_495 = arith.constant 0 : i32
    %dma_wait3A_496 = arith.constant 0 : i32
    %dma_wait3A_497 = tpu.memref_slice %arg20[%dma_wait3A_495, %dma_wait3A_496] : memref<10240x8xf32, #tpu.memory_space<vmem_shared>> -> memref<10240x8xf32, #tpu.memory_space<vmem_shared>>
    tpu.wait_indirect_dma semaphore(%arg29 : memref<!tpu.dma_semaphore, #tpu.memory_space<semaphore_mem>>) src(%arg17 : memref<80x8xf32, #tpu.memory_space<vmem>>) dst(%dma_wait3A_497 : memref<10240x8xf32, #tpu.memory_space<vmem_shared>>)
    %barrier3A_498 = arith.constant 0 : index
    tpu.barrier barrier_id(%barrier3A_498)
    %sub3A_499 = arith.constant 125 : i32
    %sub3A_500 = arith.subi %sub3A_499, %arg1 : i32
    %sub3A_501 = arith.constant 16 : i32
    %sub3A_502 = arith.constant 1 : i32
    %sub3A_503 = arith.subi %sub3A_501, %sub3A_502 : i32
    %add3A_504 = arith.addi %sub3A_500, %sub3A_503 : i32
    %div3A_505 = arith.constant 16 : i32
    %div3A_506 = arith.divsi %add3A_504, %div3A_505 : i32
    %while3A_507 = arith.constant 16 : i32
    %while3A_508 = arith.constant 0 : i32
    %while3A_509 = arith.subi %div3A_506, %while3A_508 : i32
    %while3A_510 = arith.addi %while3A_508, %while3A_509 : i32
    %while3A_511 = arith.constant 1 : i32
    %while3A_512 = arith.divsi %while3A_509, %while3A_511 : i32
    %while3A_513 = arith.muli %while3A_512, %while3A_511 : i32
    %while3A_514 = arith.addi %while3A_508, %while3A_513 : i32
    %while3A_515 = arith.constant 1 : i32
    scf.for %while3A_535 = %while3A_508 to %while3A_514 step %while3A_515  : i32 {
      %mul3A_536 = arith.muli %while3A_535, %while3A_507 : i32
      %add3A_537 = arith.addi %arg1, %mul3A_536 : i32
      %mul3A_538 = arith.constant 80 : i32
      %mul3A_539 = arith.muli %add3A_537, %mul3A_538 : i32
      "tpu.region"() ({
        %run_scoped3A = tpu.sem_alloc : memref<!tpu.dma_semaphore, #tpu.memory_space<semaphore_mem>>
        %dma_start3A_540 = arith.constant 0 : i32
        %dma_start3A_541 = tpu.memref_slice %arg19[%mul3A_539, %dma_start3A_540] : memref<10000x128xf32, #tpu.memory_space<vmem_shared>> -> memref<80x128xf32, #tpu.memory_space<vmem_shared>>
        %dma_start3A_542 = arith.constant 0 : i32
        %dma_start3A_543 = tpu.memref_slice %arg19[%mul3A_539, %dma_start3A_542] : memref<10000x128xf32, #tpu.memory_space<vmem_shared>> -> memref<80x128xf32, #tpu.memory_space<vmem_shared>>
        tpu.enqueue_dma source(%dma_start3A_543 : memref<80x128xf32, #tpu.memory_space<vmem_shared>>) target(%arg15 : memref<80x128xf32, #tpu.memory_space<vmem>>) target_semaphore(%run_scoped3A : memref<!tpu.dma_semaphore, #tpu.memory_space<semaphore_mem>>)
        %dma_wait3A_544 = arith.constant 0 : i32
        %dma_wait3A_545 = tpu.memref_slice %arg19[%mul3A_539, %dma_wait3A_544] : memref<10000x128xf32, #tpu.memory_space<vmem_shared>> -> memref<80x128xf32, #tpu.memory_space<vmem_shared>>
        %dma_wait3A_546 = arith.constant 0 : i32
        %dma_wait3A_547 = tpu.memref_slice %arg19[%mul3A_539, %dma_wait3A_546] : memref<10000x128xf32, #tpu.memory_space<vmem_shared>> -> memref<80x128xf32, #tpu.memory_space<vmem_shared>>
        tpu.wait_dma2 semaphore(%run_scoped3A : memref<!tpu.dma_semaphore, #tpu.memory_space<semaphore_mem>>) src(%dma_wait3A_547 : memref<80x128xf32, #tpu.memory_space<vmem_shared>>) dst(%arg15 : memref<80x128xf32, #tpu.memory_space<vmem>>)
        tpu.yield
      }) : () -> ()
      "tpu.region"() ({
        %run_scoped3A = tpu.sem_alloc : memref<!tpu.dma_semaphore, #tpu.memory_space<semaphore_mem>>
        %dma_start3A_540 = arith.constant 0 : i32
        %dma_start3A_541 = tpu.memref_slice %arg5[%arg0, %mul3A_539, %dma_start3A_540] : memref<2x10000x128xf32, #tpu.memory_space<hbm>> -> memref<1x80x128xf32, #tpu.memory_space<hbm>>
        %dma_start3A_542 = tpu.memref_squeeze %dma_start3A_541 : memref<1x80x128xf32, #tpu.memory_space<hbm>> -> memref<80x128xf32, #tpu.memory_space<hbm>>
        %dma_start3A_543 = arith.constant 0 : i32
        %dma_start3A_544 = tpu.memref_slice %arg5[%arg0, %mul3A_539, %dma_start3A_543] : memref<2x10000x128xf32, #tpu.memory_space<hbm>> -> memref<1x80x128xf32, #tpu.memory_space<hbm>>
        %dma_start3A_545 = tpu.memref_squeeze %dma_start3A_544 : memref<1x80x128xf32, #tpu.memory_space<hbm>> -> memref<80x128xf32, #tpu.memory_space<hbm>>
        tpu.enqueue_dma source(%arg15 : memref<80x128xf32, #tpu.memory_space<vmem>>) target(%dma_start3A_545 : memref<80x128xf32, #tpu.memory_space<hbm>>) target_semaphore(%run_scoped3A : memref<!tpu.dma_semaphore, #tpu.memory_space<semaphore_mem>>)
        %dma_wait3A_546 = arith.constant 0 : i32
        %dma_wait3A_547 = tpu.memref_slice %arg5[%arg0, %mul3A_539, %dma_wait3A_546] : memref<2x10000x128xf32, #tpu.memory_space<hbm>> -> memref<1x80x128xf32, #tpu.memory_space<hbm>>
        %dma_wait3A_548 = tpu.memref_squeeze %dma_wait3A_547 : memref<1x80x128xf32, #tpu.memory_space<hbm>> -> memref<80x128xf32, #tpu.memory_space<hbm>>
        %dma_wait3A_549 = arith.constant 0 : i32
        %dma_wait3A_550 = tpu.memref_slice %arg5[%arg0, %mul3A_539, %dma_wait3A_549] : memref<2x10000x128xf32, #tpu.memory_space<hbm>> -> memref<1x80x128xf32, #tpu.memory_space<hbm>>
        %dma_wait3A_551 = tpu.memref_squeeze %dma_wait3A_550 : memref<1x80x128xf32, #tpu.memory_space<hbm>> -> memref<80x128xf32, #tpu.memory_space<hbm>>
        tpu.wait_dma2 semaphore(%run_scoped3A : memref<!tpu.dma_semaphore, #tpu.memory_space<semaphore_mem>>) src(%arg15 : memref<80x128xf32, #tpu.memory_space<vmem>>) dst(%dma_wait3A_551 : memref<80x128xf32, #tpu.memory_space<hbm>>)
        tpu.yield
      }) : () -> ()
    }
    %while3A_516 = arith.constant 1 : i32
    scf.for %while3A_535 = %while3A_514 to %while3A_510 step %while3A_516  : i32 {
      %mul3A_536 = arith.muli %while3A_535, %while3A_507 : i32
      %add3A_537 = arith.addi %arg1, %mul3A_536 : i32
      %mul3A_538 = arith.constant 80 : i32
      %mul3A_539 = arith.muli %add3A_537, %mul3A_538 : i32
      "tpu.region"() ({
        %run_scoped3A = tpu.sem_alloc : memref<!tpu.dma_semaphore, #tpu.memory_space<semaphore_mem>>
        %dma_start3A_540 = arith.constant 0 : i32
        %dma_start3A_541 = tpu.memref_slice %arg19[%mul3A_539, %dma_start3A_540] : memref<10000x128xf32, #tpu.memory_space<vmem_shared>> -> memref<80x128xf32, #tpu.memory_space<vmem_shared>>
        %dma_start3A_542 = arith.constant 0 : i32
        %dma_start3A_543 = tpu.memref_slice %arg19[%mul3A_539, %dma_start3A_542] : memref<10000x128xf32, #tpu.memory_space<vmem_shared>> -> memref<80x128xf32, #tpu.memory_space<vmem_shared>>
        tpu.enqueue_dma source(%dma_start3A_543 : memref<80x128xf32, #tpu.memory_space<vmem_shared>>) target(%arg15 : memref<80x128xf32, #tpu.memory_space<vmem>>) target_semaphore(%run_scoped3A : memref<!tpu.dma_semaphore, #tpu.memory_space<semaphore_mem>>)
        %dma_wait3A_544 = arith.constant 0 : i32
        %dma_wait3A_545 = tpu.memref_slice %arg19[%mul3A_539, %dma_wait3A_544] : memref<10000x128xf32, #tpu.memory_space<vmem_shared>> -> memref<80x128xf32, #tpu.memory_space<vmem_shared>>
        %dma_wait3A_546 = arith.constant 0 : i32
        %dma_wait3A_547 = tpu.memref_slice %arg19[%mul3A_539, %dma_wait3A_546] : memref<10000x128xf32, #tpu.memory_space<vmem_shared>> -> memref<80x128xf32, #tpu.memory_space<vmem_shared>>
        tpu.wait_dma2 semaphore(%run_scoped3A : memref<!tpu.dma_semaphore, #tpu.memory_space<semaphore_mem>>) src(%dma_wait3A_547 : memref<80x128xf32, #tpu.memory_space<vmem_shared>>) dst(%arg15 : memref<80x128xf32, #tpu.memory_space<vmem>>)
        tpu.yield
      }) : () -> ()
      "tpu.region"() ({
        %run_scoped3A = tpu.sem_alloc : memref<!tpu.dma_semaphore, #tpu.memory_space<semaphore_mem>>
        %dma_start3A_540 = arith.constant 0 : i32
        %dma_start3A_541 = tpu.memref_slice %arg5[%arg0, %mul3A_539, %dma_start3A_540] : memref<2x10000x128xf32, #tpu.memory_space<hbm>> -> memref<1x80x128xf32, #tpu.memory_space<hbm>>
        %dma_start3A_542 = tpu.memref_squeeze %dma_start3A_541 : memref<1x80x128xf32, #tpu.memory_space<hbm>> -> memref<80x128xf32, #tpu.memory_space<hbm>>
        %dma_start3A_543 = arith.constant 0 : i32
        %dma_start3A_544 = tpu.memref_slice %arg5[%arg0, %mul3A_539, %dma_start3A_543] : memref<2x10000x128xf32, #tpu.memory_space<hbm>> -> memref<1x80x128xf32, #tpu.memory_space<hbm>>
        %dma_start3A_545 = tpu.memref_squeeze %dma_start3A_544 : memref<1x80x128xf32, #tpu.memory_space<hbm>> -> memref<80x128xf32, #tpu.memory_space<hbm>>
        tpu.enqueue_dma source(%arg15 : memref<80x128xf32, #tpu.memory_space<vmem>>) target(%dma_start3A_545 : memref<80x128xf32, #tpu.memory_space<hbm>>) target_semaphore(%run_scoped3A : memref<!tpu.dma_semaphore, #tpu.memory_space<semaphore_mem>>)
        %dma_wait3A_546 = arith.constant 0 : i32
        %dma_wait3A_547 = tpu.memref_slice %arg5[%arg0, %mul3A_539, %dma_wait3A_546] : memref<2x10000x128xf32, #tpu.memory_space<hbm>> -> memref<1x80x128xf32, #tpu.memory_space<hbm>>
        %dma_wait3A_548 = tpu.memref_squeeze %dma_wait3A_547 : memref<1x80x128xf32, #tpu.memory_space<hbm>> -> memref<80x128xf32, #tpu.memory_space<hbm>>
        %dma_wait3A_549 = arith.constant 0 : i32
        %dma_wait3A_550 = tpu.memref_slice %arg5[%arg0, %mul3A_539, %dma_wait3A_549] : memref<2x10000x128xf32, #tpu.memory_space<hbm>> -> memref<1x80x128xf32, #tpu.memory_space<hbm>>
        %dma_wait3A_551 = tpu.memref_squeeze %dma_wait3A_550 : memref<1x80x128xf32, #tpu.memory_space<hbm>> -> memref<80x128xf32, #tpu.memory_space<hbm>>
        tpu.wait_dma2 semaphore(%run_scoped3A : memref<!tpu.dma_semaphore, #tpu.memory_space<semaphore_mem>>) src(%arg15 : memref<80x128xf32, #tpu.memory_space<vmem>>) dst(%dma_wait3A_551 : memref<80x128xf32, #tpu.memory_space<hbm>>)
        tpu.yield
      }) : () -> ()
    }
    %sub3A_517 = arith.constant 128 : i32
    %sub3A_518 = arith.subi %sub3A_517, %arg1 : i32
    %sub3A_519 = arith.constant 16 : i32
    %sub3A_520 = arith.constant 1 : i32
    %sub3A_521 = arith.subi %sub3A_519, %sub3A_520 : i32
    %add3A_522 = arith.addi %sub3A_518, %sub3A_521 : i32
    %div3A_523 = arith.constant 16 : i32
    %div3A_524 = arith.divsi %add3A_522, %div3A_523 : i32
    %while3A_525 = arith.constant 16 : i32
    %while3A_526 = arith.constant 0 : i32
    %while3A_527 = arith.subi %div3A_524, %while3A_526 : i32
    %while3A_528 = arith.addi %while3A_526, %while3A_527 : i32
    %while3A_529 = arith.constant 1 : i32
    %while3A_530 = arith.divsi %while3A_527, %while3A_529 : i32
    %while3A_531 = arith.muli %while3A_530, %while3A_529 : i32
    %while3A_532 = arith.addi %while3A_526, %while3A_531 : i32
    %while3A_533 = arith.constant 1 : i32
    scf.for %while3A_535 = %while3A_526 to %while3A_532 step %while3A_533  : i32 {
      %mul3A_536 = arith.muli %while3A_535, %while3A_525 : i32
      %add3A_537 = arith.addi %arg1, %mul3A_536 : i32
      %mul3A_538 = arith.constant 80 : i32
      %mul3A_539 = arith.muli %add3A_537, %mul3A_538 : i32
      "tpu.region"() ({
        %run_scoped3A = tpu.sem_alloc : memref<!tpu.dma_semaphore, #tpu.memory_space<semaphore_mem>>
        %dma_start3A_540 = arith.constant 0 : i32
        %dma_start3A_541 = tpu.memref_slice %arg20[%mul3A_539, %dma_start3A_540] : memref<10240x8xf32, #tpu.memory_space<vmem_shared>> -> memref<80x8xf32, #tpu.memory_space<vmem_shared>>
        %dma_start3A_542 = arith.constant 0 : i32
        %dma_start3A_543 = tpu.memref_slice %arg20[%mul3A_539, %dma_start3A_542] : memref<10240x8xf32, #tpu.memory_space<vmem_shared>> -> memref<80x8xf32, #tpu.memory_space<vmem_shared>>
        tpu.enqueue_dma source(%dma_start3A_543 : memref<80x8xf32, #tpu.memory_space<vmem_shared>>) target(%arg18 : memref<80x8xf32, #tpu.memory_space<vmem>>) target_semaphore(%run_scoped3A : memref<!tpu.dma_semaphore, #tpu.memory_space<semaphore_mem>>)
        %dma_wait3A_544 = arith.constant 0 : i32
        %dma_wait3A_545 = tpu.memref_slice %arg20[%mul3A_539, %dma_wait3A_544] : memref<10240x8xf32, #tpu.memory_space<vmem_shared>> -> memref<80x8xf32, #tpu.memory_space<vmem_shared>>
        %dma_wait3A_546 = arith.constant 0 : i32
        %dma_wait3A_547 = tpu.memref_slice %arg20[%mul3A_539, %dma_wait3A_546] : memref<10240x8xf32, #tpu.memory_space<vmem_shared>> -> memref<80x8xf32, #tpu.memory_space<vmem_shared>>
        tpu.wait_dma2 semaphore(%run_scoped3A : memref<!tpu.dma_semaphore, #tpu.memory_space<semaphore_mem>>) src(%dma_wait3A_547 : memref<80x8xf32, #tpu.memory_space<vmem_shared>>) dst(%arg18 : memref<80x8xf32, #tpu.memory_space<vmem>>)
        tpu.yield
      }) : () -> ()
      "tpu.region"() ({
        %run_scoped3A = tpu.sem_alloc : memref<!tpu.dma_semaphore, #tpu.memory_space<semaphore_mem>>
        %dma_start3A_540 = arith.constant 0 : i32
        %dma_start3A_541 = tpu.memref_slice %arg6[%arg0, %mul3A_539, %dma_start3A_540] : memref<2x10240x8xf32, #tpu.memory_space<hbm>> -> memref<1x80x8xf32, #tpu.memory_space<hbm>>
        %dma_start3A_542 = tpu.memref_squeeze %dma_start3A_541 : memref<1x80x8xf32, #tpu.memory_space<hbm>> -> memref<80x8xf32, #tpu.memory_space<hbm>>
        %dma_start3A_543 = arith.constant 0 : i32
        %dma_start3A_544 = tpu.memref_slice %arg6[%arg0, %mul3A_539, %dma_start3A_543] : memref<2x10240x8xf32, #tpu.memory_space<hbm>> -> memref<1x80x8xf32, #tpu.memory_space<hbm>>
        %dma_start3A_545 = tpu.memref_squeeze %dma_start3A_544 : memref<1x80x8xf32, #tpu.memory_space<hbm>> -> memref<80x8xf32, #tpu.memory_space<hbm>>
        tpu.enqueue_dma source(%arg18 : memref<80x8xf32, #tpu.memory_space<vmem>>) target(%dma_start3A_545 : memref<80x8xf32, #tpu.memory_space<hbm>>) target_semaphore(%run_scoped3A : memref<!tpu.dma_semaphore, #tpu.memory_space<semaphore_mem>>)
        %dma_wait3A_546 = arith.constant 0 : i32
        %dma_wait3A_547 = tpu.memref_slice %arg6[%arg0, %mul3A_539, %dma_wait3A_546] : memref<2x10240x8xf32, #tpu.memory_space<hbm>> -> memref<1x80x8xf32, #tpu.memory_space<hbm>>
        %dma_wait3A_548 = tpu.memref_squeeze %dma_wait3A_547 : memref<1x80x8xf32, #tpu.memory_space<hbm>> -> memref<80x8xf32, #tpu.memory_space<hbm>>
        %dma_wait3A_549 = arith.constant 0 : i32
        %dma_wait3A_550 = tpu.memref_slice %arg6[%arg0, %mul3A_539, %dma_wait3A_549] : memref<2x10240x8xf32, #tpu.memory_space<hbm>> -> memref<1x80x8xf32, #tpu.memory_space<hbm>>
        %dma_wait3A_551 = tpu.memref_squeeze %dma_wait3A_550 : memref<1x80x8xf32, #tpu.memory_space<hbm>> -> memref<80x8xf32, #tpu.memory_space<hbm>>
        tpu.wait_dma2 semaphore(%run_scoped3A : memref<!tpu.dma_semaphore, #tpu.memory_space<semaphore_mem>>) src(%arg18 : memref<80x8xf32, #tpu.memory_space<vmem>>) dst(%dma_wait3A_551 : memref<80x8xf32, #tpu.memory_space<hbm>>)
        tpu.yield
      }) : () -> ()
    }
    %while3A_534 = arith.constant 1 : i32
    scf.for %while3A_535 = %while3A_532 to %while3A_528 step %while3A_534  : i32 {
      %mul3A_536 = arith.muli %while3A_535, %while3A_525 : i32
      %add3A_537 = arith.addi %arg1, %mul3A_536 : i32
      %mul3A_538 = arith.constant 80 : i32
      %mul3A_539 = arith.muli %add3A_537, %mul3A_538 : i32
      "tpu.region"() ({
        %run_scoped3A = tpu.sem_alloc : memref<!tpu.dma_semaphore, #tpu.memory_space<semaphore_mem>>
        %dma_start3A_540 = arith.constant 0 : i32
        %dma_start3A_541 = tpu.memref_slice %arg20[%mul3A_539, %dma_start3A_540] : memref<10240x8xf32, #tpu.memory_space<vmem_shared>> -> memref<80x8xf32, #tpu.memory_space<vmem_shared>>
        %dma_start3A_542 = arith.constant 0 : i32
        %dma_start3A_543 = tpu.memref_slice %arg20[%mul3A_539, %dma_start3A_542] : memref<10240x8xf32, #tpu.memory_space<vmem_shared>> -> memref<80x8xf32, #tpu.memory_space<vmem_shared>>
        tpu.enqueue_dma source(%dma_start3A_543 : memref<80x8xf32, #tpu.memory_space<vmem_shared>>) target(%arg18 : memref<80x8xf32, #tpu.memory_space<vmem>>) target_semaphore(%run_scoped3A : memref<!tpu.dma_semaphore, #tpu.memory_space<semaphore_mem>>)
        %dma_wait3A_544 = arith.constant 0 : i32
        %dma_wait3A_545 = tpu.memref_slice %arg20[%mul3A_539, %dma_wait3A_544] : memref<10240x8xf32, #tpu.memory_space<vmem_shared>> -> memref<80x8xf32, #tpu.memory_space<vmem_shared>>
        %dma_wait3A_546 = arith.constant 0 : i32
        %dma_wait3A_547 = tpu.memref_slice %arg20[%mul3A_539, %dma_wait3A_546] : memref<10240x8xf32, #tpu.memory_space<vmem_shared>> -> memref<80x8xf32, #tpu.memory_space<vmem_shared>>
        tpu.wait_dma2 semaphore(%run_scoped3A : memref<!tpu.dma_semaphore, #tpu.memory_space<semaphore_mem>>) src(%dma_wait3A_547 : memref<80x8xf32, #tpu.memory_space<vmem_shared>>) dst(%arg18 : memref<80x8xf32, #tpu.memory_space<vmem>>)
        tpu.yield
      }) : () -> ()
      "tpu.region"() ({
        %run_scoped3A = tpu.sem_alloc : memref<!tpu.dma_semaphore, #tpu.memory_space<semaphore_mem>>
        %dma_start3A_540 = arith.constant 0 : i32
        %dma_start3A_541 = tpu.memref_slice %arg6[%arg0, %mul3A_539, %dma_start3A_540] : memref<2x10240x8xf32, #tpu.memory_space<hbm>> -> memref<1x80x8xf32, #tpu.memory_space<hbm>>
        %dma_start3A_542 = tpu.memref_squeeze %dma_start3A_541 : memref<1x80x8xf32, #tpu.memory_space<hbm>> -> memref<80x8xf32, #tpu.memory_space<hbm>>
        %dma_start3A_543 = arith.constant 0 : i32
        %dma_start3A_544 = tpu.memref_slice %arg6[%arg0, %mul3A_539, %dma_start3A_543] : memref<2x10240x8xf32, #tpu.memory_space<hbm>> -> memref<1x80x8xf32, #tpu.memory_space<hbm>>
        %dma_start3A_545 = tpu.memref_squeeze %dma_start3A_544 : memref<1x80x8xf32, #tpu.memory_space<hbm>> -> memref<80x8xf32, #tpu.memory_space<hbm>>
        tpu.enqueue_dma source(%arg18 : memref<80x8xf32, #tpu.memory_space<vmem>>) target(%dma_start3A_545 : memref<80x8xf32, #tpu.memory_space<hbm>>) target_semaphore(%run_scoped3A : memref<!tpu.dma_semaphore, #tpu.memory_space<semaphore_mem>>)
        %dma_wait3A_546 = arith.constant 0 : i32
        %dma_wait3A_547 = tpu.memref_slice %arg6[%arg0, %mul3A_539, %dma_wait3A_546] : memref<2x10240x8xf32, #tpu.memory_space<hbm>> -> memref<1x80x8xf32, #tpu.memory_space<hbm>>
        %dma_wait3A_548 = tpu.memref_squeeze %dma_wait3A_547 : memref<1x80x8xf32, #tpu.memory_space<hbm>> -> memref<80x8xf32, #tpu.memory_space<hbm>>
        %dma_wait3A_549 = arith.constant 0 : i32
        %dma_wait3A_550 = tpu.memref_slice %arg6[%arg0, %mul3A_539, %dma_wait3A_549] : memref<2x10240x8xf32, #tpu.memory_space<hbm>> -> memref<1x80x8xf32, #tpu.memory_space<hbm>>
        %dma_wait3A_551 = tpu.memref_squeeze %dma_wait3A_550 : memref<1x80x8xf32, #tpu.memory_space<hbm>> -> memref<80x8xf32, #tpu.memory_space<hbm>>
        tpu.wait_dma2 semaphore(%run_scoped3A : memref<!tpu.dma_semaphore, #tpu.memory_space<semaphore_mem>>) src(%arg18 : memref<80x8xf32, #tpu.memory_space<vmem>>) dst(%dma_wait3A_551 : memref<80x8xf32, #tpu.memory_space<hbm>>)
        tpu.yield
      }) : () -> ()
    }
    return
  }
}

module attributes {stable_mosaic.version = 14 : i64} {
  func.func @_mlp_body(%arg0: i32, %arg1: memref<8000x16xbf16, #tpu.memory_space<vmem>>, %arg2: memref<16x64xbf16, #tpu.memory_space<vmem>>, %arg3: memref<1x64xf32, #tpu.memory_space<vmem>>, %arg4: memref<64x128xbf16, #tpu.memory_space<vmem>>, %arg5: memref<1x128xf32, #tpu.memory_space<vmem>>, %arg6: memref<8000x128xf32, #tpu.memory_space<vmem>>) attributes {dimension_semantics = [#tpu.dimension_semantics<arbitrary>], iteration_bounds = array<i64: 40>, scalar_prefetch = 0 : i64, scratch_operands = 0 : i64, tpu.core_type = #tpu.core_type<tc>, window_params = [{transform_indices = @transform_0, window_bounds = array<i64: 8000, 16>}, {pipeline_mode = #tpu.pipeline_mode<synchronous>, transform_indices = @transform_1, window_bounds = array<i64: 16, 64>}, {pipeline_mode = #tpu.pipeline_mode<synchronous>, transform_indices = @transform_2, window_bounds = array<i64: 1, 64>}, {pipeline_mode = #tpu.pipeline_mode<synchronous>, transform_indices = @transform_3, window_bounds = array<i64: 64, 128>}, {pipeline_mode = #tpu.pipeline_mode<synchronous>, transform_indices = @transform_4, window_bounds = array<i64: 1, 128>}, {transform_indices = @transform_5, window_bounds = array<i64: 8000, 128>}]} {
    %get3A = arith.constant 0 : index
    %get3A_0 = arith.constant 0 : index
    %get3A_1 = vector.load %arg1[%get3A, %get3A_0] : memref<8000x16xbf16, #tpu.memory_space<vmem>>, vector<8000x16xbf16>
    %get3A_2 = arith.constant 0 : index
    %get3A_3 = arith.constant 0 : index
    %get3A_4 = vector.load %arg2[%get3A_2, %get3A_3] : memref<16x64xbf16, #tpu.memory_space<vmem>>, vector<16x64xbf16>
    %dot_general3A = arith.constant dense<0.000000e+00> : vector<8000x64xf32>
    %dot_general3A_5 = tpu.matmul %get3A_1, %get3A_4, %dot_general3A {dimension_numbers = #tpu.dot_dimension_numbers<[1], [0], [0], [1], [0, 0, 1, 1], [], []>, transpose_lhs_hint = false} : vector<8000x16xbf16>, vector<16x64xbf16>, vector<8000x64xf32> -> vector<8000x64xf32>
    %get3A_6 = arith.constant 0 : index
    %get3A_7 = arith.constant 0 : index
    %get3A_8 = vector.load %arg3[%get3A_6, %get3A_7] : memref<1x64xf32, #tpu.memory_space<vmem>>, vector<1x64xf32>
    %add3A = vector.broadcast %get3A_8 : vector<1x64xf32> to vector<8000x64xf32>
    %add3A_9 = arith.addf %dot_general3A_5, %add3A : vector<8000x64xf32>
    %max3A = arith.constant 0.000000e+00 : f32
    %max3A_10 = vector.broadcast %max3A : f32 to vector<8000x64xf32>
    %max3A_11 = arith.maximumf %add3A_9, %max3A_10 : vector<8000x64xf32>
    %convert_element_type3A = arith.truncf %max3A_11 : vector<8000x64xf32> to vector<8000x64xbf16>
    %get3A_12 = arith.constant 0 : index
    %get3A_13 = arith.constant 0 : index
    %get3A_14 = vector.load %arg4[%get3A_12, %get3A_13] : memref<64x128xbf16, #tpu.memory_space<vmem>>, vector<64x128xbf16>
    %dot_general3A_15 = arith.constant dense<0.000000e+00> : vector<8000x128xf32>
    %dot_general3A_16 = tpu.matmul %convert_element_type3A, %get3A_14, %dot_general3A_15 {dimension_numbers = #tpu.dot_dimension_numbers<[1], [0], [0], [1], [0, 0, 1, 1], [], []>, transpose_lhs_hint = false} : vector<8000x64xbf16>, vector<64x128xbf16>, vector<8000x128xf32> -> vector<8000x128xf32>
    %get3A_17 = arith.constant 0 : index
    %get3A_18 = arith.constant 0 : index
    %get3A_19 = vector.load %arg5[%get3A_17, %get3A_18] : memref<1x128xf32, #tpu.memory_space<vmem>>, vector<1x128xf32>
    %add3A_20 = vector.broadcast %get3A_19 : vector<1x128xf32> to vector<8000x128xf32>
    %add3A_21 = arith.addf %dot_general3A_16, %add3A_20 : vector<8000x128xf32>
    %swap3A = arith.constant 0 : index
    %swap3A_22 = arith.constant 0 : index
    %swap3A_23 = vector.load %arg6[%swap3A, %swap3A_22] : memref<8000x128xf32, #tpu.memory_space<vmem>>, vector<8000x128xf32>
    tpu.vector_store %arg6[%swap3A, %swap3A_22], %add3A_21 {strides = array<i32>} : memref<8000x128xf32, #tpu.memory_space<vmem>>, vector<8000x128xf32>,
    return
  }
  func.func @transform_0(%arg0: i32) -> (i32, i32) {
    %c0_i32 = arith.constant 0 : i32
    %c0_i32_0 = arith.constant 0 : i32
    return %arg0, %c0_i32 : i32, i32
  }
  func.func @transform_1(%arg0: i32) -> (i32, i32) {
    %c0_i32 = arith.constant 0 : i32
    %c0_i32_0 = arith.constant 0 : i32
    %c0_i32_1 = arith.constant 0 : i32
    return %c0_i32, %c0_i32_0 : i32, i32
  }
  func.func @transform_2(%arg0: i32) -> (i32, i32) {
    %c0_i32 = arith.constant 0 : i32
    %c0_i32_0 = arith.constant 0 : i32
    %c0_i32_1 = arith.constant 0 : i32
    return %c0_i32, %c0_i32_0 : i32, i32
  }
  func.func @transform_3(%arg0: i32) -> (i32, i32) {
    %c0_i32 = arith.constant 0 : i32
    %c0_i32_0 = arith.constant 0 : i32
    %c0_i32_1 = arith.constant 0 : i32
    return %c0_i32, %c0_i32_0 : i32, i32
  }
  func.func @transform_4(%arg0: i32) -> (i32, i32) {
    %c0_i32 = arith.constant 0 : i32
    %c0_i32_0 = arith.constant 0 : i32
    %c0_i32_1 = arith.constant 0 : i32
    return %c0_i32, %c0_i32_0 : i32, i32
  }
  func.func @transform_5(%arg0: i32) -> (i32, i32) {
    %c0_i32 = arith.constant 0 : i32
    %c0_i32_0 = arith.constant 0 : i32
    return %arg0, %c0_i32 : i32, i32
  }
}

module attributes {stable_mosaic.version = 14 : i64} {
  func.func @_combine_body(%arg0: i32, %arg1: memref<2x1000x128xf32, #tpu.memory_space<vmem>>, %arg2: memref<2x1000x1xf32, #tpu.memory_space<vmem>>, %arg3: memref<1000x128xf32, #tpu.memory_space<vmem>>) attributes {dimension_semantics = [#tpu.dimension_semantics<arbitrary>], iteration_bounds = array<i64: 10>, scalar_prefetch = 0 : i64, scratch_operands = 0 : i64, tpu.core_type = #tpu.core_type<tc>, window_params = [{transform_indices = @transform_0, window_bounds = array<i64: 2, 1000, 128>}, {transform_indices = @transform_1, window_bounds = array<i64: 2, 1000, 1>}, {transform_indices = @transform_2, window_bounds = array<i64: 1000, 128>}]} {
    %get3A = arith.constant 0 : index
    %get3A_0 = arith.constant 0 : index
    %get3A_1 = arith.constant 0 : index
    %get3A_2 = vector.load %arg1[%get3A, %get3A_0, %get3A_1] : memref<2x1000x128xf32, #tpu.memory_space<vmem>>, vector<1x1000x128xf32>
    %get3A_3 = vector.shape_cast %get3A_2 : vector<1x1000x128xf32> to vector<1000x128xf32>
    %get3A_4 = arith.constant 1 : index
    %get3A_5 = arith.constant 0 : index
    %get3A_6 = arith.constant 0 : index
    %get3A_7 = vector.load %arg1[%get3A_4, %get3A_5, %get3A_6] : memref<2x1000x128xf32, #tpu.memory_space<vmem>>, vector<1x1000x128xf32>
    %get3A_8 = vector.shape_cast %get3A_7 : vector<1x1000x128xf32> to vector<1000x128xf32>
    %add3A = arith.addf %get3A_3, %get3A_8 : vector<1000x128xf32>
    %get3A_9 = arith.constant 0 : index
    %get3A_10 = arith.constant 0 : index
    %get3A_11 = arith.constant 0 : index
    %get3A_12 = vector.load %arg2[%get3A_9, %get3A_10, %get3A_11] : memref<2x1000x1xf32, #tpu.memory_space<vmem>>, vector<1x1000x1xf32>
    %get3A_13 = vector.shape_cast %get3A_12 : vector<1x1000x1xf32> to vector<1000x1xf32>
    %get3A_14 = arith.constant 1 : index
    %get3A_15 = arith.constant 0 : index
    %get3A_16 = arith.constant 0 : index
    %get3A_17 = vector.load %arg2[%get3A_14, %get3A_15, %get3A_16] : memref<2x1000x1xf32, #tpu.memory_space<vmem>>, vector<1x1000x1xf32>
    %get3A_18 = vector.shape_cast %get3A_17 : vector<1x1000x1xf32> to vector<1000x1xf32>
    %add3A_19 = arith.addf %get3A_13, %get3A_18 : vector<1000x1xf32>
    %gt3A = arith.constant 0.000000e+00 : f32
    %gt3A_20 = vector.broadcast %gt3A : f32 to vector<1000x1xf32>
    %gt3A_21 = arith.cmpf ogt, %add3A_19, %gt3A_20 : vector<1000x1xf32>
    %max3A = arith.constant 1.000000e+00 : f32
    %max3A_22 = vector.broadcast %max3A : f32 to vector<1000x1xf32>
    %max3A_23 = arith.maximumf %add3A_19, %max3A_22 : vector<1000x1xf32>
    %div3A = vector.broadcast %max3A_23 : vector<1000x1xf32> to vector<1000x128xf32>
    %div3A_24 = arith.divf %add3A, %div3A : vector<1000x128xf32>
    %jit3A = arith.constant 0.000000e+00 : f32
    %broadcast_in_dim3A = vector.shape_cast %gt3A_21 : vector<1000x1xi1> to vector<1000x1xi1>
    %broadcast_in_dim3A_25 = vector.broadcast %broadcast_in_dim3A : vector<1000x1xi1> to vector<1000x128xi1>
    %broadcast_in_dim3A_26 = vector.broadcast %jit3A : f32 to vector<1000x128xf32>
    %select_n3A = arith.select %broadcast_in_dim3A_25, %div3A_24, %broadcast_in_dim3A_26 : vector<1000x128xi1>, vector<1000x128xf32>
    %swap3A = arith.constant 0 : index
    %swap3A_27 = arith.constant 0 : index
    %swap3A_28 = vector.load %arg3[%swap3A, %swap3A_27] : memref<1000x128xf32, #tpu.memory_space<vmem>>, vector<1000x128xf32>
    tpu.vector_store %arg3[%swap3A, %swap3A_27], %select_n3A {strides = array<i32>} : memref<1000x128xf32, #tpu.memory_space<vmem>>, vector<1000x128xf32>,
    return
  }
  func.func @transform_0(%arg0: i32) -> (i32, i32, i32) {
    %c0_i32 = arith.constant 0 : i32
    %c0_i32_0 = arith.constant 0 : i32
    %c0_i32_1 = arith.constant 0 : i32
    return %c0_i32, %arg0, %c0_i32_0 : i32, i32, i32
  }
  func.func @transform_1(%arg0: i32) -> (i32, i32, i32) {
    %c0_i32 = arith.constant 0 : i32
    %c0_i32_0 = arith.constant 0 : i32
    %c0_i32_1 = arith.constant 0 : i32
    return %c0_i32, %arg0, %c0_i32_0 : i32, i32, i32
  }
  func.func @transform_2(%arg0: i32) -> (i32, i32) {
    %c0_i32 = arith.constant 0 : i32
    %c0_i32_0 = arith.constant 0 : i32
    return %arg0, %c0_i32 : i32, i32
  }
}

</mosaic_0001>

<sc_bundles>
// kernel: kernel.5.cloned.1.call-start
scs
__scs_entry_jumppad:
0x0: {  	(pc) =	sbr.rel $0x88, $3  }
0x1: {  	(tag) =	ssettag $0x0;
	lr =	simm.s32 $0x1  }
0x2: {  	[smem:$0x3F99] =	sst lr;
	_ =	strace $0xD0000000  }
0x3: {  	_ = 	snop  }
0x4: {  	_ = 	snop  }
0x5: {  	_ = 	snop  }
0x6: {  	_ = 	snop  }
0x7: {  	_ = 	snop  }
__scs_overlays_trampoline_lowered:
0x8: {  	[smem:$0x3FA8] =	sst s0  }
0x9: {  	[smem:$0x3FA9] =	sst s1  }
0xa: {  	[smem:$0x3FAA] =	sst s2  }
0xb: {  	[smem:$0x3FAB] =	sst s3  }
0xc: {  	[smem:$0x3FAC] =	sst s4  }
0xd: {  	[smem:$0x3FAD] =	sst s5  }
0xe: {  	[smem:$0x3FAE] =	sst s6  }
0xf: {  	[smem:$0x3FAF] =	sst s7  }
0x10: {  	[smem:$0x3FB0] =	sst s8  }
0x11: {  	[smem:$0x3FB1] =	sst s9;
	s0 =	simm.s32 @!p0 $0x0  }
0x12: {  	s1 =	sld [smem:$0x3F97];
	s0 =	simm.s32 @p0 $0x1  }
0x13: {  	[smem:$0x3FB2] =	sst s0;
	s0 =	simm.s32 @!p1 $0x0  }
0x14: {  	s2 =	sld [smem:$0x3F96];
	s0 =	simm.s32 @p1 $0x1  }
0x15: {  	[smem:$0x3FB3] =	sst s0;
	s0 =	simm.s32 @!p2 $0x0  }
0x16: {  	s3 =	sld [smem:$0x3FDB];
	s0 =	simm.s32 @p2 $0x1  }
0x17: {  	s4 =	simm.s32 $0x1BF5;
	[smem:$0x3FB5] =	sst s0  }
0x18: {  	s0 =	sld [smem:$0x3F98];
	_ =	swait.ge [sflag:s4], $0x0  }
0x19: {  	s7 =	sld [smem:$0x3F99]  }
0x1a: {  	s8 =	sadd.s32 $0xFFFFE003, lr  }
0x1b: {  	s9 =	sadd.s32 $0xFFFFFEF7, lr;
	s5 =	simm.s32 $0xFFFFFFFF;
	p2 =	slt.u32 s8, $0xFFFFF086  }
0x1c: {  	p1 =	slt.u32 s9, $0xF7A;
	s5 =	simm.s32 @!p2 $0x0  }
0x1d: {  	s5 =	simm.s32 @p1 $0x1;
	p0 =	seq.s32 s7, s2  }
0x1e: {  	s7 =	smul.u32 @!p0 $0xF7A, s2;
	p2 =	seq.s32 @!p0 s5, $0x0  }
0x1f: {  	s9 =	smul.u32 $0xF7A, s1;
	s8 =	simm.s32 @!p0 $0x1BF5;
	p2 =	por !p2, p0  }
0x20: {  	[sflag:s8] =	ssyncset.s32 @!p0 $0xFFFFF086;
	s6 =	sadd.s32 @!p0 s3, s7;
	s7 =	simm.s32 @!p0 $0x108  }
0x21: {  	s3 =	sadd.s32 s3, s9;
	s6 =	sadd.s32 @!p0 $0x88, s6;
	s7 =	simm.s32 @p2 $0x1082  }
0x22: {  	[simem:s7], [sflag:s8] =	dma.local @!p0 [hbm:s6], $0xF7A  }
0x23: {  	s9 =	sor.u32 $0xD0000000, s2;
	s6 =	simm.s32 $0x108;
	_ =	swait.ge @!p0 [sflag:s8], $0x0  }
0x24: {  	s3 =	sadd.s32 $0x88, s3;
	s6 =	simm.s32 @!p1 $0x1082;
	[sflag:s4] =	ssyncset.s32 $0xFFFFF086  }
0x25: {  	[simem:s6], [sflag:s4] =	dma.local [hbm:s3], $0xF7A  }
0x26: {  	[smem:$0x3F99] =	sst s1;
	(tag) =	ssettag s2;
	_ =	strace s9  }
0x27: {  	s1 =	sld [smem:$0x3FA9]  }
0x28: {  	s2 =	sld [smem:$0x3FAA]  }
0x29: {  	s4 =	sld [smem:$0x3FAC]  }
0x2a: {  	p0 =	seq.s32 s5, $0x0;
	s5 =	sld [smem:$0x3FAD]  }
0x2b: {  	s6 =	sld [smem:$0x3FAE]  }
0x2c: {  	s7 =	sld [smem:$0x3FAF]  }
0x2d: {  	s3 =	simm.s32 $0x108;
	s8 =	sld [smem:$0x3FB0]  }
0x2e: {  	s3 =	simm.s32 @!p0 $0x1082;
	s9 =	sld [smem:$0x3FB1]  }
0x2f: {  	lr =	sadd.s32 s0, s3;
	s0 =	sld [smem:$0x3FA8]  }
0x30: {  	s3 =	sld [smem:$0x3FAB]  }
0x31: {  	[smem:$0x3FB4] =	sst s10  }
0x32: {  	s10 =	sld [smem:$0x3FB2];
	_ =	sdelay $0x3  }
0x33: {  	p0 =	seq.s32 s10, $0x1;
	s10 =	sld [smem:$0x3FB4];
	_ =	sdelay $0x3  }
0x34: {  	[smem:$0x3FB4] =	sst s10  }
0x35: {  	s10 =	sld [smem:$0x3FB3];
	_ =	sdelay $0x3  }
0x36: {  	p1 =	seq.s32 s10, $0x1;
	s10 =	sld [smem:$0x3FB4];
	_ =	sdelay $0x3  }
0x37: {  	[smem:$0x3FB4] =	sst s10  }
0x38: {  	s10 =	sld [smem:$0x3FB5]  }
0x39: {  	_ = 	snop;
	(pc) =	sbr.ind lr, $3  }
0x3a: {  	_ = 	snop  }
0x3b: {  	_ = 	snop  }
0x3c: {  	p2 =	seq.s32 s10, $0x1;
	s10 =	sld [smem:$0x3FB4]  }
0x3d: {  	_ =	shalt  }
0x3e: {  	_ =	shalt  }
0x3f: {  	_ =	shalt  }
0x40: {  	_ =	shalt  }
0x41: {  	_ =	shalt  }
0x42: {  	_ =	shalt  }
0x43: {  	_ =	shalt  }
0x44: {  	_ =	shalt  }
0x45: {  	_ =	shalt  }
0x46: {  	_ =	shalt  }
0x47: {  	_ =	shalt  }
0x48: {  	_ =	shalt  }
0x49: {  	_ =	shalt  }
0x4a: {  	_ =	shalt  }
0x4b: {  	_ =	shalt  }
0x4c: {  	_ =	shalt  }
0x4d: {  	_ =	shalt  }
0x4e: {  	_ =	shalt  }
0x4f: {  	_ =	shalt  }
0x50: {  	_ =	shalt  }
0x51: {  	_ =	shalt  }
0x52: {  	_ =	shalt  }
0x53: {  	_ =	shalt  }
0x54: {  	_ =	shalt  }
0x55: {  	_ =	shalt  }
0x56: {  	_ =	shalt  }
0x57: {  	_ =	shalt  }
0x58: {  	_ =	shalt  }
0x59: {  	_ =	shalt  }
0x5a: {  	_ =	shalt  }
0x5b: {  	_ =	shalt  }
0x5c: {  	_ =	shalt  }
0x5d: {  	_ =	shalt  }
0x5e: {  	_ =	shalt  }
0x5f: {  	_ =	shalt  }
0x60: {  	_ =	shalt  }
0x61: {  	_ =	shalt  }
0x62: {  	_ =	shalt  }
0x63: {  	_ =	shalt  }
0x64: {  	_ =	shalt  }
0x65: {  	_ =	shalt  }
0x66: {  	_ =	shalt  }
0x67: {  	_ =	shalt  }
0x68: {  	_ =	shalt  }
0x69: {  	_ =	shalt  }
0x6a: {  	_ =	shalt  }
0x6b: {  	_ =	shalt  }
0x6c: {  	_ =	shalt  }
0x6d: {  	_ =	shalt  }
0x6e: {  	_ =	shalt  }
0x6f: {  	_ =	shalt  }
0x70: {  	_ =	shalt  }
0x71: {  	_ =	shalt  }
0x72: {  	_ =	shalt  }
0x73: {  	_ =	shalt  }
0x74: {  	_ =	shalt  }
0x75: {  	_ =	shalt  }
0x76: {  	_ =	shalt  }
0x77: {  	_ =	shalt  }
0x78: {  	_ =	shalt  }
0x79: {  	_ =	shalt  }
0x7a: {  	_ =	shalt  }
0x7b: {  	_ =	shalt  }
0x7c: {  	_ =	shalt  }
0x7d: {  	_ =	shalt  }
0x7e: {  	_ =	shalt  }
0x7f: {  	_ =	shalt  }
0x80: {  	_ =	shalt  }
0x81: {  	_ =	shalt  }
0x82: {  	_ =	shalt  }
0x83: {  	_ =	shalt  }
0x84: {  	_ =	shalt  }
0x85: {  	_ =	shalt  }
0x86: {  	_ =	shalt  }
0x87: {  	_ =	shalt  }
.Lfunc_end0:
.L_simem_size_0:
called_computation_lowered:
.L_overlay_start_0:
0x88: {  	s2 =	sld [smem:$0x3FD9]  }
0x89: {  	s3 =	sld [smem:$0x3FFE];
	_ =	sdelay $0x1  }
0x8a: {  	s1 =	srdreg.scid  }
0x8b: {  	s0 =	sand.u32 $0x1, s1  }
0x8c: {  	s17 =	sshll.u32 s0, $0xA;
	s2 =	sadd.s32 s3, s2  }
0x8d: {  	s2 =	sadd.s32 s2, s17  }
0x8e: {  	[smem:$0x3FC0] =	sst s2  }
0x8f: {  	_ = 	snop  }
0x90: {  	s2 =	sld [smem:$0x3FC9]  }
0x91: {  	s18 =	sld [smem:$0x3FD0];
	(tm) =	ssettm $0x1  }
0x92: {  	s4 =	sld [smem:$0x3FFB];
	_ =	sdelay $0x3  }
0x93: {  	_ =	strace s4  }
0x94: {  	s4 =	sld [smem:$0x3FFC];
	_ =	sdelay $0x3  }
0x95: {  	_ =	strace s4  }
0x96: {  	s4 =	sld [smem:$0x3FFD];
	_ =	sdelay $0x3  }
0x97: {  	_ =	strace s4  }
0x98: {  	_ =	strace $0x8FFFFFFF  }
0x99: {  	s19 =	sld [smem:$0x3FDB];
	_ =	sdelay $0x1  }
0x9a: {  	s5 =	simm.s32 $_scs_section_size  }
0x9b: {  	s6 =	simm.s32 $_size__tile_overlayer_lowered;
	s7 =	simm.s32 $_tile_overlayer_lowered  }
0x9c: {  	s22 =	simm.s32 $0x1BFF;
	s21 =	sshll.u32 s7, $0x1;
	s4 =	sadd.s32 s5, s19  }
0x9d: {  	s8 =	simm.s32 $0x0;
	s20 =	sshll.u32 s6, $0x1;
	s6 =	sadd.s32 s21, s4  }
0x9e: {  	[timem:s8], [sflag:s22] =	dma.local [hbm:s6], s20  }
0x9f: {  	_ =	swait.ge [sflag:s22], s20  }
0xa0: {  	s5 =	ssub.s32 $0x0, s20;
	[sflag:s22] =	ssyncset.done $0x0  }
0xa1: {  	[sflag:s22] =	ssyncadd.s32 s5;
	_ =	sdelay $0x1  }
0xa2: {  	s23 =	simm.s32 $0x1B8B  }
0xa3: {  	_ =	swait.ge [sflag:s23], $0x1  }
0xa4: {  	[sflag:s23] =	ssyncset.done $0x0  }
0xa5: {  	s25 =	simm.s32 $0x1B8E;
	s24 =	sld [smem:$0x3FFE];
	[sflag:s23] =	ssyncadd.s32 $0xFFFFFFFF  }
0xa6: {  	s26 =	simm.s32 $execute0_lowered;
	[smem:$0x3FD2] =	sst s25  }
0xa7: {  	s6 =	sshll.u32 s26, $0x1;
	_ =	strace $0x80000046;
	[dreg:$0x1] =	wrdreg $0xFFFFFFFF  }
0xa8: {  	s28 =	simm.s32 $_size_execute0_lowered;
	s4 =	sadd.s32 s4, s6;
	[dreg:$0x0] =	wrdreg $0x0  }
0xa9: {  	s6 =	sshll.u32 s28, $0x1;
	[dreg:$0x2] =	wrdreg s4  }
0xaa: {  	[dreg:$0x3] =	wrdreg s6  }
0xab: {  	[dreg:$0x4] =	wrdreg $0xC0  }
0xac: {  	_ =	task [dreg:s8], $0x5FFFF  }
0xad: {  	[dreg:$0x1] =	wrdreg $0xFFFFFFFF  }
0xae: {  	[dreg:$0x0] =	wrdreg $0x60  }
0xaf: {  	[dreg:$0x2] =	wrdreg s2  }
0xb0: {  	[dreg:$0x3] =	wrdreg s24  }
0xb1: {  	[dreg:$0x4] =	wrdreg s18  }
0xb2: {  	[dreg:$0x5] =	wrdreg $0xA7800  }
0xb3: {  	[dreg:$0x6] =	wrdreg $0x1E0000  }
0xb4: {  	[dreg:$0x7] =	wrdreg $0x9  }
0xb5: {  	_ =	task.clear_ibuf [dreg:s8], $0x8FFFF;
	_ =	strace $0x90000046  }
0xb6: {  	s29 =	simm.s32 $0x9;
	_ =	strace $0x80000048  }
0xb7: {  	_ =	swait.ge [sflag:s29], $0x1  }
0xb8: {  	[sflag:s29] =	ssyncadd.s32 $0xFFFFFFFF  }
0xb9: {  	_ =	strace $0x90000048  }
0xba: {  	_ =	sfence  }
0xbb: {  	s30 =	sld [smem:$0x0];
	_ =	sdelay $0x2  }
0xbc: {  	s31 =	sshll.u32 s1, $0xD;
	s1 =	sshrl.u32 s1, $0x2  }
0xbd: {  	s3 =	sand.u32 $0x4000, s31;
	s1 =	sadd.s32 s1, s30  }
0xbe: {  	s0 =	sor.u32 s3, s0;
	s1 =	sshll.u32 s1, $0x11  }
0xbf: {  	s0 =	sor.u32 s1, s0  }
0xc0: {  	s0 =	sadd.s32 $0x8F2B, s0  }
0xc1: {  	[sflag:s0] =	ssyncadd.remote.s32 $0x1  }
0xc2: {  	_ =	sfence.sel $0xFFFF  }
0xc3: {  	[dreg:$0x0] =	wrdreg $0xFFFFFFFF;
	(pc) =	sbr.abs _section_cstart, $3  }
0xc4: {  	[dreg:$0x1] =	wrdreg $0xFFFFFFFF  }
0xc5: {  	_ =	task.clear_ibuf [dreg:s8], $0x2FFFF;
	_ =	strace $0x9FFFFFFF  }
0xc6: {  	(tm) =	ssettm $0x7FFFFFFF  }
0xc7: {  	_ =	shalt  }
tec
execute0_lowered:
.L_overlay_start_1:
0x0: {  	(tag) =	ssettag $0x1  }
0x1: {  	s0 =	srdreg.scid  }
0x2: {  	s29 =	stileid.u32;
	s15 =	rddreg [dreg:$0x1];
	s1 =	simm.s32 $0x0  }
0x3: {  	s0 =	sand.u32 $0x1, s0;
	s3 =	smul.u32 $0x2800, s29;
	[smem:$0x7FF] =	sst s1  }
0x4: {  	s13 =	sadd.s32 $0x1600, s15;
	s4 =	sshll.u32 s29, $0x1;
	s18 =	smul.u32 $0x280, s29  }
0x5: {  	s21 =	sor.u32 $0x10, s29;
	s19 =	sor.u32 $0x30, s29;
	s2 =	smul.u32 $0x138800, s0  }
0x6: {  	s12 =	sor.u32 $0x40, s29;
	s9 =	sor.u32 $0x50, s29;
	s8 =	smul.u32 $0x14000, s0  }
0x7: {  	s22 =	ssub.s32 $0x2, s0;
	s20 =	sor.u32 s0, s4;
	s0 =	smul.u32 $0x280, s21  }
0x8: {  	s23 =	sshrl.u32 s22, $0x1;
	s14 =	sadd.s32 s3, s2;
	s3 =	smul.u32 $0x280, s19  }
0x9: {  	s6 =	ssub.s32 s22, s23;
	s22 =	sor.u32 $0x20, s29;
	s19 =	smul.u32 $0xA00, s19  }
0xa: {  	s7 =	sor.u32 $0x60, s29;
	s5 =	sadd.s32 s8, s0;
	s2 =	smul.u32 $0x280, s22  }
0xb: {  	s24 =	sor.u32 s8, s18;
	s10 =	sshrl.u32 s5, $0x3;
	s5 =	smul.u32 $0x280, s9  }
0xc: {  	s16 =	sor.u32 $0x70, s29;
	s25 =	sshrl.u32 s24, $0x3;
	s22 =	smul.u32 $0xA00, s22  }
0xd: {  	s9 =	smul.u32 $0xA00, s9;
	s4 =	sadd.s32 s13, s25;
	s11 =	sadd.s32 s8, s3  }
0xe: {  	s10 =	sadd.s32 s13, s10;
	[dreg:$0x6] =	wrdreg s4;
	s26 =	sadd.s32 s8, s2  }
0xf: {  	s4 =	smul.u32 $0x280, s12;
	s11 =	sshrl.u32 s11, $0x3;
	[dreg:$0x7] =	wrdreg s10  }
0x10: {  	s25 =	sadd.s32 s8, s5;
	s17 =	sshrl.u32 s26, $0x3;
	s23 =	sadd.s32 s13, s11  }
0x11: {  	s11 =	smul.u32 $0x280, s7;
	s17 =	sadd.s32 s13, s17;
	[dreg:$0x9] =	wrdreg s23  }
0x12: {  	s24 =	sadd.s32 s8, s4;
	s23 =	sshrl.u32 s25, $0x3;
	[dreg:$0x8] =	wrdreg s17  }
0x13: {  	s10 =	sshrl.u32 s24, $0x3;
	s17 =	smul.u32 $0x280, s16;
	s26 =	sadd.s32 s13, s23  }
0x14: {  	s23 =	sadd.s32 s8, s11;
	s10 =	sadd.s32 s13, s10;
	[dreg:$0xb] =	wrdreg s26  }
0x15: {  	s7 =	smul.u32 $0xA00, s7;
	[dreg:$0xa] =	wrdreg s10;
	s10 =	sshrl.u32 s23, $0x3  }
0x16: {  	s24 =	sadd.s32 s8, s17;
	s8 =	rddreg [dreg:$0x0];
	s10 =	sadd.s32 s13, s10  }
0x17: {  	s23 =	sshrl.u32 s24, $0x3;
	s24 =	sshrl.u32 s14, $0x3;
	s14 =	rddreg [dreg:$0x4]  }
0x18: {  	s31 =	simm.s32 $0x2;
	s25 =	smul.u32 $0x9C4, s20;
	[dreg:$0xc] =	wrdreg s10  }
0x19: {  	s16 =	smul.u32 $0xA00, s16;
	s10 =	rddreg [dreg:$0x2];
	s13 =	sadd.s32 s13, s23  }
0x1a: {  	s6 =	smax.u32 s6, $0x1;
	s23 =	smul.u32 $0x7D, s20;
	[dreg:$0xd] =	wrdreg s13  }
0x1b: {  	s20 =	smul.u32 $0x27100, s20;
	s18 =	sadd.s32 s18, s14;
	s13 =	rddreg [dreg:$0x3]  }
0x1c: {  	s24 =	sadd.s32 s24, s15;
	_ =	strace $0x80000047;
	[dreg:$0x13] =	wrdreg s18  }
0x1d: {  	s0 =	sadd.s32 s0, s14;
	s24 =	sadd.s32 $0x6600, s24;
	[dreg:$0x14] =	wrdreg s6  }
0x1e: {  	s26 =	sadd.s32 $0x1, s23;
	s6 =	smul.u32 $0xA00, s12;
	[dreg:$0x1d] =	wrdreg s0  }
0x1f: {  	s30 =	sadd.s32 s10, s25;
	[smem:$0x7FA] =	sst s24;
	s28 =	smul.u32 $0x14, s26  }
0x20: {  	s15 =	sadd.s32 $0x272600, s15;
	[dreg:$0xe] =	wrdreg s30;
	s25 =	smul.u32 $0x500, s26  }
0x21: {  	s24 =	simm.s32 $0xA500;
	s0 =	simm.s32 $0x3;
	s6 =	sshrl.u32 s6, $0x2  }
0x22: {  	s26 =	sadd.s32 s10, s28;
	s25 =	sadd.s32 s15, s25;
	s6 =	sadd.s32 s6, s14  }
0x23: {  	[dreg:$0xf] =	wrdreg s26;
	s26 =	sadd.s32 s15, s20;
	s20 =	smul.u32 $0xA00, s21  }
0x24: {  	[dreg:$0x11] =	wrdreg s25;
	s21 =	ssub.s32 $0x8C, s29;
	s25 =	smul.u32 $0xA00, s29  }
0x25: {  	[dreg:$0x19] =	wrdreg s6;
	s28 =	sshrl.u32 s21, $0x4;
	s21 =	sadd.s32 $0x2, s23  }
0x26: {  	[dreg:$0x10] =	wrdreg s26;
	s26 =	sadd.s32 $0xA00, s26;
	s25 =	sshrl.u32 s25, $0x2  }
0x27: {  	s23 =	sshrl.u32 s20, $0x2;
	s20 =	sshrl.u32 s19, $0x2;
	s19 =	sadd.s32 s5, s14  }
0x28: {  	[smem:$0x7FC] =	sst s26;
	s26 =	simm.s32 $0xB;
	s5 =	simm.s32 $0x4  }
0x29: {  	[dreg:$0x12] =	wrdreg s28;
	s18 =	sadd.s32 s25, s14;
	s25 =	sshrl.u32 s22, $0x2  }
0x2a: {  	s12 =	sadd.s32 s23, s14;
	s22 =	sshrl.u32 s9, $0x2;
	[smem:$0x7F7] =	sst s19  }
0x2b: {  	s23 =	sshrl.u32 s7, $0x2;
	s9 =	smul.u32 $0xA000, s29;
	[dreg:$0x15] =	wrdreg s18  }
0x2c: {  	s29 =	simm.s32 $0x1;
	[dreg:$0x16] =	wrdreg s12;
	s18 =	sadd.s32 s25, s14  }
0x2d: {  	s19 =	simm.s32 $0x9;
	s12 =	sadd.s32 s20, s14;
	[dreg:$0x17] =	wrdreg s18  }
0x2e: {  	s6 =	sadd.s32 s22, s14;
	s25 =	sshrl.u32 s16, $0x2;
	[dreg:$0x18] =	wrdreg s12  }
0x2f: {  	s16 =	sadd.s32 s3, s14;
	s22 =	sadd.s32 s11, s14;
	[dreg:$0x1a] =	wrdreg s6  }
0x30: {  	s3 =	simm.s32 $0x1E0;
	s11 =	simm.s32 $0x8;
	[dreg:$0x1f] =	wrdreg s16  }
0x31: {  	s6 =	sadd.s32 s23, s14;
	s7 =	sadd.s32 s25, s14;
	[smem:$0x7F8] =	sst s22  }
0x32: {  	s12 =	sadd.s32 s2, s14;
	s18 =	sadd.s32 s4, s14;
	[dreg:$0x1b] =	wrdreg s6  }
0x33: {  	s20 =	sshrl.u32 s9, $0x2;
	s23 =	sadd.s32 s17, s14;
	[dreg:$0x1c] =	wrdreg s7  }
0x34: {  	s25 =	sadd.s32 $0x28, s30;
	s30 =	simm.s32 $0x50;
	[dreg:$0x1e] =	wrdreg s12  }
0x35: {  	s16 =	simm.s32 $0x140;
	s2 =	simm.s32 $0x5;
	[smem:$0x7F6] =	sst s18  }
0x36: {  	s4 =	simm.s32 $0xA280;
	s17 =	simm.s32 $0x7;
	[smem:$0x7F9] =	sst s23  }
0x37: {  	s23 =	sadd.s32 s20, s13;
	[smem:$0x7FB] =	sst s25;
	s25 =	simm.s32 $0x5280  }
0x38: {  	s12 =	simm.s32 $0x7A80;
	s6 =	simm.s32 $0x6;
	s7 =	simm.s32 $0x230  }
0x39: {  	v0 =	vimm.f32 $0.0e+00;
	v1 =	vimm.f32 $1.000000000e+00;
	s20 =	simm.s32 $0xA;
	s18 =	simm.s32 $0x0;
	[smem:$0x7FD] =	sst s23  }
.LBB2_1:
0x3a: {  	[smem:$0x7F5] =	sst s18  }
0x3b: {  	s9 =	rddreg [dreg:$0xe]  }
0x3c: {  	[tilespmem:s1], [sflag:$0x1] =	stream.linear.gather [hbm4b:s9+s1], $0xA0, $0x38;
	[tilespmem:$0x1F400] =	vst v63  }
0x3d: {  	s18 =	rddreg [dreg:$0xf];
	s22 =	simm.s32 $0xA0  }
0x3e: {  	[tilespmem:s22], [sflag:$0x2] =	stream.linear.gather [hbm4b:s18+s1], $0xA0, $0x38;
	[tilespmem:$0x1F400] =	vst v63  }
0x3f: {  	s18 =	rddreg [dreg:$0x10];
	s22 =	simm.s32 $0x280  }
0x40: {  	[tilespmem:s22], [sflag:$0x3] =	stream.linear.gather [hbm4b:s18+s1], $0x2800, $0x38;
	[tilespmem:$0x1F400] =	vst v63  }
0x41: {  	s18 =	rddreg [dreg:$0x11];
	s22 =	simm.s32 $0x2A80  }
0x42: {  	[tilespmem:s22], [sflag:$0x4] =	stream.linear.gather [hbm4b:s18+s1], $0x2800, $0x38;
	[tilespmem:$0x1F400] =	vst v63  }
0x43: {  	s9 =	simm.s32 $0x0;
	s18 =	simm.s32 $0x200  }
.LBB2_2:
0x44: {  	p0 =	sne.s32 s18, $0x9E00;
	[tilespmem:s9+$0x52F0] =	vst v0  }
0x45: {  	[tilespmem:s9+$0x5280] =	vst v0  }
0x46: {  	[tilespmem:s9+$0x5290] =	vst v0  }
.Ltmp0:
0x47: {  	[tilespmem:s9+$0x52A0] =	vst v0;
	(pc) =	sbr.rel @p0 .LBB2_2-.Ltmp0, $4  }
0x48: {  	[tilespmem:s9+$0x52B0] =	vst v0  }
0x49: {  	[tilespmem:s9+$0x52C0] =	vst v0  }
0x4a: {  	[tilespmem:s9+$0x52D0] =	vst v0  }
0x4b: {  	[tilespmem:s9+$0x52E0] =	vst v0;
	s9 =	sshra.s32 s18, $0x2;
	s18 =	sadd.s32 $0x200, s18  }
0x4c: {  	[tilespmem:s9+$0x52F0] =	vst v0  }
0x4d: {  	[tilespmem:s9+$0x5280] =	vst v0  }
0x4e: {  	[tilespmem:s9+$0x5290] =	vst v0  }
0x4f: {  	[tilespmem:s9+$0x52A0] =	vst v0  }
0x50: {  	[tilespmem:s9+$0x52B0] =	vst v0  }
0x51: {  	[tilespmem:s9+$0x52C0] =	vst v0  }
0x52: {  	[tilespmem:s9+$0x52D0] =	vst v0  }
0x53: {  	[tilespmem:s9+$0x52E0] =	vst v0;
	s9 =	simm.s32 $0x20;
	s18 =	simm.s32 $0x0  }
.LBB2_4:
0x54: {  	p0 =	seq.s32 s9, $0x9E0;
	[tilespmem:s18+$0xA280] =	vst.msk $0xff, v1;
	s22 =	smov.u32 s9;
	s9 =	sadd.s32 $0x20, s9  }
.Ltmp1:
0x55: {  	[tilespmem:s18+$0xA500] =	vst.msk $0xff, v0;
	(pc) =	sbr.rel @!p0 .LBB2_4-.Ltmp1, $2  }
0x56: {  	_ =	sdelay $0x2  }
0x57: {  	s18 =	sshra.s32 s22, $0x2  }
0x58: {  	p0 =	seq.s32 s28, $0x1  }
.Ltmp2:
0x59: {  	[tilespmem:s18+$0xA280] =	vst.msk $0xff, v1;
	(pc) =	sbr.rel @p0 .LBB2_7-.Ltmp2, $4  }
0x5a: {  	[tilespmem:s18+$0xA500] =	vst.msk $0xff, v0  }
0x5b: {  	[spmem:s23] =	stream.linear.scatter [tilespmem:s25], [sflag:$0xB], $0x2800, $0x38;
	[tilespmem:$0x1F400] =	vst v63  }
0x5c: {  	_ =	swait.ge [sflag:s26], $0x2800  }
0x5d: {  	s9 =	sadd.s32 $0xFFFFFFFF, s28;
	s18 =	smov.u32 s23;
	[sflag:s26] =	ssyncset.done $0x0  }
.LBB2_6:
0x5e: {  	p1 =	seq.s32 s9, $0x1;
	[sflag:s26] =	ssyncadd.s32 $0xFFFFD800;
	s18 =	sadd.s32 $0x28000, s18  }
.Ltmp3:
0x5f: {  	s9 =	sadd.s32 $0xFFFFFFFF, s9;
	(pc) =	sbr.rel @!p1 .LBB2_6-.Ltmp3, $4  }
0x60: {  	_ = 	snop  }
0x61: {  	[spmem:s18] =	stream.linear.scatter [tilespmem:s25], [sflag:$0xB], $0x2800, $0x38;
	[tilespmem:$0x1F400] =	vst v63  }
0x62: {  	_ =	swait.ge [sflag:s26], $0x2800  }
0x63: {  	[sflag:s26] =	ssyncset.done $0x0  }
.LBB2_7:
0x64: {  	[sflag:s26] =	ssyncadd.s32 $0xFFFFD800;
	s9 =	rddreg [dreg:$0x15]  }
0x65: {  	[spmem:s9] =	stream.linear.scatter [tilespmem:s24], [sflag:$0xB], $0x280, $0x38;
	[tilespmem:$0x1F400] =	vst v63  }
0x66: {  	_ =	swait.ge [sflag:s26], $0x280  }
0x67: {  	[sflag:s26] =	ssyncset.done $0x0  }
0x68: {  	s18 =	rddreg [dreg:$0x16];
	[sflag:s26] =	ssyncadd.s32 $0xFFFFFD80  }
0x69: {  	[spmem:s18] =	stream.linear.scatter [tilespmem:s24], [sflag:$0xB], $0x280, $0x38;
	[tilespmem:$0x1F400] =	vst v63  }
0x6a: {  	_ =	swait.ge [sflag:s26], $0x280  }
0x6b: {  	[sflag:s26] =	ssyncset.done $0x0  }
0x6c: {  	s22 =	rddreg [dreg:$0x17];
	[sflag:s26] =	ssyncadd.s32 $0xFFFFFD80  }
0x6d: {  	[spmem:s22] =	stream.linear.scatter [tilespmem:s24], [sflag:$0xB], $0x280, $0x38;
	[tilespmem:$0x1F400] =	vst v63  }
0x6e: {  	_ =	swait.ge [sflag:s26], $0x280  }
0x6f: {  	[sflag:s26] =	ssyncset.done $0x0  }
0x70: {  	s23 =	rddreg [dreg:$0x18];
	[sflag:s26] =	ssyncadd.s32 $0xFFFFFD80  }
0x71: {  	[spmem:s23] =	stream.linear.scatter [tilespmem:s24], [sflag:$0xB], $0x280, $0x38;
	[tilespmem:$0x1F400] =	vst v63  }
0x72: {  	_ =	swait.ge [sflag:s26], $0x280  }
0x73: {  	[sflag:s26] =	ssyncset.done $0x0  }
0x74: {  	s28 =	rddreg [dreg:$0x19];
	[sflag:s26] =	ssyncadd.s32 $0xFFFFFD80  }
0x75: {  	[spmem:s28] =	stream.linear.scatter [tilespmem:s24], [sflag:$0xB], $0x280, $0x38;
	[tilespmem:$0x1F400] =	vst v63  }
0x76: {  	_ =	swait.ge [sflag:s26], $0x280  }
0x77: {  	[sflag:s26] =	ssyncset.done $0x0  }
0x78: {  	s18 =	rddreg [dreg:$0x1a];
	[sflag:s26] =	ssyncadd.s32 $0xFFFFFD80  }
0x79: {  	[spmem:s18] =	stream.linear.scatter [tilespmem:s24], [sflag:$0xB], $0x280, $0x38;
	[tilespmem:$0x1F400] =	vst v63  }
0x7a: {  	_ =	swait.ge [sflag:s26], $0x280  }
0x7b: {  	[sflag:s26] =	ssyncset.done $0x0  }
0x7c: {  	s22 =	rddreg [dreg:$0x1b];
	[sflag:s26] =	ssyncadd.s32 $0xFFFFFD80  }
0x7d: {  	[spmem:s22] =	stream.linear.scatter [tilespmem:s24], [sflag:$0xB], $0x280, $0x38;
	[tilespmem:$0x1F400] =	vst v63  }
0x7e: {  	_ =	swait.ge [sflag:s26], $0x280  }
0x7f: {  	[sflag:s26] =	ssyncset.done $0x0  }
0x80: {  	s23 =	rddreg [dreg:$0x1c];
	[sflag:s26] =	ssyncadd.s32 $0xFFFFFD80  }
0x81: {  	[spmem:s23] =	stream.linear.scatter [tilespmem:s24], [sflag:$0xB], $0x280, $0x38;
	[tilespmem:$0x1F400] =	vst v63  }
0x82: {  	_ =	swait.ge [sflag:s26], $0x280  }
0x83: {  	[sflag:s26] =	ssyncset.done $0x0  }
0x84: {  	[sflag:s26] =	ssyncadd.s32 $0xFFFFFD80  }
0x85: {  	[bflag:$0x0] =	sbarrier.arrive $0xFFFF  }
0x86: {  	_ =	swait.ge [sflag:s29], $0xA0  }
0x87: {  	[sflag:s29] =	ssyncset.done $0x0  }
0x88: {  	[sflag:s29] =	ssyncadd.s32 $0xFFFFFF60  }
0x89: {  	v2 =	vld [tilespmem:$0x0]  }
0x8a: {  	v3 =	vld [tilespmem:$0x50]  }
0x8b: {  	v4 =	vld [tilespmem:$0x10]  }
0x8c: {  	v5 =	vld [tilespmem:$0x60]  }
0x8d: {  	v6 =	vld [tilespmem:$0x20]  }
0x8e: {  	[tilespmem:$0x140] =	vst v2;
	v2 =	vld [tilespmem:$0x70]  }
0x8f: {  	[tilespmem:$0x1E0] =	vst v3;
	v3 =	vld [tilespmem:$0x30]  }
0x90: {  	[tilespmem:$0x150] =	vst v4;
	v4 =	vld [tilespmem:$0x80]  }
0x91: {  	[tilespmem:$0x1F0] =	vst v5;
	v5 =	vld [tilespmem:$0x40]  }
0x92: {  	[tilespmem:$0x160] =	vst v6;
	v6 =	vld [tilespmem:$0x90]  }
0x93: {  	[tilespmem:$0x200] =	vst v2  }
0x94: {  	[tilespmem:$0x170] =	vst v3  }
0x95: {  	s18 =	sld [smem:$0x7FB];
	[tilespmem:$0x210] =	vst v4  }
0x96: {  	[tilespmem:$0x180] =	vst v5  }
0x97: {  	s24 =	simm.s32 $0x0;
	[tilespmem:$0x220] =	vst v6  }
0x98: {  	[tilespmem:s24], [sflag:$0x1] =	stream.linear.gather [hbm4b:s18+s24], $0xA0, $0x38;
	[tilespmem:$0x1F400] =	vst v63  }
0x99: {  	_ = 	snop  }
0x9a: {  	[tilespmem:s25], [sflag:$0x5] =	stream.indirect.gather [hbm4b:s8+s30], $0x80, s16, s30, $0xb8;
	[tilespmem:$0x1F400] =	vst v63  }
0x9b: {  	_ =	swait.ge [sflag:s31], $0xA0  }
0x9c: {  	[sflag:s31] =	ssyncset.done $0x0  }
0x9d: {  	[sflag:s31] =	ssyncadd.s32 $0xFFFFFF60  }
0x9e: {  	v2 =	vld [tilespmem:$0xA0]  }
0x9f: {  	v3 =	vld [tilespmem:$0xF0]  }
0xa0: {  	v4 =	vld [tilespmem:$0xB0]  }
0xa1: {  	v5 =	vld [tilespmem:$0x100]  }
0xa2: {  	v6 =	vld [tilespmem:$0xC0]  }
0xa3: {  	[tilespmem:$0x190] =	vst v2;
	v2 =	vld [tilespmem:$0x110]  }
0xa4: {  	[tilespmem:$0x230] =	vst v3;
	v3 =	vld [tilespmem:$0xD0]  }
0xa5: {  	[tilespmem:$0x1A0] =	vst v4;
	v4 =	vld [tilespmem:$0x120]  }
0xa6: {  	[tilespmem:$0x240] =	vst v5;
	v5 =	vld [tilespmem:$0xE0]  }
0xa7: {  	[tilespmem:$0x1B0] =	vst v6;
	v6 =	vld [tilespmem:$0x130]  }
0xa8: {  	[tilespmem:$0x250] =	vst v2  }
0xa9: {  	[tilespmem:$0x1C0] =	vst v3  }
0xaa: {  	[tilespmem:$0x260] =	vst v4  }
0xab: {  	[tilespmem:$0x1D0] =	vst v5  }
0xac: {  	s28 =	simm.s32 $0x190;
	[tilespmem:$0x270] =	vst v6  }
0xad: {  	[tilespmem:s12], [sflag:$0x6] =	stream.indirect.gather [hbm4b:s8+s30], $0x80, s28, s30, $0xb8;
	[tilespmem:$0x1F400] =	vst v63  }
0xae: {  	_ =	swait.ge [sflag:s0], $0x2800  }
0xaf: {  	[sflag:s0] =	ssyncset.done $0x0  }
0xb0: {  	[sflag:s0] =	ssyncadd.s32 $0xFFFFD800  }
0xb1: {  	_ =	swait.ge [sflag:s2], $0x2800  }
0xb2: {  	[sflag:s2] =	ssyncset.done $0x0  }
0xb3: {  	s9 =	simm.s32 $0x0;
	[sflag:s2] =	ssyncadd.s32 $0xFFFFD800  }
0xb4: {  	v9 =	vld [tilespmem:s9+$0x280]  }
0xb5: {  	v13 =	vld [tilespmem:s9+$0x290]  }
0xb6: {  	v7 =	vld [tilespmem:s9+$0x2A0]  }
0xb7: {  	v6 =	vld [tilespmem:s9+$0x2B0]  }
0xb8: {  	v5 =	vld [tilespmem:s9+$0x2C0]  }
0xb9: {  	v4 =	vld [tilespmem:s9+$0x2D0]  }
0xba: {  	v3 =	vld [tilespmem:s9+$0x2E0]  }
0xbb: {  	v2 =	vld [tilespmem:s9+$0x2F0]  }
0xbc: {  	v14 =	vld [tilespmem:s9+$0x5280]  }
0xbd: {  	v15 =	vld [tilespmem:s9+$0x5290]  }
0xbe: {  	v12 =	vld [tilespmem:s9+$0x52A0]  }
0xbf: {  	v11 =	vld [tilespmem:s9+$0x52B0]  }
0xc0: {  	v10 =	vld [tilespmem:s9+$0x52C0]  }
0xc1: {  	v8 =	vld [tilespmem:s9+$0x52D0];
	v14 =	vmul.f32 v9, v14  }
0xc2: {  	s22 =	simm.s32 $0x200;
	v13 =	vmul.f32 v13, v15;
	v9 =	vld [tilespmem:s9+$0x52E0]  }
.LBB2_8:
0xc3: {  	s18 =	sshra.s32 s22, $0x2;
	p1 =	sne.s32 s22, $0x9E00;
	[tilespmem:s9+$0x5280] =	vst v14;
	v7 =	vmul.f32 v7, v12;
	v12 =	vld [tilespmem:s9+$0x52F0]  }
0xc4: {  	v14 =	vld [tilespmem:s18+$0x280];
	[tilespmem:s9+$0x5290] =	vst v13;
	v6 =	vmul.f32 v6, v11  }
0xc5: {  	v13 =	vld [tilespmem:s18+$0x290];
	[tilespmem:s9+$0x52A0] =	vst v7;
	v5 =	vmul.f32 v5, v10  }
0xc6: {  	v7 =	vld [tilespmem:s18+$0x2A0];
	[tilespmem:s9+$0x52B0] =	vst v6;
	v4 =	vmul.f32 v4, v8  }
0xc7: {  	v6 =	vld [tilespmem:s18+$0x2B0];
	[tilespmem:s9+$0x52C0] =	vst v5;
	v3 =	vmul.f32 v3, v9  }
0xc8: {  	v5 =	vld [tilespmem:s18+$0x2C0];
	[tilespmem:s9+$0x52D0] =	vst v4;
	v2 =	vmul.f32 v2, v12  }
0xc9: {  	v4 =	vld [tilespmem:s18+$0x2D0];
	[tilespmem:s9+$0x52E0] =	vst v3  }
0xca: {  	v3 =	vld [tilespmem:s18+$0x2E0];
	[tilespmem:s9+$0x52F0] =	vst v2;
	s9 =	smov.u32 s18  }
0xcb: {  	v2 =	vld [tilespmem:s9+$0x2F0]  }
0xcc: {  	v8 =	vld [tilespmem:s9+$0x5280]  }
0xcd: {  	v9 =	vld [tilespmem:s9+$0x5290]  }
.Ltmp4:
0xce: {  	v12 =	vld [tilespmem:s9+$0x52A0];
	(pc) =	sbr.rel @p1 .LBB2_8-.Ltmp4, $4  }
0xcf: {  	v11 =	vld [tilespmem:s9+$0x52B0]  }
0xd0: {  	v10 =	vld [tilespmem:s9+$0x52C0]  }
0xd1: {  	v14 =	vmul.f32 v14, v8;
	v8 =	vld [tilespmem:s9+$0x52D0]  }
0xd2: {  	s22 =	sadd.s32 $0x200, s22;
	v13 =	vmul.f32 v13, v9;
	v9 =	vld [tilespmem:s9+$0x52E0]  }
0xd3: {  	[tilespmem:s9+$0x5280] =	vst v14;
	v7 =	vmul.f32 v7, v12;
	v12 =	vld [tilespmem:s9+$0x52F0]  }
0xd4: {  	[tilespmem:s9+$0x5290] =	vst v13;
	v6 =	vmul.f32 v6, v11  }
0xd5: {  	[tilespmem:s9+$0x52A0] =	vst v7;
	v5 =	vmul.f32 v5, v10  }
0xd6: {  	[tilespmem:s9+$0x52B0] =	vst v6;
	v4 =	vmul.f32 v4, v8  }
0xd7: {  	[tilespmem:s9+$0x52C0] =	vst v5;
	v3 =	vmul.f32 v3, v9  }
0xd8: {  	[tilespmem:s9+$0x52D0] =	vst v4;
	v2 =	vmul.f32 v2, v12  }
0xd9: {  	[tilespmem:s9+$0x52E0] =	vst v3  }
0xda: {  	[tilespmem:s9+$0x52F0] =	vst v2  }
0xdb: {  	[spmem:s13] =	stream.indirect.scatter.add.f32 [tilespmem:s25], [sflag:$0x7], $0x80, s3, s30, $0xb8;
	[tilespmem:$0x1F400] =	vst v63  }
0xdc: {  	s18 =	sld [smem:$0x7FC]  }
0xdd: {  	[spmem:s14] =	stream.indirect.scatter.add.f32 [tilespmem:s4], [sflag:$0x9], $0x8, s3, s30, $0xb8;
	[tilespmem:$0x1F400] =	vst v63  }
0xde: {  	s28 =	simm.s32 $0x0;
	s22 =	simm.s32 $0x280  }
0xdf: {  	[tilespmem:s22], [sflag:$0x3] =	stream.linear.gather [hbm4b:s18+s28], $0x2800, $0x38;
	[tilespmem:$0x1F400] =	vst v63  }
0xe0: {  	_ =	swait.ge [sflag:s5], $0x2800  }
0xe1: {  	[sflag:s5] =	ssyncset.done $0x0  }
0xe2: {  	[sflag:s5] =	ssyncadd.s32 $0xFFFFD800  }
0xe3: {  	_ =	swait.ge [sflag:s6], $0x2800  }
0xe4: {  	[sflag:s6] =	ssyncset.done $0x0  }
0xe5: {  	s9 =	simm.s32 $0x0;
	[sflag:s6] =	ssyncadd.s32 $0xFFFFD800  }
0xe6: {  	v9 =	vld [tilespmem:s9+$0x2A80]  }
0xe7: {  	v13 =	vld [tilespmem:s9+$0x2A90]  }
0xe8: {  	v7 =	vld [tilespmem:s9+$0x2AA0]  }
0xe9: {  	v6 =	vld [tilespmem:s9+$0x2AB0]  }
0xea: {  	v5 =	vld [tilespmem:s9+$0x2AC0]  }
0xeb: {  	v4 =	vld [tilespmem:s9+$0x2AD0]  }
0xec: {  	v3 =	vld [tilespmem:s9+$0x2AE0]  }
0xed: {  	v2 =	vld [tilespmem:s9+$0x2AF0]  }
0xee: {  	v14 =	vld [tilespmem:s9+$0x7A80]  }
0xef: {  	v15 =	vld [tilespmem:s9+$0x7A90]  }
0xf0: {  	v12 =	vld [tilespmem:s9+$0x7AA0]  }
0xf1: {  	v11 =	vld [tilespmem:s9+$0x7AB0]  }
0xf2: {  	v10 =	vld [tilespmem:s9+$0x7AC0]  }
0xf3: {  	v8 =	vld [tilespmem:s9+$0x7AD0];
	v14 =	vmul.f32 v9, v14  }
0xf4: {  	s22 =	simm.s32 $0x200;
	v13 =	vmul.f32 v13, v15;
	v9 =	vld [tilespmem:s9+$0x7AE0]  }
.LBB2_10:
0xf5: {  	s18 =	sshra.s32 s22, $0x2;
	p1 =	sne.s32 s22, $0x9E00;
	[tilespmem:s9+$0x7A80] =	vst v14;
	v7 =	vmul.f32 v7, v12;
	v12 =	vld [tilespmem:s9+$0x7AF0]  }
0xf6: {  	v14 =	vld [tilespmem:s18+$0x2A80];
	[tilespmem:s9+$0x7A90] =	vst v13;
	v6 =	vmul.f32 v6, v11  }
0xf7: {  	v13 =	vld [tilespmem:s18+$0x2A90];
	[tilespmem:s9+$0x7AA0] =	vst v7;
	v5 =	vmul.f32 v5, v10  }
0xf8: {  	v7 =	vld [tilespmem:s18+$0x2AA0];
	[tilespmem:s9+$0x7AB0] =	vst v6;
	v4 =	vmul.f32 v4, v8  }
0xf9: {  	v6 =	vld [tilespmem:s18+$0x2AB0];
	[tilespmem:s9+$0x7AC0] =	vst v5;
	v3 =	vmul.f32 v3, v9  }
0xfa: {  	v5 =	vld [tilespmem:s18+$0x2AC0];
	[tilespmem:s9+$0x7AD0] =	vst v4;
	v2 =	vmul.f32 v2, v12  }
0xfb: {  	v4 =	vld [tilespmem:s18+$0x2AD0];
	[tilespmem:s9+$0x7AE0] =	vst v3  }
0xfc: {  	v3 =	vld [tilespmem:s18+$0x2AE0];
	[tilespmem:s9+$0x7AF0] =	vst v2;
	s9 =	smov.u32 s18  }
0xfd: {  	v2 =	vld [tilespmem:s9+$0x2AF0]  }
0xfe: {  	v8 =	vld [tilespmem:s9+$0x7A80]  }
0xff: {  	v9 =	vld [tilespmem:s9+$0x7A90]  }
.Ltmp5:
0x100: {  	v12 =	vld [tilespmem:s9+$0x7AA0];
	(pc) =	sbr.rel @p1 .LBB2_10-.Ltmp5, $4  }
0x101: {  	v11 =	vld [tilespmem:s9+$0x7AB0]  }
0x102: {  	v10 =	vld [tilespmem:s9+$0x7AC0]  }
0x103: {  	v14 =	vmul.f32 v14, v8;
	v8 =	vld [tilespmem:s9+$0x7AD0]  }
0x104: {  	s22 =	sadd.s32 $0x200, s22;
	v13 =	vmul.f32 v13, v9;
	v9 =	vld [tilespmem:s9+$0x7AE0]  }
0x105: {  	[tilespmem:s9+$0x7A80] =	vst v14;
	v7 =	vmul.f32 v7, v12;
	v63 =	vld [tilespmem:s9+$0x7AF0]  }
0x106: {  	[tilespmem:s9+$0x7A90] =	vst v13;
	v6 =	vmul.f32 v6, v11  }
0x107: {  	[tilespmem:s9+$0x7AA0] =	vst v7;
	v5 =	vmul.f32 v5, v10  }
0x108: {  	[tilespmem:s9+$0x7AB0] =	vst v6;
	v4 =	vmul.f32 v4, v8  }
0x109: {  	[tilespmem:s9+$0x7AC0] =	vst v5;
	v3 =	vmul.f32 v3, v9  }
0x10a: {  	[tilespmem:s9+$0x7AD0] =	vst v4;
	v2 =	vmul.f32 v2, v63  }
0x10b: {  	[tilespmem:s9+$0x7AE0] =	vst v3  }
0x10c: {  	[tilespmem:s9+$0x7AF0] =	vst v2  }
0x10d: {  	[spmem:s13] =	stream.indirect.scatter.add.f32 [tilespmem:s12], [sflag:$0x8], $0x80, s7, s30, $0xb8;
	[tilespmem:$0x1F400] =	vst v63  }
0x10e: {  	s28 =	simm.s32 $0x0;
	s9 =	simm.s32 $0x0  }
0x10f: {  	[spmem:s14] =	stream.indirect.scatter.add.f32 [tilespmem:s4], [sflag:$0xA], $0x8, s7, s30, $0xb8;
	[tilespmem:$0x1F400] =	vst v63  }
.LBB2_12:
0x110: {  	_ =	swait.ge [sflag:s17], $0x2800  }
0x111: {  	[sflag:s17] =	ssyncset.done $0x0  }
0x112: {  	[sflag:s17] =	ssyncadd.s32 $0xFFFFD800  }
0x113: {  	_ =	swait.ge [sflag:s19], $0x280  }
0x114: {  	[sflag:s19] =	ssyncset.done $0x0  }
0x115: {  	[sflag:s19] =	ssyncadd.s32 $0xFFFFFD80  }
0x116: {  	_ =	swait.ge [sflag:s29], $0xA0  }
0x117: {  	[sflag:s29] =	ssyncset.done $0x0  }
0x118: {  	[sflag:s29] =	ssyncadd.s32 $0xFFFFFF60  }
0x119: {  	v2 =	vld [tilespmem:$0x0]  }
0x11a: {  	v3 =	vld [tilespmem:$0x50]  }
0x11b: {  	v4 =	vld [tilespmem:$0x10]  }
0x11c: {  	v5 =	vld [tilespmem:$0x60]  }
0x11d: {  	v6 =	vld [tilespmem:$0x20]  }
0x11e: {  	[tilespmem:$0x140] =	vst v2;
	v2 =	vld [tilespmem:$0x70]  }
0x11f: {  	[tilespmem:$0x1E0] =	vst v3;
	v3 =	vld [tilespmem:$0x30]  }
0x120: {  	[tilespmem:$0x150] =	vst v4;
	v4 =	vld [tilespmem:$0x80]  }
0x121: {  	[tilespmem:$0x1F0] =	vst v5;
	v5 =	vld [tilespmem:$0x40]  }
0x122: {  	s18 =	sshll.u32 s28, $0x1;
	[tilespmem:$0x160] =	vst v6;
	v6 =	vld [tilespmem:$0x90]  }
0x123: {  	s22 =	sadd.s32 s21, s18;
	[tilespmem:$0x200] =	vst v2  }
0x124: {  	s18 =	sadd.s32 $0x1, s22;
	[tilespmem:$0x170] =	vst v3  }
0x125: {  	s24 =	smul.u32 $0x14, s18;
	[tilespmem:$0x210] =	vst v4  }
0x126: {  	[tilespmem:$0x180] =	vst v5  }
0x127: {  	s23 =	simm.s32 $0xA0;
	s24 =	sadd.s32 s10, s24;
	[tilespmem:$0x220] =	vst v6  }
0x128: {  	[tilespmem:s23], [sflag:$0x2] =	stream.linear.gather [hbm4b:s24+s9], $0xA0, $0x38;
	[tilespmem:$0x1F400] =	vst v63  }
0x129: {  	s18 =	smul.u32 $0x500, s18  }
0x12a: {  	[tilespmem:s25], [sflag:$0x5] =	stream.indirect.gather [hbm4b:s8+s30], $0x80, s16, s30, $0xb8;
	[tilespmem:$0x1F400] =	vst v63  }
0x12b: {  	s18 =	sadd.s32 s15, s18;
	s24 =	simm.s32 $0x2A80  }
0x12c: {  	[tilespmem:s24], [sflag:$0x4] =	stream.linear.gather [hbm4b:s18+s9], $0x2800, $0x38;
	[tilespmem:$0x1F400] =	vst v63  }
0x12d: {  	_ =	swait.ge [sflag:s0], $0x2800  }
0x12e: {  	[sflag:s0] =	ssyncset.done $0x0  }
0x12f: {  	[sflag:s0] =	ssyncadd.s32 $0xFFFFD800  }
0x130: {  	_ =	swait.ge [sflag:s2], $0x2800  }
0x131: {  	[sflag:s2] =	ssyncset.done $0x0  }
0x132: {  	s24 =	simm.s32 $0x0;
	[sflag:s2] =	ssyncadd.s32 $0xFFFFD800  }
0x133: {  	v9 =	vld [tilespmem:s24+$0x280]  }
0x134: {  	v13 =	vld [tilespmem:s24+$0x290]  }
0x135: {  	v7 =	vld [tilespmem:s24+$0x2A0]  }
0x136: {  	v6 =	vld [tilespmem:s24+$0x2B0]  }
0x137: {  	v5 =	vld [tilespmem:s24+$0x2C0]  }
0x138: {  	v4 =	vld [tilespmem:s24+$0x2D0]  }
0x139: {  	v3 =	vld [tilespmem:s24+$0x2E0]  }
0x13a: {  	v2 =	vld [tilespmem:s24+$0x2F0]  }
0x13b: {  	v14 =	vld [tilespmem:s24+$0x5280]  }
0x13c: {  	v15 =	vld [tilespmem:s24+$0x5290]  }
0x13d: {  	v12 =	vld [tilespmem:s24+$0x52A0]  }
0x13e: {  	v11 =	vld [tilespmem:s24+$0x52B0]  }
0x13f: {  	v10 =	vld [tilespmem:s24+$0x52C0]  }
0x140: {  	v8 =	vld [tilespmem:s24+$0x52D0];
	v14 =	vmul.f32 v9, v14  }
0x141: {  	s18 =	simm.s32 $0x200;
	v13 =	vmul.f32 v13, v15;
	v9 =	vld [tilespmem:s24+$0x52E0]  }
.LBB2_13:
0x142: {  	s23 =	sshra.s32 s18, $0x2;
	p1 =	sne.s32 s18, $0x9E00;
	[tilespmem:s24+$0x5280] =	vst v14;
	v7 =	vmul.f32 v7, v12;
	v12 =	vld [tilespmem:s24+$0x52F0]  }
0x143: {  	v14 =	vld [tilespmem:s23+$0x280];
	[tilespmem:s24+$0x5290] =	vst v13;
	v6 =	vmul.f32 v6, v11  }
0x144: {  	v13 =	vld [tilespmem:s23+$0x290];
	[tilespmem:s24+$0x52A0] =	vst v7;
	v5 =	vmul.f32 v5, v10  }
0x145: {  	v7 =	vld [tilespmem:s23+$0x2A0];
	[tilespmem:s24+$0x52B0] =	vst v6;
	v4 =	vmul.f32 v4, v8  }
0x146: {  	v6 =	vld [tilespmem:s23+$0x2B0];
	[tilespmem:s24+$0x52C0] =	vst v5;
	v3 =	vmul.f32 v3, v9  }
0x147: {  	v5 =	vld [tilespmem:s23+$0x2C0];
	[tilespmem:s24+$0x52D0] =	vst v4;
	v2 =	vmul.f32 v2, v12  }
0x148: {  	v4 =	vld [tilespmem:s23+$0x2D0];
	[tilespmem:s24+$0x52E0] =	vst v3  }
0x149: {  	v3 =	vld [tilespmem:s23+$0x2E0];
	[tilespmem:s24+$0x52F0] =	vst v2;
	s24 =	smov.u32 s23  }
0x14a: {  	v2 =	vld [tilespmem:s24+$0x2F0]  }
0x14b: {  	v8 =	vld [tilespmem:s24+$0x5280]  }
0x14c: {  	v9 =	vld [tilespmem:s24+$0x5290]  }
.Ltmp6:
0x14d: {  	v12 =	vld [tilespmem:s24+$0x52A0];
	(pc) =	sbr.rel @p1 .LBB2_13-.Ltmp6, $4  }
0x14e: {  	v11 =	vld [tilespmem:s24+$0x52B0]  }
0x14f: {  	v10 =	vld [tilespmem:s24+$0x52C0]  }
0x150: {  	v14 =	vmul.f32 v14, v8;
	v8 =	vld [tilespmem:s24+$0x52D0]  }
0x151: {  	s18 =	sadd.s32 $0x200, s18;
	v13 =	vmul.f32 v13, v9;
	v9 =	vld [tilespmem:s24+$0x52E0]  }
0x152: {  	[tilespmem:s24+$0x5280] =	vst v14;
	v7 =	vmul.f32 v7, v12;
	v12 =	vld [tilespmem:s24+$0x52F0]  }
0x153: {  	[tilespmem:s24+$0x5290] =	vst v13;
	v6 =	vmul.f32 v6, v11  }
0x154: {  	[tilespmem:s24+$0x52A0] =	vst v7;
	v5 =	vmul.f32 v5, v10  }
0x155: {  	[tilespmem:s24+$0x52B0] =	vst v6;
	v4 =	vmul.f32 v4, v8  }
0x156: {  	[tilespmem:s24+$0x52C0] =	vst v5;
	v3 =	vmul.f32 v3, v9  }
0x157: {  	[tilespmem:s24+$0x52D0] =	vst v4;
	v2 =	vmul.f32 v2, v12  }
0x158: {  	[tilespmem:s24+$0x52E0] =	vst v3  }
0x159: {  	[tilespmem:s24+$0x52F0] =	vst v2  }
0x15a: {  	[spmem:s13] =	stream.indirect.scatter.add.f32 [tilespmem:s25], [sflag:$0x7], $0x80, s3, s30, $0xb8;
	[tilespmem:$0x1F400] =	vst v63  }
0x15b: {  	_ = 	snop  }
0x15c: {  	[spmem:s14] =	stream.indirect.scatter.add.f32 [tilespmem:s4], [sflag:$0x9], $0x8, s3, s30, $0xb8;
	[tilespmem:$0x1F400] =	vst v63  }
0x15d: {  	_ =	swait.ge [sflag:s11], $0x2800  }
0x15e: {  	[sflag:s11] =	ssyncset.done $0x0  }
0x15f: {  	[sflag:s11] =	ssyncadd.s32 $0xFFFFD800  }
0x160: {  	_ =	swait.ge [sflag:s20], $0x280  }
0x161: {  	[sflag:s20] =	ssyncset.done $0x0  }
0x162: {  	[sflag:s20] =	ssyncadd.s32 $0xFFFFFD80  }
0x163: {  	_ =	swait.ge [sflag:s31], $0xA0  }
0x164: {  	[sflag:s31] =	ssyncset.done $0x0  }
0x165: {  	[sflag:s31] =	ssyncadd.s32 $0xFFFFFF60  }
0x166: {  	v2 =	vld [tilespmem:$0xA0]  }
0x167: {  	v3 =	vld [tilespmem:$0xF0]  }
0x168: {  	v4 =	vld [tilespmem:$0xB0]  }
0x169: {  	v5 =	vld [tilespmem:$0x100]  }
0x16a: {  	v6 =	vld [tilespmem:$0xC0]  }
0x16b: {  	[tilespmem:$0x190] =	vst v2;
	v2 =	vld [tilespmem:$0x110]  }
0x16c: {  	[tilespmem:$0x230] =	vst v3;
	v3 =	vld [tilespmem:$0xD0]  }
0x16d: {  	[tilespmem:$0x1A0] =	vst v4;
	v4 =	vld [tilespmem:$0x120]  }
0x16e: {  	[tilespmem:$0x240] =	vst v5;
	v5 =	vld [tilespmem:$0xE0]  }
0x16f: {  	[tilespmem:$0x1B0] =	vst v6;
	v6 =	vld [tilespmem:$0x130]  }
0x170: {  	[tilespmem:$0x250] =	vst v2  }
0x171: {  	s18 =	sadd.s32 $0x2, s22;
	[tilespmem:$0x1C0] =	vst v3  }
0x172: {  	s22 =	smul.u32 $0x14, s18;
	[tilespmem:$0x260] =	vst v4  }
0x173: {  	[tilespmem:$0x1D0] =	vst v5  }
0x174: {  	s23 =	simm.s32 $0x0;
	s22 =	sadd.s32 s10, s22;
	[tilespmem:$0x270] =	vst v6  }
0x175: {  	[tilespmem:s23], [sflag:$0x1] =	stream.linear.gather [hbm4b:s22+s23], $0xA0, $0x38;
	[tilespmem:$0x1F400] =	vst v63  }
0x176: {  	s18 =	smul.u32 $0x500, s18;
	s24 =	simm.s32 $0x190  }
0x177: {  	[tilespmem:s12], [sflag:$0x6] =	stream.indirect.gather [hbm4b:s8+s30], $0x80, s24, s30, $0xb8;
	[tilespmem:$0x1F400] =	vst v63  }
0x178: {  	s18 =	sadd.s32 s15, s18;
	s24 =	simm.s32 $0x280  }
0x179: {  	[tilespmem:s24], [sflag:$0x3] =	stream.linear.gather [hbm4b:s18+s23], $0x2800, $0x38;
	[tilespmem:$0x1F400] =	vst v63  }
0x17a: {  	_ =	swait.ge [sflag:s5], $0x2800  }
0x17b: {  	[sflag:s5] =	ssyncset.done $0x0  }
0x17c: {  	[sflag:s5] =	ssyncadd.s32 $0xFFFFD800  }
0x17d: {  	_ =	swait.ge [sflag:s6], $0x2800  }
0x17e: {  	[sflag:s6] =	ssyncset.done $0x0  }
0x17f: {  	s22 =	simm.s32 $0x0;
	[sflag:s6] =	ssyncadd.s32 $0xFFFFD800  }
0x180: {  	v9 =	vld [tilespmem:s22+$0x2A80]  }
0x181: {  	v13 =	vld [tilespmem:s22+$0x2A90]  }
0x182: {  	v7 =	vld [tilespmem:s22+$0x2AA0]  }
0x183: {  	v6 =	vld [tilespmem:s22+$0x2AB0]  }
0x184: {  	v5 =	vld [tilespmem:s22+$0x2AC0]  }
0x185: {  	v4 =	vld [tilespmem:s22+$0x2AD0]  }
0x186: {  	v3 =	vld [tilespmem:s22+$0x2AE0]  }
0x187: {  	v2 =	vld [tilespmem:s22+$0x2AF0]  }
0x188: {  	v14 =	vld [tilespmem:s22+$0x7A80]  }
0x189: {  	v15 =	vld [tilespmem:s22+$0x7A90]  }
0x18a: {  	v12 =	vld [tilespmem:s22+$0x7AA0]  }
0x18b: {  	v11 =	vld [tilespmem:s22+$0x7AB0]  }
0x18c: {  	v10 =	vld [tilespmem:s22+$0x7AC0]  }
0x18d: {  	v8 =	vld [tilespmem:s22+$0x7AD0];
	v14 =	vmul.f32 v9, v14  }
0x18e: {  	s18 =	simm.s32 $0x200;
	v13 =	vmul.f32 v13, v15;
	v9 =	vld [tilespmem:s22+$0x7AE0]  }
.LBB2_15:
0x18f: {  	s23 =	sshra.s32 s18, $0x2;
	p1 =	sne.s32 s18, $0x9E00;
	[tilespmem:s22+$0x7A80] =	vst v14;
	v7 =	vmul.f32 v7, v12;
	v12 =	vld [tilespmem:s22+$0x7AF0]  }
0x190: {  	v14 =	vld [tilespmem:s23+$0x2A80];
	[tilespmem:s22+$0x7A90] =	vst v13;
	v6 =	vmul.f32 v6, v11  }
0x191: {  	v13 =	vld [tilespmem:s23+$0x2A90];
	[tilespmem:s22+$0x7AA0] =	vst v7;
	v5 =	vmul.f32 v5, v10  }
0x192: {  	v7 =	vld [tilespmem:s23+$0x2AA0];
	[tilespmem:s22+$0x7AB0] =	vst v6;
	v4 =	vmul.f32 v4, v8  }
0x193: {  	v6 =	vld [tilespmem:s23+$0x2AB0];
	[tilespmem:s22+$0x7AC0] =	vst v5;
	v3 =	vmul.f32 v3, v9  }
0x194: {  	v5 =	vld [tilespmem:s23+$0x2AC0];
	[tilespmem:s22+$0x7AD0] =	vst v4;
	v2 =	vmul.f32 v2, v12  }
0x195: {  	v4 =	vld [tilespmem:s23+$0x2AD0];
	[tilespmem:s22+$0x7AE0] =	vst v3  }
0x196: {  	v3 =	vld [tilespmem:s23+$0x2AE0];
	[tilespmem:s22+$0x7AF0] =	vst v2;
	s22 =	smov.u32 s23  }
0x197: {  	v2 =	vld [tilespmem:s22+$0x2AF0]  }
0x198: {  	v8 =	vld [tilespmem:s22+$0x7A80]  }
0x199: {  	v9 =	vld [tilespmem:s22+$0x7A90]  }
.Ltmp7:
0x19a: {  	v12 =	vld [tilespmem:s22+$0x7AA0];
	(pc) =	sbr.rel @p1 .LBB2_15-.Ltmp7, $4  }
0x19b: {  	v11 =	vld [tilespmem:s22+$0x7AB0]  }
0x19c: {  	v10 =	vld [tilespmem:s22+$0x7AC0]  }
0x19d: {  	v14 =	vmul.f32 v14, v8;
	v8 =	vld [tilespmem:s22+$0x7AD0]  }
0x19e: {  	s18 =	sadd.s32 $0x200, s18;
	v13 =	vmul.f32 v13, v9;
	v9 =	vld [tilespmem:s22+$0x7AE0]  }
0x19f: {  	[tilespmem:s22+$0x7A80] =	vst v14;
	v7 =	vmul.f32 v7, v12;
	v63 =	vld [tilespmem:s22+$0x7AF0]  }
0x1a0: {  	[tilespmem:s22+$0x7A90] =	vst v13;
	v6 =	vmul.f32 v6, v11  }
0x1a1: {  	[tilespmem:s22+$0x7AA0] =	vst v7;
	v5 =	vmul.f32 v5, v10  }
0x1a2: {  	[tilespmem:s22+$0x7AB0] =	vst v6;
	v4 =	vmul.f32 v4, v8  }
0x1a3: {  	s28 =	sadd.s32 $0x1, s28;
	[tilespmem:s22+$0x7AC0] =	vst v5;
	v3 =	vmul.f32 v3, v9  }
0x1a4: {  	p1 =	sne.s32 s28, $0x3D;
	[tilespmem:s22+$0x7AD0] =	vst v4;
	v2 =	vmul.f32 v2, v63  }
.Ltmp8:
0x1a5: {  	[tilespmem:s22+$0x7AE0] =	vst v3;
	(pc) =	sbr.rel @p1 .LBB2_12-.Ltmp8, $4  }
0x1a6: {  	[tilespmem:s22+$0x7AF0] =	vst v2  }
0x1a7: {  	[spmem:s13] =	stream.indirect.scatter.add.f32 [tilespmem:s12], [sflag:$0x8], $0x80, s7, s30, $0xb8;
	[tilespmem:$0x1F400] =	vst v63  }
0x1a8: {  	_ = 	snop  }
0x1a9: {  	[spmem:s14] =	stream.indirect.scatter.add.f32 [tilespmem:s4], [sflag:$0xA], $0x8, s7, s30, $0xb8;
	[tilespmem:$0x1F400] =	vst v63  }
0x1aa: {  	_ =	swait.ge [sflag:s17], $0x2800  }
0x1ab: {  	[sflag:s17] =	ssyncset.done $0x0  }
0x1ac: {  	[sflag:s17] =	ssyncadd.s32 $0xFFFFD800  }
0x1ad: {  	_ =	swait.ge [sflag:s19], $0x280  }
0x1ae: {  	[sflag:s19] =	ssyncset.done $0x0  }
0x1af: {  	[sflag:s19] =	ssyncadd.s32 $0xFFFFFD80  }
0x1b0: {  	_ =	swait.ge [sflag:s29], $0xA0  }
0x1b1: {  	[sflag:s29] =	ssyncset.done $0x0  }
0x1b2: {  	[sflag:s29] =	ssyncadd.s32 $0xFFFFFF60  }
0x1b3: {  	v2 =	vld [tilespmem:$0x0]  }
0x1b4: {  	v3 =	vld [tilespmem:$0x50]  }
0x1b5: {  	v4 =	vld [tilespmem:$0x10]  }
0x1b6: {  	v5 =	vld [tilespmem:$0x60]  }
0x1b7: {  	v6 =	vld [tilespmem:$0x20]  }
0x1b8: {  	[tilespmem:$0x140] =	vst v2;
	v2 =	vld [tilespmem:$0x70]  }
0x1b9: {  	[tilespmem:$0x1E0] =	vst v3;
	v3 =	vld [tilespmem:$0x30]  }
0x1ba: {  	[tilespmem:$0x150] =	vst v4;
	v4 =	vld [tilespmem:$0x80]  }
0x1bb: {  	[tilespmem:$0x1F0] =	vst v5;
	v5 =	vld [tilespmem:$0x40]  }
0x1bc: {  	[tilespmem:$0x160] =	vst v6;
	v6 =	vld [tilespmem:$0x90]  }
0x1bd: {  	[tilespmem:$0x200] =	vst v2  }
0x1be: {  	[tilespmem:$0x170] =	vst v3  }
0x1bf: {  	[tilespmem:$0x210] =	vst v4  }
0x1c0: {  	[tilespmem:$0x180] =	vst v5  }
0x1c1: {  	[tilespmem:$0x220] =	vst v6  }
0x1c2: {  	[tilespmem:s25], [sflag:$0x5] =	stream.indirect.gather [hbm4b:s8+s30], $0x80, s16, s30, $0xb8;
	[tilespmem:$0x1F400] =	vst v63  }
0x1c3: {  	_ =	swait.ge [sflag:s0], $0x2800  }
0x1c4: {  	[sflag:s0] =	ssyncset.done $0x0  }
0x1c5: {  	[sflag:s0] =	ssyncadd.s32 $0xFFFFD800  }
0x1c6: {  	_ =	swait.ge [sflag:s2], $0x2800  }
0x1c7: {  	[sflag:s2] =	ssyncset.done $0x0  }
0x1c8: {  	s9 =	simm.s32 $0x0;
	[sflag:s2] =	ssyncadd.s32 $0xFFFFD800  }
0x1c9: {  	v9 =	vld [tilespmem:s9+$0x280]  }
0x1ca: {  	v13 =	vld [tilespmem:s9+$0x290]  }
0x1cb: {  	v7 =	vld [tilespmem:s9+$0x2A0]  }
0x1cc: {  	v6 =	vld [tilespmem:s9+$0x2B0]  }
0x1cd: {  	v5 =	vld [tilespmem:s9+$0x2C0]  }
0x1ce: {  	v4 =	vld [tilespmem:s9+$0x2D0]  }
0x1cf: {  	v3 =	vld [tilespmem:s9+$0x2E0]  }
0x1d0: {  	v2 =	vld [tilespmem:s9+$0x2F0]  }
0x1d1: {  	v14 =	vld [tilespmem:s9+$0x5280]  }
0x1d2: {  	v15 =	vld [tilespmem:s9+$0x5290]  }
0x1d3: {  	v12 =	vld [tilespmem:s9+$0x52A0]  }
0x1d4: {  	v11 =	vld [tilespmem:s9+$0x52B0]  }
0x1d5: {  	v10 =	vld [tilespmem:s9+$0x52C0]  }
0x1d6: {  	v8 =	vld [tilespmem:s9+$0x52D0];
	v14 =	vmul.f32 v9, v14  }
0x1d7: {  	s18 =	simm.s32 $0x200;
	v13 =	vmul.f32 v13, v15;
	v9 =	vld [tilespmem:s9+$0x52E0]  }
.LBB2_18:
0x1d8: {  	s22 =	sshra.s32 s18, $0x2;
	p1 =	sne.s32 s18, $0x9E00;
	[tilespmem:s9+$0x5280] =	vst v14;
	v7 =	vmul.f32 v7, v12;
	v12 =	vld [tilespmem:s9+$0x52F0]  }
0x1d9: {  	v14 =	vld [tilespmem:s22+$0x280];
	[tilespmem:s9+$0x5290] =	vst v13;
	v6 =	vmul.f32 v6, v11  }
0x1da: {  	v13 =	vld [tilespmem:s22+$0x290];
	[tilespmem:s9+$0x52A0] =	vst v7;
	v5 =	vmul.f32 v5, v10  }
0x1db: {  	v7 =	vld [tilespmem:s22+$0x2A0];
	[tilespmem:s9+$0x52B0] =	vst v6;
	v4 =	vmul.f32 v4, v8  }
0x1dc: {  	v6 =	vld [tilespmem:s22+$0x2B0];
	[tilespmem:s9+$0x52C0] =	vst v5;
	v3 =	vmul.f32 v3, v9  }
0x1dd: {  	v5 =	vld [tilespmem:s22+$0x2C0];
	[tilespmem:s9+$0x52D0] =	vst v4;
	v2 =	vmul.f32 v2, v12  }
0x1de: {  	v4 =	vld [tilespmem:s22+$0x2D0];
	[tilespmem:s9+$0x52E0] =	vst v3  }
0x1df: {  	v3 =	vld [tilespmem:s22+$0x2E0];
	[tilespmem:s9+$0x52F0] =	vst v2;
	s9 =	smov.u32 s22  }
0x1e0: {  	v2 =	vld [tilespmem:s9+$0x2F0]  }
0x1e1: {  	v8 =	vld [tilespmem:s9+$0x5280]  }
0x1e2: {  	v9 =	vld [tilespmem:s9+$0x5290]  }
.Ltmp9:
0x1e3: {  	v12 =	vld [tilespmem:s9+$0x52A0];
	(pc) =	sbr.rel @p1 .LBB2_18-.Ltmp9, $4  }
0x1e4: {  	v11 =	vld [tilespmem:s9+$0x52B0]  }
0x1e5: {  	v10 =	vld [tilespmem:s9+$0x52C0]  }
0x1e6: {  	v14 =	vmul.f32 v14, v8;
	v8 =	vld [tilespmem:s9+$0x52D0]  }
0x1e7: {  	s18 =	sadd.s32 $0x200, s18;
	v13 =	vmul.f32 v13, v9;
	v9 =	vld [tilespmem:s9+$0x52E0]  }
0x1e8: {  	[tilespmem:s9+$0x5280] =	vst v14;
	v7 =	vmul.f32 v7, v12;
	v63 =	vld [tilespmem:s9+$0x52F0]  }
0x1e9: {  	[tilespmem:s9+$0x5290] =	vst v13;
	v6 =	vmul.f32 v6, v11  }
0x1ea: {  	[tilespmem:s9+$0x52A0] =	vst v7;
	v5 =	vmul.f32 v5, v10  }
0x1eb: {  	[tilespmem:s9+$0x52B0] =	vst v6;
	v4 =	vmul.f32 v4, v8  }
0x1ec: {  	[tilespmem:s9+$0x52C0] =	vst v5;
	v3 =	vmul.f32 v3, v9  }
0x1ed: {  	[tilespmem:s9+$0x52D0] =	vst v4;
	v2 =	vmul.f32 v2, v63  }
0x1ee: {  	[tilespmem:s9+$0x52E0] =	vst v3  }
0x1ef: {  	[tilespmem:s9+$0x52F0] =	vst v2  }
0x1f0: {  	[spmem:s13] =	stream.indirect.scatter.add.f32 [tilespmem:s25], [sflag:$0x7], $0x80, s3, s30, $0xb8;
	[tilespmem:$0x1F400] =	vst v63  }
0x1f1: {  	_ = 	snop  }
0x1f2: {  	[spmem:s14] =	stream.indirect.scatter.add.f32 [tilespmem:s4], [sflag:$0x9], $0x8, s3, s30, $0xb8;
	[tilespmem:$0x1F400] =	vst v63  }
0x1f3: {  	_ =	swait.ge [sflag:s11], $0x2800  }
0x1f4: {  	[sflag:s11] =	ssyncset.done $0x0  }
0x1f5: {  	[sflag:s11] =	ssyncadd.s32 $0xFFFFD800  }
0x1f6: {  	_ =	swait.ge [sflag:s20], $0x280  }
0x1f7: {  	[sflag:s20] =	ssyncset.done $0x0  }
0x1f8: {  	[sflag:s20] =	ssyncadd.s32 $0xFFFFFD80  }
0x1f9: {  	_ =	swait.ge [sflag:s17], $0x2800  }
0x1fa: {  	[sflag:s17] =	ssyncset.done $0x0  }
0x1fb: {  	[sflag:s17] =	ssyncadd.s32 $0xFFFFD800  }
0x1fc: {  	_ =	swait.ge [sflag:s19], $0x280  }
0x1fd: {  	[sflag:s19] =	ssyncset.done $0x0  }
0x1fe: {  	[sflag:s19] =	ssyncadd.s32 $0xFFFFFD80  }
0x1ff: {  	[bflag:$0x0] =	sbarrier.arrive $0xFFFF  }
0x200: {  	s23 =	sld [smem:$0x7FD];
	_ =	sdelay $0x2  }
0x201: {  	[tilespmem:s25], [sflag:$0xB] =	stream.linear.gather [spmem:s23], $0x2800, $0x38;
	[tilespmem:$0x1F400] =	vst v63  }
0x202: {  	s28 =	rddreg [dreg:$0x12];
	_ =	swait.ge [sflag:s26], $0x2800  }
0x203: {  	s18 =	sld [smem:$0x7FA]  }
.Ltmp10:
0x204: {  	[sflag:s26] =	ssyncset.done $0x0;
	(pc) =	sbr.rel @p0 .LBB2_21-.Ltmp10, $4  }
0x205: {  	[sflag:s26] =	ssyncadd.s32 $0xFFFFD800  }
0x206: {  	[hbm4b:s18+s1] =	stream.linear.scatter [tilespmem:s25], [sflag:$0xB], $0x2800, $0x38;
	[tilespmem:$0x1F400] =	vst v63  }
0x207: {  	s24 =	simm.s32 $0xA500;
	_ =	swait.ge [sflag:s26], $0x2800  }
0x208: {  	s9 =	sadd.s32 $0xFFFFFFFF, s28;
	s22 =	smov.u32 s23;
	[sflag:s26] =	ssyncset.done $0x0  }
.LBB2_20:
0x209: {  	[sflag:s26] =	ssyncadd.s32 $0xFFFFD800;
	s18 =	sadd.s32 $0x5000, s18;
	s22 =	sadd.s32 $0x28000, s22  }
0x20a: {  	[tilespmem:s25], [sflag:$0xB] =	stream.linear.gather [spmem:s22], $0x2800, $0x38;
	[tilespmem:$0x1F400] =	vst v63  }
0x20b: {  	p0 =	seq.s32 s9, $0x1;
	s9 =	sadd.s32 $0xFFFFFFFF, s9;
	_ =	swait.ge [sflag:s26], $0x2800  }
.Ltmp11:
0x20c: {  	[sflag:s26] =	ssyncset.done $0x0;
	(pc) =	sbr.rel @!p0 .LBB2_20-.Ltmp11, $4  }
0x20d: {  	[sflag:s26] =	ssyncadd.s32 $0xFFFFD800  }
0x20e: {  	[hbm4b:s18+s1] =	stream.linear.scatter [tilespmem:s25], [sflag:$0xB], $0x2800, $0x38;
	[tilespmem:$0x1F400] =	vst v63  }
0x20f: {  	_ =	swait.ge [sflag:s26], $0x2800  }
0x210: {  	[sflag:s26] =	ssyncset.done $0x0  }
.LBB2_21:
0x211: {  	[sflag:s26] =	ssyncadd.s32 $0xFFFFD800;
	s9 =	rddreg [dreg:$0x13]  }
0x212: {  	[tilespmem:s24], [sflag:$0xB] =	stream.linear.gather [spmem:s9], $0x280, $0x38;
	[tilespmem:$0x1F400] =	vst v63  }
0x213: {  	s18 =	sld [smem:$0x7F5];
	_ =	swait.ge [sflag:s26], $0x280  }
0x214: {  	[sflag:s26] =	ssyncset.done $0x0  }
0x215: {  	s22 =	rddreg [dreg:$0x6];
	[sflag:s26] =	ssyncadd.s32 $0xFFFFFD80  }
0x216: {  	[hbm4b:s22+s1] =	stream.linear.scatter [tilespmem:s24], [sflag:$0xB], $0x280, $0x38;
	[tilespmem:$0x1F400] =	vst v63  }
0x217: {  	_ =	swait.ge [sflag:s26], $0x280  }
0x218: {  	[sflag:s26] =	ssyncset.done $0x0  }
0x219: {  	s22 =	rddreg [dreg:$0x1d];
	[sflag:s26] =	ssyncadd.s32 $0xFFFFFD80  }
0x21a: {  	[tilespmem:s24], [sflag:$0xB] =	stream.linear.gather [spmem:s22], $0x280, $0x38;
	[tilespmem:$0x1F400] =	vst v63  }
0x21b: {  	_ =	swait.ge [sflag:s26], $0x280  }
0x21c: {  	[sflag:s26] =	ssyncset.done $0x0  }
0x21d: {  	s22 =	rddreg [dreg:$0x7];
	[sflag:s26] =	ssyncadd.s32 $0xFFFFFD80  }
0x21e: {  	[hbm4b:s22+s1] =	stream.linear.scatter [tilespmem:s24], [sflag:$0xB], $0x280, $0x38;
	[tilespmem:$0x1F400] =	vst v63  }
0x21f: {  	_ =	swait.ge [sflag:s26], $0x280  }
0x220: {  	[sflag:s26] =	ssyncset.done $0x0  }
0x221: {  	s22 =	rddreg [dreg:$0x1e];
	[sflag:s26] =	ssyncadd.s32 $0xFFFFFD80  }
0x222: {  	[tilespmem:s24], [sflag:$0xB] =	stream.linear.gather [spmem:s22], $0x280, $0x38;
	[tilespmem:$0x1F400] =	vst v63  }
0x223: {  	_ =	swait.ge [sflag:s26], $0x280  }
0x224: {  	[sflag:s26] =	ssyncset.done $0x0  }
0x225: {  	s22 =	rddreg [dreg:$0x8];
	[sflag:s26] =	ssyncadd.s32 $0xFFFFFD80  }
0x226: {  	[hbm4b:s22+s1] =	stream.linear.scatter [tilespmem:s24], [sflag:$0xB], $0x280, $0x38;
	[tilespmem:$0x1F400] =	vst v63  }
0x227: {  	_ =	swait.ge [sflag:s26], $0x280  }
0x228: {  	[sflag:s26] =	ssyncset.done $0x0  }
0x229: {  	s22 =	rddreg [dreg:$0x1f];
	[sflag:s26] =	ssyncadd.s32 $0xFFFFFD80  }
0x22a: {  	[tilespmem:s24], [sflag:$0xB] =	stream.linear.gather [spmem:s22], $0x280, $0x38;
	[tilespmem:$0x1F400] =	vst v63  }
0x22b: {  	_ =	swait.ge [sflag:s26], $0x280  }
0x22c: {  	[sflag:s26] =	ssyncset.done $0x0  }
0x22d: {  	s22 =	rddreg [dreg:$0x9];
	[sflag:s26] =	ssyncadd.s32 $0xFFFFFD80  }
0x22e: {  	[hbm4b:s22+s1] =	stream.linear.scatter [tilespmem:s24], [sflag:$0xB], $0x280, $0x38;
	[tilespmem:$0x1F400] =	vst v63  }
0x22f: {  	_ =	swait.ge [sflag:s26], $0x280  }
0x230: {  	s22 =	sld [smem:$0x7F6]  }
0x231: {  	[sflag:s26] =	ssyncset.done $0x0  }
0x232: {  	[sflag:s26] =	ssyncadd.s32 $0xFFFFFD80  }
0x233: {  	[tilespmem:s24], [sflag:$0xB] =	stream.linear.gather [spmem:s22], $0x280, $0x38;
	[tilespmem:$0x1F400] =	vst v63  }
0x234: {  	_ =	swait.ge [sflag:s26], $0x280  }
0x235: {  	[sflag:s26] =	ssyncset.done $0x0  }
0x236: {  	s22 =	rddreg [dreg:$0xa];
	[sflag:s26] =	ssyncadd.s32 $0xFFFFFD80  }
0x237: {  	[hbm4b:s22+s1] =	stream.linear.scatter [tilespmem:s24], [sflag:$0xB], $0x280, $0x38;
	[tilespmem:$0x1F400] =	vst v63  }
0x238: {  	_ =	swait.ge [sflag:s26], $0x280  }
0x239: {  	s22 =	sld [smem:$0x7F7]  }
0x23a: {  	[sflag:s26] =	ssyncset.done $0x0  }
0x23b: {  	[sflag:s26] =	ssyncadd.s32 $0xFFFFFD80  }
0x23c: {  	[tilespmem:s24], [sflag:$0xB] =	stream.linear.gather [spmem:s22], $0x280, $0x38;
	[tilespmem:$0x1F400] =	vst v63  }
0x23d: {  	_ =	swait.ge [sflag:s26], $0x280  }
0x23e: {  	[sflag:s26] =	ssyncset.done $0x0  }
0x23f: {  	s22 =	rddreg [dreg:$0xb];
	[sflag:s26] =	ssyncadd.s32 $0xFFFFFD80  }
0x240: {  	[hbm4b:s22+s1] =	stream.linear.scatter [tilespmem:s24], [sflag:$0xB], $0x280, $0x38;
	[tilespmem:$0x1F400] =	vst v63  }
0x241: {  	_ =	swait.ge [sflag:s26], $0x280  }
0x242: {  	s22 =	sld [smem:$0x7F8]  }
0x243: {  	[sflag:s26] =	ssyncset.done $0x0  }
0x244: {  	[sflag:s26] =	ssyncadd.s32 $0xFFFFFD80  }
0x245: {  	[tilespmem:s24], [sflag:$0xB] =	stream.linear.gather [spmem:s22], $0x280, $0x38;
	[tilespmem:$0x1F400] =	vst v63  }
0x246: {  	_ =	swait.ge [sflag:s26], $0x280  }
0x247: {  	[sflag:s26] =	ssyncset.done $0x0  }
0x248: {  	s22 =	rddreg [dreg:$0xc];
	[sflag:s26] =	ssyncadd.s32 $0xFFFFFD80  }
0x249: {  	[hbm4b:s22+s1] =	stream.linear.scatter [tilespmem:s24], [sflag:$0xB], $0x280, $0x38;
	[tilespmem:$0x1F400] =	vst v63  }
0x24a: {  	_ =	swait.ge [sflag:s26], $0x280  }
0x24b: {  	s22 =	sld [smem:$0x7F9]  }
0x24c: {  	[sflag:s26] =	ssyncset.done $0x0  }
0x24d: {  	[sflag:s26] =	ssyncadd.s32 $0xFFFFFD80  }
0x24e: {  	[tilespmem:s24], [sflag:$0xB] =	stream.linear.gather [spmem:s22], $0x280, $0x38;
	[tilespmem:$0x1F400] =	vst v63  }
0x24f: {  	_ =	swait.ge [sflag:s26], $0x280  }
0x250: {  	[sflag:s26] =	ssyncset.done $0x0  }
0x251: {  	s22 =	rddreg [dreg:$0xd];
	[sflag:s26] =	ssyncadd.s32 $0xFFFFFD80  }
0x252: {  	[hbm4b:s22+s1] =	stream.linear.scatter [tilespmem:s24], [sflag:$0xB], $0x280, $0x38;
	[tilespmem:$0x1F400] =	vst v63  }
0x253: {  	_ =	swait.ge [sflag:s26], $0x280  }
0x254: {  	s18 =	sadd.s32 $0x1, s18;
	s22 =	rddreg [dreg:$0x14]  }
0x255: {  	p0 =	seq.s32 s18, s22  }
.Ltmp12:
0x256: {  	_ = 	snop;
	(pc) =	sbr.rel @!p0 .LBB2_1-.Ltmp12, $3  }
0x257: {  	_ =	sdelay $0x1  }
0x258: {  	[sflag:s26] =	ssyncset.done $0x0  }
0x259: {  	[sflag:s26] =	ssyncadd.s32 $0xFFFFFD80  }
0x25a: {  	_ =	sfence.sel $0x180000  }
0x25b: {  	[bflag:$0x0] =	sbarrier.arrive $0xFFFF  }
0x25c: {  	_ =	strace $0x90000047  }
0x25d: {  	s0 =	stileid.u32;
	[bflag:$0x2] =	sbarrier.arrive $0xFFFF  }
0x25e: {  	p0 =	sne.s32 s0, $0x0;
	s0 =	rddreg [dreg:$0x5]  }
0x25f: {  	s0 =	sadd.s32 @!p0 $0x100000, s0  }
0x260: {  	[sflag:s0] =	ssyncadd.tile.s32 @!p0 $0x1;
	_ =	shalt  }
.Lfunc_end2:
_tile_overlayer_lowered:
.L_overlay_start_2:
0x261: {  	(tag) =	ssettag $0x2  }
0x262: {  	s0 =	rddreg [dreg:$0x0];
	s2 =	stileid.u32  }
0x263: {  	s1 =	rddreg [dreg:$0x1];
	p0 =	sne.s32 s2, $0x0  }
0x264: {  	s3 =	rddreg [dreg:$0x2];
	[bflag:$0x3] =	sbarrier.arrive $0xFFFF;
	s2 =	simm.s32 @!p0 $0x1C0B  }
0x265: {  	[timem:s3], [sflag:s2] =	dma.local @!p0 [hbm:s0], s1  }
0x266: {  	s0 =	simm.s32 @!p0 $0xB  }
0x267: {  	_ =	swait.ge @!p0 [sflag:s0], s1  }
0x268: {  	s1 =	ssub.s32 @!p0 $0x0, s1;
	[sflag:s0] =	ssyncset.done @!p0 $0x0  }
0x269: {  	[sflag:s0] =	ssyncadd.s32 @!p0 s1  }
0x26a: {  	[bflag:$0x3] =	sbarrier.arrive $0xFFFF  }
0x26b: {  	_ =	shalt  }

</sc_bundles>
